<compile_context>
chip_gen: v7x
topology: tpu7x:2x2x1
jax: 0.10.2.dev20260603
libtpu: 0.0.44.dev20260713+nightly
codegen_flags: <defaults>
</compile_context>

<pallas_src>
import functools

import jax
import jax.numpy as jnp
from jax import lax
from jax.experimental import pallas as pl
from jax.experimental.pallas import tpu as pltpu
from jax.experimental.pallas import tpu_sc as plsc

N_NODES = 10000
N_EDGES = 320000
D_FEAT = 128
HID = 32
N_GRAPHS = 128
K_SORT = 30

NC = 2
NS = 16
NW = NC * NS
EW = 80
NWIN = N_EDGES // (NW * EW)

NPAD = 10240
NODE_WIN = 4
DP = 128
TRASH = N_GRAPHS * K_SORT
DENSE_PAD = 3968
NROWS = 10240

def _dot(a, b):
    return jnp.dot(a, b, preferred_element_type=jnp.float32)



def _sc_mesh():
    return plsc.VectorSubcoreMesh(core_axis_name="c", subcore_axis_name="s")


def _sc_deg(dst3, ones, zeros16):

    @functools.partial(
        pl.kernel,
        out_type=jax.ShapeDtypeStruct((NC, NROWS, DP), jnp.float32),
        mesh=_sc_mesh(),
        scratch_types=[
            pltpu.VMEM((NWIN, EW), jnp.int32),
            pltpu.VMEM((EW, DP), jnp.float32),
            pltpu.VMEM_SHARED((NROWS, DP), jnp.float32),
            pltpu.SemaphoreType.DMA,
        ],
    )
    def k(dst_hbm, ones_hbm, zeros_hbm, out_hbm, dst_v, ones_v, acc_sh, sem):
        cid = lax.axis_index("c")
        sid = lax.axis_index("s")
        wid = cid * NS + sid
        rows = NROWS // NS
        sl = pl.ds(sid * rows, rows)
        pltpu.async_copy(zeros_hbm.at[sl], acc_sh.at[sl], sem).wait()
        pltpu.async_copy(dst_hbm.at[wid], dst_v, sem).wait()
        pltpu.async_copy(ones_hbm, ones_v, sem).wait()
        plsc.subcore_barrier()

        @pl.loop(0, NWIN)
        def _(w):
            pltpu.sync_copy(ones_v, acc_sh.at[dst_v.at[w]], add=True)

        plsc.subcore_barrier()
        pltpu.async_copy(acc_sh.at[sl], out_hbm.at[cid, sl], sem).wait()

    return k(dst3, ones, zeros16)


def _sc_seg(g, src3, dst3, zeros):

    @functools.partial(
        pl.kernel,
        out_type=jax.ShapeDtypeStruct((NC, NROWS, DP), jnp.float32),
        mesh=_sc_mesh(),
        scratch_types=[
            pltpu.VMEM((NWIN, EW), jnp.int32),
            pltpu.VMEM((NWIN, EW), jnp.int32),
            pltpu.VMEM((EW, DP), jnp.float32),
            pltpu.VMEM_SHARED((NROWS, DP), jnp.float32),
            pltpu.SemaphoreType.DMA,
        ],
    )
    def k(g_hbm, src_hbm, dst_hbm, zeros_hbm, out_hbm, src_v, dst_v, rows_v, acc_sh, sem):
        cid = lax.axis_index("c")
        sid = lax.axis_index("s")
        wid = cid * NS + sid
        rows = NROWS // NS
        sl = pl.ds(sid * rows, rows)
        pltpu.async_copy(zeros_hbm.at[sl], acc_sh.at[sl], sem).wait()
        pltpu.async_copy(src_hbm.at[wid], src_v, sem).wait()
        pltpu.async_copy(dst_hbm.at[wid], dst_v, sem).wait()
        plsc.subcore_barrier()

        @pl.loop(0, NWIN)
        def _(w):
            pltpu.async_copy(g_hbm.at[src_v.at[w]], rows_v, sem).wait()
            pltpu.sync_copy(rows_v, acc_sh.at[dst_v.at[w]], add=True)

        plsc.subcore_barrier()
        pltpu.async_copy(acc_sh.at[sl], out_hbm.at[cid, sl], sem).wait()

    return k(g, src3, dst3, zeros)


def _sc_slot_scatter(featp, slots3, zeros_dense):

    @functools.partial(
        pl.kernel,
        out_type=jax.ShapeDtypeStruct((NC, TRASH, DP), jnp.float32),
        mesh=_sc_mesh(),
        scratch_types=[
            pltpu.VMEM((NODE_WIN, EW), jnp.int32),
            pltpu.VMEM((EW, DP), jnp.float32),
            pltpu.VMEM_SHARED((DENSE_PAD, DP), jnp.float32),
            pltpu.SemaphoreType.DMA,
        ],
    )
    def k(feat_hbm, slot_hbm, zeros_hbm, out_hbm, slot_v, rows_v, acc_sh, sem):
        cid = lax.axis_index("c")
        sid = lax.axis_index("s")
        wid = cid * NS + sid
        zrows = DENSE_PAD // NS
        zsl = pl.ds(sid * zrows, zrows)
        pltpu.async_copy(zeros_hbm.at[zsl], acc_sh.at[zsl], sem).wait()
        pltpu.async_copy(slot_hbm.at[wid], slot_v, sem).wait()
        plsc.subcore_barrier()
        base = wid * (NODE_WIN * EW)

        @pl.loop(0, NODE_WIN)
        def _(w):
            pltpu.async_copy(feat_hbm.at[pl.ds(base + w * EW, EW)], rows_v, sem).wait()
            pltpu.sync_copy(rows_v, acc_sh.at[slot_v.at[w]], add=True)

        plsc.subcore_barrier()
        orows = TRASH // NS
        osl = pl.ds(sid * orows, orows)
        pltpu.async_copy(acc_sh.at[osl], out_hbm.at[cid, osl], sem).wait()

    return k(featp, slots3, zeros_dense)



_R = 1000


def _tc_prep(deg_p, x, gw0p):

    def body(degp_ref, x_ref, w_ref, dinv_ref, g_ref):
        deg = degp_ref[0, :, 0:1] + degp_ref[1, :, 0:1] + 1.0
        dinv = 1.0 / jnp.sqrt(deg)
        dinv_ref[...] = dinv
        g_ref[...] = _dot(x_ref[...], w_ref[...]) * dinv

    return pl.pallas_call(
        body,
        grid=(N_NODES // _R,),
        in_specs=[
            pl.BlockSpec((2, _R, DP), lambda i: (0, i, 0)),
            pl.BlockSpec((_R, D_FEAT), lambda i: (i, 0)),
            pl.BlockSpec((D_FEAT, DP), lambda i: (0, 0)),
        ],
        out_specs=[
            pl.BlockSpec((_R, 1), lambda i: (i, 0)),
            pl.BlockSpec((_R, DP), lambda i: (i, 0)),
        ],
        out_shape=[
            jax.ShapeDtypeStruct((N_NODES, 1), jnp.float32),
            jax.ShapeDtypeStruct((N_NODES, DP), jnp.float32),
        ],
    )(deg_p, x, gw0p)


def _tc_layer(p, g, dinv, b, w):

    def body(p_ref, g_ref, dinv_ref, b_ref, w_ref, h_ref, gn_ref):
        dinv = dinv_ref[...]
        h = jnp.tanh(dinv * (p_ref[0] + p_ref[1] + g_ref[...]) + b_ref[...])
        h_ref[...] = h
        gn_ref[...] = _dot(h, w_ref[...]) * dinv

    return pl.pallas_call(
        body,
        grid=(N_NODES // _R,),
        in_specs=[
            pl.BlockSpec((2, _R, DP), lambda i: (0, i, 0)),
            pl.BlockSpec((_R, DP), lambda i: (i, 0)),
            pl.BlockSpec((_R, 1), lambda i: (i, 0)),
            pl.BlockSpec((1, DP), lambda i: (0, 0)),
            pl.BlockSpec((DP, DP), lambda i: (0, 0)),
        ],
        out_specs=[
            pl.BlockSpec((_R, DP), lambda i: (i, 0)),
            pl.BlockSpec((_R, DP), lambda i: (i, 0)),
        ],
        out_shape=[
            jax.ShapeDtypeStruct((N_NODES, DP), jnp.float32),
            jax.ShapeDtypeStruct((N_NODES, DP), jnp.float32),
        ],
    )(p, g, dinv, b, w)


def _tc_layer_last(p, g, dinv, b):

    def body(p_ref, g_ref, dinv_ref, b_ref, h_ref):
        dinv = dinv_ref[...]
        h_ref[...] = jnp.tanh(dinv * (p_ref[0] + p_ref[1] + g_ref[...]) + b_ref[...])

    return pl.pallas_call(
        body,
        grid=(N_NODES // _R,),
        in_specs=[
            pl.BlockSpec((2, _R, DP), lambda i: (0, i, 0)),
            pl.BlockSpec((_R, DP), lambda i: (i, 0)),
            pl.BlockSpec((_R, 1), lambda i: (i, 0)),
            pl.BlockSpec((1, DP), lambda i: (0, 0)),
        ],
        out_specs=pl.BlockSpec((_R, DP), lambda i: (i, 0)),
        out_shape=jax.ShapeDtypeStruct((N_NODES, DP), jnp.float32),
    )(p, g, dinv, b)


_BI = 512
_BJ = 2048


def _tc_slots(valc, valr, batc, batr):
    ni, nj = NPAD // _BI, NPAD // _BJ

    def body(vc_ref, vr_ref, bc_ref, br_ref, out_ref):
        i = pl.program_id(0)
        j = pl.program_id(1)

        @pl.when(j == 0)
        def _():
            out_ref[...] = jnp.zeros((_BI, 1), jnp.int32)

        bi = bc_ref[...]
        bj = br_ref[...]
        overlap = jnp.logical_and(jnp.max(bj) >= jnp.min(bi), jnp.min(bj) <= jnp.max(bi))

        @pl.when(overlap)
        def _():
            vi = vc_ref[...]
            vj = vr_ref[...]
            ii = i * _BI + lax.broadcasted_iota(jnp.int32, (_BI, 1), 0)
            jj = j * _BJ + lax.broadcasted_iota(jnp.int32, (1, _BJ), 1)
            beats = (vj > vi) | ((vj == vi) & (jj < ii))
            m = (bi == bj) & beats
            out_ref[...] += jnp.sum(m.astype(jnp.int32), axis=1, keepdims=True)

        @pl.when(j == nj - 1)
        def _():
            r = out_ref[...]
            keep = (r < K_SORT) & (bi < N_GRAPHS)
            out_ref[...] = jnp.where(keep, bi * K_SORT + r, TRASH)

    return pl.pallas_call(
        body,
        grid=(ni, nj),
        in_specs=[
            pl.BlockSpec((_BI, 1), lambda i, j: (i, 0)),
            pl.BlockSpec((1, _BJ), lambda i, j: (0, j)),
            pl.BlockSpec((_BI, 1), lambda i, j: (i, 0)),
            pl.BlockSpec((1, _BJ), lambda i, j: (0, j)),
        ],
        out_specs=pl.BlockSpec((_BI, 1), lambda i, j: (i, 0)),
        out_shape=jax.ShapeDtypeStruct((NPAD, 1), jnp.int32),
    )(valc, valr, batc, batr)


def _tc_readout(dense_p, c1mT, c1b, w2fT, c2b, mw1rT, mb1, mw2T, mb2):

    def body(dp_ref, c1_ref, c1b_ref, w2_ref, c2b_ref, m1_ref, m1b_ref, m2_ref, m2b_ref, out_ref):
        pooled = dp_ref[0] + dp_ref[1]
        a = pooled[:, 0:97]
        z1 = jax.nn.relu(_dot(a, c1_ref[...]) + c1b_ref[...])
        e = z1.reshape(N_GRAPHS * K_SORT // 2, 2, 16)
        zp = jnp.maximum(e[:, 0, :], e[:, 1, :])
        zp = zp.reshape(N_GRAPHS, K_SORT // 2, 16)
        outs = []
        for t in range(11):
            patch = jnp.concatenate([zp[:, t + dt, :] for dt in range(5)], axis=1)
            outs.append(jax.nn.relu(_dot(patch, w2_ref[...]) + c2b_ref[...]))
        flat = jnp.concatenate(outs, axis=1)
        z4 = jax.nn.relu(_dot(flat, m1_ref[...]) + m1b_ref[...])
        out_ref[...] = _dot(z4, m2_ref[...]) + m2b_ref[...]

    return pl.pallas_call(
        body,
        out_shape=jax.ShapeDtypeStruct((N_GRAPHS, 1), jnp.float32),
    )(dense_p, c1mT, c1b, w2fT, c2b, mw1rT, mb1, mw2T, mb2)



def kernel(x, edge_index, batch, gw0, gb0, gw1, gb1, gw2, gb2, gw3, gb3,
           c1w, c1b, c2w, c2b, mw1, mb1, mw2, mb2):
    src3 = edge_index[0].reshape(NW, NWIN, EW)
    dst3 = edge_index[1].reshape(NW, NWIN, EW)

    ones = jnp.ones((EW, DP), jnp.float32)
    zeros128 = jnp.zeros((NROWS, DP), jnp.float32)
    zeros_dense = jnp.zeros((DENSE_PAD, DP), jnp.float32)

    gw0p = jnp.pad(gw0, ((0, 0), (0, DP - HID)))
    gw1p = jnp.pad(gw1, ((0, DP - HID), (0, DP - HID)))
    gw2p = jnp.pad(gw2, ((0, DP - HID), (0, DP - HID)))
    gw3p = jnp.pad(gw3, ((0, DP - HID), (0, DP - 1)))
    gb0p = jnp.pad(gb0, (0, DP - HID)).reshape(1, DP)
    gb1p = jnp.pad(gb1, (0, DP - HID)).reshape(1, DP)
    gb2p = jnp.pad(gb2, (0, DP - HID)).reshape(1, DP)
    gb3p = jnp.pad(gb3, (0, DP - 1)).reshape(1, DP)

    deg_p = _sc_deg(dst3, ones, zeros128)
    dinv, g1 = _tc_prep(deg_p, x, gw0p)

    p1 = _sc_seg(g1, src3, dst3, zeros128)
    h1, g2 = _tc_layer(p1, g1, dinv, gb0p, gw1p)
    p2 = _sc_seg(g2, src3, dst3, zeros128)
    h2, g3 = _tc_layer(p2, g2, dinv, gb1p, gw2p)
    p3 = _sc_seg(g3, src3, dst3, zeros128)
    h3, g4 = _tc_layer(p3, g3, dinv, gb2p, gw3p)
    p4 = _sc_seg(g4, src3, dst3, zeros128)
    h4 = _tc_layer_last(p4, g4, dinv, gb3p)

    h4col = h4[:, 0:1]
    feat = jnp.concatenate([h1[:, :HID], h2[:, :HID], h3[:, :HID], h4col], axis=1)
    featp = jnp.pad(feat, ((0, NPAD - N_NODES), (0, DP - 97)))

    valp = jnp.pad(h4col[:, 0], (0, NPAD - N_NODES))
    batp = jnp.pad(batch, (0, NPAD - N_NODES), constant_values=N_GRAPHS)
    slots = _tc_slots(valp.reshape(NPAD, 1), valp.reshape(1, NPAD),
                      batp.reshape(NPAD, 1), batp.reshape(1, NPAD))
    slots3 = slots.reshape(NW, NODE_WIN, EW)

    dense_p = _sc_slot_scatter(featp, slots3, zeros_dense)

    c1mT = c1w[:, 0, :].T
    w2fT = c2w.transpose(0, 2, 1).reshape(32, 80).T
    mw1rT = mw1.reshape(128, 32, 11).transpose(0, 2, 1).reshape(128, 352).T
    return _tc_readout(dense_p, c1mT, c1b.reshape(1, 16), w2fT,
                       c2b.reshape(1, 32), mw1rT, mb1.reshape(1, 128),
                       mw2.T, mb2.reshape(1, 1))

# --- scband reference (transcript-rebuilt; emitter-appended) ---
"""Pipeline reference for scband-dgcnn-32315333935775 (READ-ONLY COPY).

The authoritative reference and input builder live on the scoring server;
editing this copy changes nothing except your own understanding.
"""

import jax, jax.numpy as jnp
import numpy as np

N_NODES = 10000
N_EDGES = 320000
D_FEAT = 128
HID = 32
N_GRAPHS = 128
K_SORT = 30
D_LAT = 3 * HID + 1

def _gcn(x, src, dst, W, b):
    n = x.shape[0]
    loop = jnp.arange(n, dtype=src.dtype)
    s = jnp.concatenate([src, loop])
    d = jnp.concatenate([dst, loop])
    deg = jnp.zeros((n,), x.dtype).at[d].add(1.0)
    dinv = jnp.where(deg > 0, 1.0 / jnp.sqrt(deg), 0.0)
    norm = dinv[s] * dinv[d]
    h = x @ W
    out = jnp.zeros((n, W.shape[1]), x.dtype).at[d].add(h[s] * norm[:, None])
    return out + b

def _sort_pool(feat, batch, num_graphs, k):
    n, dch = feat.shape
    counts = jnp.bincount(batch, length=num_graphs)
    starts = jnp.concatenate([jnp.zeros((1,), counts.dtype), jnp.cumsum(counts)[:-1]])
    fill = jnp.float32(-1e9)
    order = jnp.lexsort((-feat[:, -1], batch))
    rank = jnp.arange(n) - starts[batch[order]]
    dense = jnp.full((num_graphs, k, dch), fill, dtype=feat.dtype).at[batch[order], rank].set(feat[order], mode='drop')
    dense = jnp.where(dense <= fill * 0.5, 0.0, dense)
    return dense.reshape(num_graphs, k * dch)

def _forward(x, edge_index, batch, gw0, gb0, gw1, gb1, gw2, gb2, gw3, gb3, c1w, c1b, c2w, c2b, mw1, mb1, mw2, mb2):
    src, dst = edge_index[0], edge_index[1]
    h1 = jnp.tanh(_gcn(x, src, dst, gw0, gb0))
    h2 = jnp.tanh(_gcn(h1, src, dst, gw1, gb1))
    h3 = jnp.tanh(_gcn(h2, src, dst, gw2, gb2))
    h4 = jnp.tanh(_gcn(h3, src, dst, gw3, gb3))
    feat = jnp.concatenate([h1, h2, h3, h4], axis=-1)
    pooled = _sort_pool(feat, batch, N_GRAPHS, K_SORT)
    z = pooled.reshape(N_GRAPHS, K_SORT, D_LAT)
    z = jnp.einsum('bkd,od->bok', z, c1w[:, 0, :]) + c1b[None, :, None]
    z = jax.nn.relu(z)
    z = z.reshape(N_GRAPHS, 16, K_SORT // 2, 2).max(axis=-1)
    z = jax.lax.conv_general_dilated(z, c2w, (1,), 'VALID', dimension_numbers=('NCH', 'OIH', 'NCH')) + c2b[None, :, None]
    z = jax.nn.relu(z).reshape(N_GRAPHS, -1)
    z = jax.nn.relu(z @ mw1.T + mb1)
    return z @ mw2.T + mb2

def setup_inputs(seed: int = 0):
    key = jax.random.key(seed)
    ks = jax.random.split(key, 20)
    x = jax.random.normal(ks[0], (N_NODES, D_FEAT), dtype=jnp.float32)
    edge_index = jax.random.randint(ks[1], (2, N_EDGES), 0, N_NODES, dtype=jnp.int32)
    batch = jnp.sort(jax.random.randint(ks[2], (N_NODES,), 0, N_GRAPHS, dtype=jnp.int32))
    s = 0.1
    return {
        'x': x, 'edge_index': edge_index, 'batch': batch,
        'gw0': jax.random.normal(ks[3], (D_FEAT, HID), jnp.float32) * s,
        'gb0': jnp.zeros((HID,), jnp.float32),
        'gw1': jax.random.normal(ks[4], (HID, HID), jnp.float32) * s,
        'gb1': jnp.zeros((HID,), jnp.float32),
        'gw2': jax.random.normal(ks[5], (HID, HID), jnp.float32) * s,
        'gb2': jnp.zeros((HID,), jnp.float32),
        'gw3': jax.random.normal(ks[6], (HID, 1), jnp.float32) * s,
        'gb3': jnp.zeros((1,), jnp.float32),
        'c1w': jax.random.normal(ks[7], (16, 1, D_LAT), jnp.float32) * s,
        'c1b': jnp.zeros((16,), jnp.float32),
        'c2w': jax.random.normal(ks[8], (32, 16, 5), jnp.float32) * s,
        'c2b': jnp.zeros((32,), jnp.float32),
        'mw1': jax.random.normal(ks[9], (128, 352), jnp.float32) * s,
        'mb1': jnp.zeros((128,), jnp.float32),
        'mw2': jax.random.normal(ks[10], (1, 128), jnp.float32) * s,
        'mb2': jnp.zeros((1,), jnp.float32),
    }

def reference(x, edge_index, batch, gw0, gb0, gw1, gb1, gw2, gb2, gw3, gb3, c1w, c1b, c2w, c2b, mw1, mb1, mw2, mb2):
    return _forward(x, edge_index, batch, gw0, gb0, gw1, gb1, gw2, gb2, gw3, gb3, c1w, c1b, c2w, c2b, mw1, mb1, mw2, mb2)

if __name__ == "__main__":
    import jax
    _d = setup_inputs()
    print(jax.jit(kernel)(*tuple(_d.values())))

</pallas_src>

<mosaic_0001>
#map = affine_map<(d0, d1) -> (0, 0, 0)>
#map1 = affine_map<(d0, d1) -> (0, 0)>
module attributes {stable_mosaic.version = 14 : i64} {
  func.func @k(%arg0: i32, %arg1: i32, %arg2: memref<32x125x80xi32, #tpu.memory_space<hbm>>, %arg3: memref<80x128xf32, #tpu.memory_space<hbm>>, %arg4: memref<10240x128xf32, #tpu.memory_space<hbm>>, %arg5: memref<2x10240x128xf32, #tpu.memory_space<hbm>>, %arg6: memref<125x80xi32, #tpu.memory_space<vmem>>, %arg7: memref<80x128xf32, #tpu.memory_space<vmem>>, %arg8: memref<10240x128xf32, #tpu.memory_space<vmem_shared>>, %arg9: memref<!tpu.dma_semaphore, #tpu.memory_space<semaphore_mem>>) attributes {dimension_semantics = [#tpu.dimension_semantics<core_parallel>, #tpu.dimension_semantics<subcore_parallel>], iteration_bounds = array<i64: 2, 16>, scalar_prefetch = 0 : i64, scratch_operands = 4 : i64, tpu.core_type = #tpu.core_type<sc_vector_subcore>, window_params = [{transform_indices = #map}, {transform_indices = #map1}, {transform_indices = #map1}, {transform_indices = #map}]} {
    %mul3A = arith.constant 16 : i32
    %mul3A_0 = arith.muli %arg0, %mul3A : i32
    %add3A = arith.addi %mul3A_0, %arg1 : i32
    %mul3A_1 = arith.constant 640 : i32
    %mul3A_2 = arith.muli %arg1, %mul3A_1 : i32
    %dma_start3A = arith.constant 0 : i32
    %dma_start3A_3 = tpu.memref_slice %arg8[%mul3A_2, %dma_start3A] : memref<10240x128xf32, #tpu.memory_space<vmem_shared>> -> memref<640x128xf32, #tpu.memory_space<vmem_shared>>
    %dma_start3A_4 = arith.constant 0 : i32
    %dma_start3A_5 = tpu.memref_slice %arg4[%mul3A_2, %dma_start3A_4] : memref<10240x128xf32, #tpu.memory_space<hbm>> -> memref<640x128xf32, #tpu.memory_space<hbm>>
    tpu.enqueue_dma source(%dma_start3A_5 : memref<640x128xf32, #tpu.memory_space<hbm>>) target(%dma_start3A_3 : memref<640x128xf32, #tpu.memory_space<vmem_shared>>) target_semaphore(%arg9 : memref<!tpu.dma_semaphore, #tpu.memory_space<semaphore_mem>>)
    %dma_wait3A = arith.constant 0 : i32
    %dma_wait3A_6 = tpu.memref_slice %arg8[%mul3A_2, %dma_wait3A] : memref<10240x128xf32, #tpu.memory_space<vmem_shared>> -> memref<640x128xf32, #tpu.memory_space<vmem_shared>>
    %dma_wait3A_7 = arith.constant 0 : i32
    %dma_wait3A_8 = tpu.memref_slice %arg4[%mul3A_2, %dma_wait3A_7] : memref<10240x128xf32, #tpu.memory_space<hbm>> -> memref<640x128xf32, #tpu.memory_space<hbm>>
    tpu.wait_dma2 semaphore(%arg9 : memref<!tpu.dma_semaphore, #tpu.memory_space<semaphore_mem>>) src(%dma_wait3A_8 : memref<640x128xf32, #tpu.memory_space<hbm>>) dst(%dma_wait3A_6 : memref<640x128xf32, #tpu.memory_space<vmem_shared>>)
    %dma_start3A_9 = arith.constant 0 : i32
    %dma_start3A_10 = arith.constant 0 : i32
    %dma_start3A_11 = tpu.memref_slice %arg2[%add3A, %dma_start3A_9, %dma_start3A_10] : memref<32x125x80xi32, #tpu.memory_space<hbm>> -> memref<1x125x80xi32, #tpu.memory_space<hbm>>
    %dma_start3A_12 = tpu.memref_squeeze %dma_start3A_11 : memref<1x125x80xi32, #tpu.memory_space<hbm>> -> memref<125x80xi32, #tpu.memory_space<hbm>>
    %dma_start3A_13 = arith.constant 0 : i32
    %dma_start3A_14 = arith.constant 0 : i32
    %dma_start3A_15 = tpu.memref_slice %arg2[%add3A, %dma_start3A_13, %dma_start3A_14] : memref<32x125x80xi32, #tpu.memory_space<hbm>> -> memref<1x125x80xi32, #tpu.memory_space<hbm>>
    %dma_start3A_16 = tpu.memref_squeeze %dma_start3A_15 : memref<1x125x80xi32, #tpu.memory_space<hbm>> -> memref<125x80xi32, #tpu.memory_space<hbm>>
    tpu.enqueue_dma source(%dma_start3A_16 : memref<125x80xi32, #tpu.memory_space<hbm>>) target(%arg6 : memref<125x80xi32, #tpu.memory_space<vmem>>) target_semaphore(%arg9 : memref<!tpu.dma_semaphore, #tpu.memory_space<semaphore_mem>>)
    %dma_wait3A_17 = arith.constant 0 : i32
    %dma_wait3A_18 = arith.constant 0 : i32
    %dma_wait3A_19 = tpu.memref_slice %arg2[%add3A, %dma_wait3A_17, %dma_wait3A_18] : memref<32x125x80xi32, #tpu.memory_space<hbm>> -> memref<1x125x80xi32, #tpu.memory_space<hbm>>
    %dma_wait3A_20 = tpu.memref_squeeze %dma_wait3A_19 : memref<1x125x80xi32, #tpu.memory_space<hbm>> -> memref<125x80xi32, #tpu.memory_space<hbm>>
    %dma_wait3A_21 = arith.constant 0 : i32
    %dma_wait3A_22 = arith.constant 0 : i32
    %dma_wait3A_23 = tpu.memref_slice %arg2[%add3A, %dma_wait3A_21, %dma_wait3A_22] : memref<32x125x80xi32, #tpu.memory_space<hbm>> -> memref<1x125x80xi32, #tpu.memory_space<hbm>>
    %dma_wait3A_24 = tpu.memref_squeeze %dma_wait3A_23 : memref<1x125x80xi32, #tpu.memory_space<hbm>> -> memref<125x80xi32, #tpu.memory_space<hbm>>
    tpu.wait_dma2 semaphore(%arg9 : memref<!tpu.dma_semaphore, #tpu.memory_space<semaphore_mem>>) src(%dma_wait3A_24 : memref<125x80xi32, #tpu.memory_space<hbm>>) dst(%arg6 : memref<125x80xi32, #tpu.memory_space<vmem>>)
    tpu.enqueue_dma source(%arg3 : memref<80x128xf32, #tpu.memory_space<hbm>>) target(%arg7 : memref<80x128xf32, #tpu.memory_space<vmem>>) target_semaphore(%arg9 : memref<!tpu.dma_semaphore, #tpu.memory_space<semaphore_mem>>)
    tpu.wait_dma2 semaphore(%arg9 : memref<!tpu.dma_semaphore, #tpu.memory_space<semaphore_mem>>) src(%arg3 : memref<80x128xf32, #tpu.memory_space<hbm>>) dst(%arg7 : memref<80x128xf32, #tpu.memory_space<vmem>>)
    %barrier3A = arith.constant 0 : index
    tpu.barrier barrier_id(%barrier3A)
    %scan3A = arith.constant 0 : i32
    %scan3A_25 = arith.constant 125 : i32
    %scan3A_26 = arith.addi %scan3A, %scan3A_25 : i32
    %scan3A_27 = arith.constant 1 : i32
    scf.for %scan3A_40 = %scan3A to %scan3A_26 step %scan3A_27  : i32 {
      %mul3A_41 = arith.constant 1 : i32
      %mul3A_42 = arith.muli %scan3A_40, %mul3A_41 : i32
      %add3A_43 = arith.constant 0 : i32
      %add3A_44 = arith.addi %add3A_43, %mul3A_42 : i32
      "tpu.region"() ({
        %run_scoped3A = tpu.sem_alloc : memref<!tpu.dma_semaphore, #tpu.memory_space<semaphore_mem>>
        %dma_start3A_45 = arith.constant 0 : i32
        %dma_start3A_46 = tpu.memref_slice %arg6[%add3A_44, %dma_start3A_45] : memref<125x80xi32, #tpu.memory_space<vmem>> -> memref<1x80xi32, #tpu.memory_space<vmem>>
        %dma_start3A_47 = tpu.memref_squeeze %dma_start3A_46 : memref<1x80xi32, #tpu.memory_space<vmem>> -> memref<80xi32, #tpu.memory_space<vmem>>
        %dma_start3A_48 = arith.constant 0 : i32
        %dma_start3A_49 = arith.constant 0 : i32
        %dma_start3A_50 = tpu.memref_slice %arg8[%dma_start3A_48, %dma_start3A_49] : memref<10240x128xf32, #tpu.memory_space<vmem_shared>> -> memref<10240x128xf32, #tpu.memory_space<vmem_shared>>
        tpu.enqueue_indirect_dma source(%arg7 : memref<80x128xf32, #tpu.memory_space<vmem>>) target(%dma_start3A_50 : memref<10240x128xf32, #tpu.memory_space<vmem_shared>>) offsets(%dma_start3A_47 : memref<80xi32, #tpu.memory_space<vmem>>) semaphore(%run_scoped3A : memref<!tpu.dma_semaphore, #tpu.memory_space<semaphore_mem>>) {add = true}
        %dma_wait3A_51 = arith.constant 0 : i32
        %dma_wait3A_52 = tpu.memref_slice %arg6[%add3A_44, %dma_wait3A_51] : memref<125x80xi32, #tpu.memory_space<vmem>> -> memref<1x80xi32, #tpu.memory_space<vmem>>
        %dma_wait3A_53 = tpu.memref_squeeze %dma_wait3A_52 : memref<1x80xi32, #tpu.memory_space<vmem>> -> memref<80xi32, #tpu.memory_space<vmem>>
        %dma_wait3A_54 = arith.constant 0 : i32
        %dma_wait3A_55 = arith.constant 0 : i32
        %dma_wait3A_56 = tpu.memref_slice %arg8[%dma_wait3A_54, %dma_wait3A_55] : memref<10240x128xf32, #tpu.memory_space<vmem_shared>> -> memref<10240x128xf32, #tpu.memory_space<vmem_shared>>
        tpu.wait_indirect_dma semaphore(%run_scoped3A : memref<!tpu.dma_semaphore, #tpu.memory_space<semaphore_mem>>) src(%arg7 : memref<80x128xf32, #tpu.memory_space<vmem>>) dst(%dma_wait3A_56 : memref<10240x128xf32, #tpu.memory_space<vmem_shared>>)
        tpu.yield
      }) : () -> ()
    }
    %scan3A_28 = arith.constant 125 : i32
    %barrier3A_29 = arith.constant 0 : index
    tpu.barrier barrier_id(%barrier3A_29)
    %dma_start3A_30 = arith.constant 0 : i32
    %dma_start3A_31 = tpu.memref_slice %arg5[%arg0, %mul3A_2, %dma_start3A_30] : memref<2x10240x128xf32, #tpu.memory_space<hbm>> -> memref<1x640x128xf32, #tpu.memory_space<hbm>>
    %dma_start3A_32 = tpu.memref_squeeze %dma_start3A_31 : memref<1x640x128xf32, #tpu.memory_space<hbm>> -> memref<640x128xf32, #tpu.memory_space<hbm>>
    %dma_start3A_33 = arith.constant 0 : i32
    %dma_start3A_34 = tpu.memref_slice %arg8[%mul3A_2, %dma_start3A_33] : memref<10240x128xf32, #tpu.memory_space<vmem_shared>> -> memref<640x128xf32, #tpu.memory_space<vmem_shared>>
    tpu.enqueue_dma source(%dma_start3A_34 : memref<640x128xf32, #tpu.memory_space<vmem_shared>>) target(%dma_start3A_32 : memref<640x128xf32, #tpu.memory_space<hbm>>) target_semaphore(%arg9 : memref<!tpu.dma_semaphore, #tpu.memory_space<semaphore_mem>>)
    %dma_wait3A_35 = arith.constant 0 : i32
    %dma_wait3A_36 = tpu.memref_slice %arg5[%arg0, %mul3A_2, %dma_wait3A_35] : memref<2x10240x128xf32, #tpu.memory_space<hbm>> -> memref<1x640x128xf32, #tpu.memory_space<hbm>>
    %dma_wait3A_37 = tpu.memref_squeeze %dma_wait3A_36 : memref<1x640x128xf32, #tpu.memory_space<hbm>> -> memref<640x128xf32, #tpu.memory_space<hbm>>
    %dma_wait3A_38 = arith.constant 0 : i32
    %dma_wait3A_39 = tpu.memref_slice %arg8[%mul3A_2, %dma_wait3A_38] : memref<10240x128xf32, #tpu.memory_space<vmem_shared>> -> memref<640x128xf32, #tpu.memory_space<vmem_shared>>
    tpu.wait_dma2 semaphore(%arg9 : memref<!tpu.dma_semaphore, #tpu.memory_space<semaphore_mem>>) src(%dma_wait3A_39 : memref<640x128xf32, #tpu.memory_space<vmem_shared>>) dst(%dma_wait3A_37 : memref<640x128xf32, #tpu.memory_space<hbm>>)
    return
  }
}

#map = affine_map<(d0, d1) -> (0, 0)>
#map1 = affine_map<(d0, d1) -> (0, 0, 0)>
module attributes {stable_mosaic.version = 14 : i64} {
  func.func @k(%arg0: i32, %arg1: i32, %arg2: memref<10000x128xf32, #tpu.memory_space<hbm>>, %arg3: memref<32x125x80xi32, #tpu.memory_space<hbm>>, %arg4: memref<32x125x80xi32, #tpu.memory_space<hbm>>, %arg5: memref<10240x128xf32, #tpu.memory_space<hbm>>, %arg6: memref<2x10240x128xf32, #tpu.memory_space<hbm>>, %arg7: memref<125x80xi32, #tpu.memory_space<vmem>>, %arg8: memref<125x80xi32, #tpu.memory_space<vmem>>, %arg9: memref<80x128xf32, #tpu.memory_space<vmem>>, %arg10: memref<10240x128xf32, #tpu.memory_space<vmem_shared>>, %arg11: memref<!tpu.dma_semaphore, #tpu.memory_space<semaphore_mem>>) attributes {dimension_semantics = [#tpu.dimension_semantics<core_parallel>, #tpu.dimension_semantics<subcore_parallel>], iteration_bounds = array<i64: 2, 16>, scalar_prefetch = 0 : i64, scratch_operands = 5 : i64, tpu.core_type = #tpu.core_type<sc_vector_subcore>, window_params = [{transform_indices = #map}, {transform_indices = #map1}, {transform_indices = #map1}, {transform_indices = #map}, {transform_indices = #map1}]} {
    %mul3A = arith.constant 16 : i32
    %mul3A_0 = arith.muli %arg0, %mul3A : i32
    %add3A = arith.addi %mul3A_0, %arg1 : i32
    %mul3A_1 = arith.constant 640 : i32
    %mul3A_2 = arith.muli %arg1, %mul3A_1 : i32
    %dma_start3A = arith.constant 0 : i32
    %dma_start3A_3 = tpu.memref_slice %arg10[%mul3A_2, %dma_start3A] : memref<10240x128xf32, #tpu.memory_space<vmem_shared>> -> memref<640x128xf32, #tpu.memory_space<vmem_shared>>
    %dma_start3A_4 = arith.constant 0 : i32
    %dma_start3A_5 = tpu.memref_slice %arg5[%mul3A_2, %dma_start3A_4] : memref<10240x128xf32, #tpu.memory_space<hbm>> -> memref<640x128xf32, #tpu.memory_space<hbm>>
    tpu.enqueue_dma source(%dma_start3A_5 : memref<640x128xf32, #tpu.memory_space<hbm>>) target(%dma_start3A_3 : memref<640x128xf32, #tpu.memory_space<vmem_shared>>) target_semaphore(%arg11 : memref<!tpu.dma_semaphore, #tpu.memory_space<semaphore_mem>>)
    %dma_wait3A = arith.constant 0 : i32
    %dma_wait3A_6 = tpu.memref_slice %arg10[%mul3A_2, %dma_wait3A] : memref<10240x128xf32, #tpu.memory_space<vmem_shared>> -> memref<640x128xf32, #tpu.memory_space<vmem_shared>>
    %dma_wait3A_7 = arith.constant 0 : i32
    %dma_wait3A_8 = tpu.memref_slice %arg5[%mul3A_2, %dma_wait3A_7] : memref<10240x128xf32, #tpu.memory_space<hbm>> -> memref<640x128xf32, #tpu.memory_space<hbm>>
    tpu.wait_dma2 semaphore(%arg11 : memref<!tpu.dma_semaphore, #tpu.memory_space<semaphore_mem>>) src(%dma_wait3A_8 : memref<640x128xf32, #tpu.memory_space<hbm>>) dst(%dma_wait3A_6 : memref<640x128xf32, #tpu.memory_space<vmem_shared>>)
    %dma_start3A_9 = arith.constant 0 : i32
    %dma_start3A_10 = arith.constant 0 : i32
    %dma_start3A_11 = tpu.memref_slice %arg3[%add3A, %dma_start3A_9, %dma_start3A_10] : memref<32x125x80xi32, #tpu.memory_space<hbm>> -> memref<1x125x80xi32, #tpu.memory_space<hbm>>
    %dma_start3A_12 = tpu.memref_squeeze %dma_start3A_11 : memref<1x125x80xi32, #tpu.memory_space<hbm>> -> memref<125x80xi32, #tpu.memory_space<hbm>>
    %dma_start3A_13 = arith.constant 0 : i32
    %dma_start3A_14 = arith.constant 0 : i32
    %dma_start3A_15 = tpu.memref_slice %arg3[%add3A, %dma_start3A_13, %dma_start3A_14] : memref<32x125x80xi32, #tpu.memory_space<hbm>> -> memref<1x125x80xi32, #tpu.memory_space<hbm>>
    %dma_start3A_16 = tpu.memref_squeeze %dma_start3A_15 : memref<1x125x80xi32, #tpu.memory_space<hbm>> -> memref<125x80xi32, #tpu.memory_space<hbm>>
    tpu.enqueue_dma source(%dma_start3A_16 : memref<125x80xi32, #tpu.memory_space<hbm>>) target(%arg7 : memref<125x80xi32, #tpu.memory_space<vmem>>) target_semaphore(%arg11 : memref<!tpu.dma_semaphore, #tpu.memory_space<semaphore_mem>>)
    %dma_wait3A_17 = arith.constant 0 : i32
    %dma_wait3A_18 = arith.constant 0 : i32
    %dma_wait3A_19 = tpu.memref_slice %arg3[%add3A, %dma_wait3A_17, %dma_wait3A_18] : memref<32x125x80xi32, #tpu.memory_space<hbm>> -> memref<1x125x80xi32, #tpu.memory_space<hbm>>
    %dma_wait3A_20 = tpu.memref_squeeze %dma_wait3A_19 : memref<1x125x80xi32, #tpu.memory_space<hbm>> -> memref<125x80xi32, #tpu.memory_space<hbm>>
    %dma_wait3A_21 = arith.constant 0 : i32
    %dma_wait3A_22 = arith.constant 0 : i32
    %dma_wait3A_23 = tpu.memref_slice %arg3[%add3A, %dma_wait3A_21, %dma_wait3A_22] : memref<32x125x80xi32, #tpu.memory_space<hbm>> -> memref<1x125x80xi32, #tpu.memory_space<hbm>>
    %dma_wait3A_24 = tpu.memref_squeeze %dma_wait3A_23 : memref<1x125x80xi32, #tpu.memory_space<hbm>> -> memref<125x80xi32, #tpu.memory_space<hbm>>
    tpu.wait_dma2 semaphore(%arg11 : memref<!tpu.dma_semaphore, #tpu.memory_space<semaphore_mem>>) src(%dma_wait3A_24 : memref<125x80xi32, #tpu.memory_space<hbm>>) dst(%arg7 : memref<125x80xi32, #tpu.memory_space<vmem>>)
    %dma_start3A_25 = arith.constant 0 : i32
    %dma_start3A_26 = arith.constant 0 : i32
    %dma_start3A_27 = tpu.memref_slice %arg4[%add3A, %dma_start3A_25, %dma_start3A_26] : memref<32x125x80xi32, #tpu.memory_space<hbm>> -> memref<1x125x80xi32, #tpu.memory_space<hbm>>
    %dma_start3A_28 = tpu.memref_squeeze %dma_start3A_27 : memref<1x125x80xi32, #tpu.memory_space<hbm>> -> memref<125x80xi32, #tpu.memory_space<hbm>>
    %dma_start3A_29 = arith.constant 0 : i32
    %dma_start3A_30 = arith.constant 0 : i32
    %dma_start3A_31 = tpu.memref_slice %arg4[%add3A, %dma_start3A_29, %dma_start3A_30] : memref<32x125x80xi32, #tpu.memory_space<hbm>> -> memref<1x125x80xi32, #tpu.memory_space<hbm>>
    %dma_start3A_32 = tpu.memref_squeeze %dma_start3A_31 : memref<1x125x80xi32, #tpu.memory_space<hbm>> -> memref<125x80xi32, #tpu.memory_space<hbm>>
    tpu.enqueue_dma source(%dma_start3A_32 : memref<125x80xi32, #tpu.memory_space<hbm>>) target(%arg8 : memref<125x80xi32, #tpu.memory_space<vmem>>) target_semaphore(%arg11 : memref<!tpu.dma_semaphore, #tpu.memory_space<semaphore_mem>>)
    %dma_wait3A_33 = arith.constant 0 : i32
    %dma_wait3A_34 = arith.constant 0 : i32
    %dma_wait3A_35 = tpu.memref_slice %arg4[%add3A, %dma_wait3A_33, %dma_wait3A_34] : memref<32x125x80xi32, #tpu.memory_space<hbm>> -> memref<1x125x80xi32, #tpu.memory_space<hbm>>
    %dma_wait3A_36 = tpu.memref_squeeze %dma_wait3A_35 : memref<1x125x80xi32, #tpu.memory_space<hbm>> -> memref<125x80xi32, #tpu.memory_space<hbm>>
    %dma_wait3A_37 = arith.constant 0 : i32
    %dma_wait3A_38 = arith.constant 0 : i32
    %dma_wait3A_39 = tpu.memref_slice %arg4[%add3A, %dma_wait3A_37, %dma_wait3A_38] : memref<32x125x80xi32, #tpu.memory_space<hbm>> -> memref<1x125x80xi32, #tpu.memory_space<hbm>>
    %dma_wait3A_40 = tpu.memref_squeeze %dma_wait3A_39 : memref<1x125x80xi32, #tpu.memory_space<hbm>> -> memref<125x80xi32, #tpu.memory_space<hbm>>
    tpu.wait_dma2 semaphore(%arg11 : memref<!tpu.dma_semaphore, #tpu.memory_space<semaphore_mem>>) src(%dma_wait3A_40 : memref<125x80xi32, #tpu.memory_space<hbm>>) dst(%arg8 : memref<125x80xi32, #tpu.memory_space<vmem>>)
    %barrier3A = arith.constant 0 : index
    tpu.barrier barrier_id(%barrier3A)
    %scan3A = arith.constant 0 : i32
    %scan3A_41 = arith.constant 125 : i32
    %scan3A_42 = arith.addi %scan3A, %scan3A_41 : i32
    %scan3A_43 = arith.constant 1 : i32
    scf.for %scan3A_56 = %scan3A to %scan3A_42 step %scan3A_43  : i32 {
      %mul3A_57 = arith.constant 1 : i32
      %mul3A_58 = arith.muli %scan3A_56, %mul3A_57 : i32
      %add3A_59 = arith.constant 0 : i32
      %add3A_60 = arith.addi %add3A_59, %mul3A_58 : i32
      %dma_start3A_61 = arith.constant 0 : i32
      %dma_start3A_62 = tpu.memref_slice %arg7[%add3A_60, %dma_start3A_61] : memref<125x80xi32, #tpu.memory_space<vmem>> -> memref<1x80xi32, #tpu.memory_space<vmem>>
      %dma_start3A_63 = tpu.memref_squeeze %dma_start3A_62 : memref<1x80xi32, #tpu.memory_space<vmem>> -> memref<80xi32, #tpu.memory_space<vmem>>
      %dma_start3A_64 = arith.constant 0 : i32
      %dma_start3A_65 = arith.constant 0 : i32
      %dma_start3A_66 = tpu.memref_slice %arg2[%dma_start3A_64, %dma_start3A_65] : memref<10000x128xf32, #tpu.memory_space<hbm>> -> memref<10000x128xf32, #tpu.memory_space<hbm>>
      tpu.enqueue_indirect_dma source(%dma_start3A_66 : memref<10000x128xf32, #tpu.memory_space<hbm>>) target(%arg9 : memref<80x128xf32, #tpu.memory_space<vmem>>) offsets(%dma_start3A_63 : memref<80xi32, #tpu.memory_space<vmem>>) semaphore(%arg11 : memref<!tpu.dma_semaphore, #tpu.memory_space<semaphore_mem>>)
      %dma_wait3A_67 = arith.constant 0 : i32
      %dma_wait3A_68 = tpu.memref_slice %arg7[%add3A_60, %dma_wait3A_67] : memref<125x80xi32, #tpu.memory_space<vmem>> -> memref<1x80xi32, #tpu.memory_space<vmem>>
      %dma_wait3A_69 = tpu.memref_squeeze %dma_wait3A_68 : memref<1x80xi32, #tpu.memory_space<vmem>> -> memref<80xi32, #tpu.memory_space<vmem>>
      %dma_wait3A_70 = arith.constant 0 : i32
      %dma_wait3A_71 = arith.constant 0 : i32
      %dma_wait3A_72 = tpu.memref_slice %arg2[%dma_wait3A_70, %dma_wait3A_71] : memref<10000x128xf32, #tpu.memory_space<hbm>> -> memref<10000x128xf32, #tpu.memory_space<hbm>>
      tpu.wait_indirect_dma semaphore(%arg11 : memref<!tpu.dma_semaphore, #tpu.memory_space<semaphore_mem>>) src(%dma_wait3A_72 : memref<10000x128xf32, #tpu.memory_space<hbm>>) dst(%arg9 : memref<80x128xf32, #tpu.memory_space<vmem>>)
      "tpu.region"() ({
        %run_scoped3A = tpu.sem_alloc : memref<!tpu.dma_semaphore, #tpu.memory_space<semaphore_mem>>
        %dma_start3A_73 = arith.constant 0 : i32
        %dma_start3A_74 = tpu.memref_slice %arg8[%add3A_60, %dma_start3A_73] : memref<125x80xi32, #tpu.memory_space<vmem>> -> memref<1x80xi32, #tpu.memory_space<vmem>>
        %dma_start3A_75 = tpu.memref_squeeze %dma_start3A_74 : memref<1x80xi32, #tpu.memory_space<vmem>> -> memref<80xi32, #tpu.memory_space<vmem>>
        %dma_start3A_76 = arith.constant 0 : i32
        %dma_start3A_77 = arith.constant 0 : i32
        %dma_start3A_78 = tpu.memref_slice %arg10[%dma_start3A_76, %dma_start3A_77] : memref<10240x128xf32, #tpu.memory_space<vmem_shared>> -> memref<10240x128xf32, #tpu.memory_space<vmem_shared>>
        tpu.enqueue_indirect_dma source(%arg9 : memref<80x128xf32, #tpu.memory_space<vmem>>) target(%dma_start3A_78 : memref<10240x128xf32, #tpu.memory_space<vmem_shared>>) offsets(%dma_start3A_75 : memref<80xi32, #tpu.memory_space<vmem>>) semaphore(%run_scoped3A : memref<!tpu.dma_semaphore, #tpu.memory_space<semaphore_mem>>) {add = true}
        %dma_wait3A_79 = arith.constant 0 : i32
        %dma_wait3A_80 = tpu.memref_slice %arg8[%add3A_60, %dma_wait3A_79] : memref<125x80xi32, #tpu.memory_space<vmem>> -> memref<1x80xi32, #tpu.memory_space<vmem>>
        %dma_wait3A_81 = tpu.memref_squeeze %dma_wait3A_80 : memref<1x80xi32, #tpu.memory_space<vmem>> -> memref<80xi32, #tpu.memory_space<vmem>>
        %dma_wait3A_82 = arith.constant 0 : i32
        %dma_wait3A_83 = arith.constant 0 : i32
        %dma_wait3A_84 = tpu.memref_slice %arg10[%dma_wait3A_82, %dma_wait3A_83] : memref<10240x128xf32, #tpu.memory_space<vmem_shared>> -> memref<10240x128xf32, #tpu.memory_space<vmem_shared>>
        tpu.wait_indirect_dma semaphore(%run_scoped3A : memref<!tpu.dma_semaphore, #tpu.memory_space<semaphore_mem>>) src(%arg9 : memref<80x128xf32, #tpu.memory_space<vmem>>) dst(%dma_wait3A_84 : memref<10240x128xf32, #tpu.memory_space<vmem_shared>>)
        tpu.yield
      }) : () -> ()
    }
    %scan3A_44 = arith.constant 125 : i32
    %barrier3A_45 = arith.constant 0 : index
    tpu.barrier barrier_id(%barrier3A_45)
    %dma_start3A_46 = arith.constant 0 : i32
    %dma_start3A_47 = tpu.memref_slice %arg6[%arg0, %mul3A_2, %dma_start3A_46] : memref<2x10240x128xf32, #tpu.memory_space<hbm>> -> memref<1x640x128xf32, #tpu.memory_space<hbm>>
    %dma_start3A_48 = tpu.memref_squeeze %dma_start3A_47 : memref<1x640x128xf32, #tpu.memory_space<hbm>> -> memref<640x128xf32, #tpu.memory_space<hbm>>
    %dma_start3A_49 = arith.constant 0 : i32
    %dma_start3A_50 = tpu.memref_slice %arg10[%mul3A_2, %dma_start3A_49] : memref<10240x128xf32, #tpu.memory_space<vmem_shared>> -> memref<640x128xf32, #tpu.memory_space<vmem_shared>>
    tpu.enqueue_dma source(%dma_start3A_50 : memref<640x128xf32, #tpu.memory_space<vmem_shared>>) target(%dma_start3A_48 : memref<640x128xf32, #tpu.memory_space<hbm>>) target_semaphore(%arg11 : memref<!tpu.dma_semaphore, #tpu.memory_space<semaphore_mem>>)
    %dma_wait3A_51 = arith.constant 0 : i32
    %dma_wait3A_52 = tpu.memref_slice %arg6[%arg0, %mul3A_2, %dma_wait3A_51] : memref<2x10240x128xf32, #tpu.memory_space<hbm>> -> memref<1x640x128xf32, #tpu.memory_space<hbm>>
    %dma_wait3A_53 = tpu.memref_squeeze %dma_wait3A_52 : memref<1x640x128xf32, #tpu.memory_space<hbm>> -> memref<640x128xf32, #tpu.memory_space<hbm>>
    %dma_wait3A_54 = arith.constant 0 : i32
    %dma_wait3A_55 = tpu.memref_slice %arg10[%mul3A_2, %dma_wait3A_54] : memref<10240x128xf32, #tpu.memory_space<vmem_shared>> -> memref<640x128xf32, #tpu.memory_space<vmem_shared>>
    tpu.wait_dma2 semaphore(%arg11 : memref<!tpu.dma_semaphore, #tpu.memory_space<semaphore_mem>>) src(%dma_wait3A_55 : memref<640x128xf32, #tpu.memory_space<vmem_shared>>) dst(%dma_wait3A_53 : memref<640x128xf32, #tpu.memory_space<hbm>>)
    return
  }
}

#map = affine_map<(d0, d1) -> (0, 0)>
#map1 = affine_map<(d0, d1) -> (0, 0, 0)>
module attributes {stable_mosaic.version = 14 : i64} {
  func.func @k(%arg0: i32, %arg1: i32, %arg2: memref<10000x128xf32, #tpu.memory_space<hbm>>, %arg3: memref<32x125x80xi32, #tpu.memory_space<hbm>>, %arg4: memref<32x125x80xi32, #tpu.memory_space<hbm>>, %arg5: memref<10240x128xf32, #tpu.memory_space<hbm>>, %arg6: memref<2x10240x128xf32, #tpu.memory_space<hbm>>, %arg7: memref<125x80xi32, #tpu.memory_space<vmem>>, %arg8: memref<125x80xi32, #tpu.memory_space<vmem>>, %arg9: memref<80x128xf32, #tpu.memory_space<vmem>>, %arg10: memref<10240x128xf32, #tpu.memory_space<vmem_shared>>, %arg11: memref<!tpu.dma_semaphore, #tpu.memory_space<semaphore_mem>>) attributes {dimension_semantics = [#tpu.dimension_semantics<core_parallel>, #tpu.dimension_semantics<subcore_parallel>], iteration_bounds = array<i64: 2, 16>, scalar_prefetch = 0 : i64, scratch_operands = 5 : i64, tpu.core_type = #tpu.core_type<sc_vector_subcore>, window_params = [{transform_indices = #map}, {transform_indices = #map1}, {transform_indices = #map1}, {transform_indices = #map}, {transform_indices = #map1}]} {
    %mul3A = arith.constant 16 : i32
    %mul3A_0 = arith.muli %arg0, %mul3A : i32
    %add3A = arith.addi %mul3A_0, %arg1 : i32
    %mul3A_1 = arith.constant 640 : i32
    %mul3A_2 = arith.muli %arg1, %mul3A_1 : i32
    %dma_start3A = arith.constant 0 : i32
    %dma_start3A_3 = tpu.memref_slice %arg10[%mul3A_2, %dma_start3A] : memref<10240x128xf32, #tpu.memory_space<vmem_shared>> -> memref<640x128xf32, #tpu.memory_space<vmem_shared>>
    %dma_start3A_4 = arith.constant 0 : i32
    %dma_start3A_5 = tpu.memref_slice %arg5[%mul3A_2, %dma_start3A_4] : memref<10240x128xf32, #tpu.memory_space<hbm>> -> memref<640x128xf32, #tpu.memory_space<hbm>>
    tpu.enqueue_dma source(%dma_start3A_5 : memref<640x128xf32, #tpu.memory_space<hbm>>) target(%dma_start3A_3 : memref<640x128xf32, #tpu.memory_space<vmem_shared>>) target_semaphore(%arg11 : memref<!tpu.dma_semaphore, #tpu.memory_space<semaphore_mem>>)
    %dma_wait3A = arith.constant 0 : i32
    %dma_wait3A_6 = tpu.memref_slice %arg10[%mul3A_2, %dma_wait3A] : memref<10240x128xf32, #tpu.memory_space<vmem_shared>> -> memref<640x128xf32, #tpu.memory_space<vmem_shared>>
    %dma_wait3A_7 = arith.constant 0 : i32
    %dma_wait3A_8 = tpu.memref_slice %arg5[%mul3A_2, %dma_wait3A_7] : memref<10240x128xf32, #tpu.memory_space<hbm>> -> memref<640x128xf32, #tpu.memory_space<hbm>>
    tpu.wait_dma2 semaphore(%arg11 : memref<!tpu.dma_semaphore, #tpu.memory_space<semaphore_mem>>) src(%dma_wait3A_8 : memref<640x128xf32, #tpu.memory_space<hbm>>) dst(%dma_wait3A_6 : memref<640x128xf32, #tpu.memory_space<vmem_shared>>)
    %dma_start3A_9 = arith.constant 0 : i32
    %dma_start3A_10 = arith.constant 0 : i32
    %dma_start3A_11 = tpu.memref_slice %arg3[%add3A, %dma_start3A_9, %dma_start3A_10] : memref<32x125x80xi32, #tpu.memory_space<hbm>> -> memref<1x125x80xi32, #tpu.memory_space<hbm>>
    %dma_start3A_12 = tpu.memref_squeeze %dma_start3A_11 : memref<1x125x80xi32, #tpu.memory_space<hbm>> -> memref<125x80xi32, #tpu.memory_space<hbm>>
    %dma_start3A_13 = arith.constant 0 : i32
    %dma_start3A_14 = arith.constant 0 : i32
    %dma_start3A_15 = tpu.memref_slice %arg3[%add3A, %dma_start3A_13, %dma_start3A_14] : memref<32x125x80xi32, #tpu.memory_space<hbm>> -> memref<1x125x80xi32, #tpu.memory_space<hbm>>
    %dma_start3A_16 = tpu.memref_squeeze %dma_start3A_15 : memref<1x125x80xi32, #tpu.memory_space<hbm>> -> memref<125x80xi32, #tpu.memory_space<hbm>>
    tpu.enqueue_dma source(%dma_start3A_16 : memref<125x80xi32, #tpu.memory_space<hbm>>) target(%arg7 : memref<125x80xi32, #tpu.memory_space<vmem>>) target_semaphore(%arg11 : memref<!tpu.dma_semaphore, #tpu.memory_space<semaphore_mem>>)
    %dma_wait3A_17 = arith.constant 0 : i32
    %dma_wait3A_18 = arith.constant 0 : i32
    %dma_wait3A_19 = tpu.memref_slice %arg3[%add3A, %dma_wait3A_17, %dma_wait3A_18] : memref<32x125x80xi32, #tpu.memory_space<hbm>> -> memref<1x125x80xi32, #tpu.memory_space<hbm>>
    %dma_wait3A_20 = tpu.memref_squeeze %dma_wait3A_19 : memref<1x125x80xi32, #tpu.memory_space<hbm>> -> memref<125x80xi32, #tpu.memory_space<hbm>>
    %dma_wait3A_21 = arith.constant 0 : i32
    %dma_wait3A_22 = arith.constant 0 : i32
    %dma_wait3A_23 = tpu.memref_slice %arg3[%add3A, %dma_wait3A_21, %dma_wait3A_22] : memref<32x125x80xi32, #tpu.memory_space<hbm>> -> memref<1x125x80xi32, #tpu.memory_space<hbm>>
    %dma_wait3A_24 = tpu.memref_squeeze %dma_wait3A_23 : memref<1x125x80xi32, #tpu.memory_space<hbm>> -> memref<125x80xi32, #tpu.memory_space<hbm>>
    tpu.wait_dma2 semaphore(%arg11 : memref<!tpu.dma_semaphore, #tpu.memory_space<semaphore_mem>>) src(%dma_wait3A_24 : memref<125x80xi32, #tpu.memory_space<hbm>>) dst(%arg7 : memref<125x80xi32, #tpu.memory_space<vmem>>)
    %dma_start3A_25 = arith.constant 0 : i32
    %dma_start3A_26 = arith.constant 0 : i32
    %dma_start3A_27 = tpu.memref_slice %arg4[%add3A, %dma_start3A_25, %dma_start3A_26] : memref<32x125x80xi32, #tpu.memory_space<hbm>> -> memref<1x125x80xi32, #tpu.memory_space<hbm>>
    %dma_start3A_28 = tpu.memref_squeeze %dma_start3A_27 : memref<1x125x80xi32, #tpu.memory_space<hbm>> -> memref<125x80xi32, #tpu.memory_space<hbm>>
    %dma_start3A_29 = arith.constant 0 : i32
    %dma_start3A_30 = arith.constant 0 : i32
    %dma_start3A_31 = tpu.memref_slice %arg4[%add3A, %dma_start3A_29, %dma_start3A_30] : memref<32x125x80xi32, #tpu.memory_space<hbm>> -> memref<1x125x80xi32, #tpu.memory_space<hbm>>
    %dma_start3A_32 = tpu.memref_squeeze %dma_start3A_31 : memref<1x125x80xi32, #tpu.memory_space<hbm>> -> memref<125x80xi32, #tpu.memory_space<hbm>>
    tpu.enqueue_dma source(%dma_start3A_32 : memref<125x80xi32, #tpu.memory_space<hbm>>) target(%arg8 : memref<125x80xi32, #tpu.memory_space<vmem>>) target_semaphore(%arg11 : memref<!tpu.dma_semaphore, #tpu.memory_space<semaphore_mem>>)
    %dma_wait3A_33 = arith.constant 0 : i32
    %dma_wait3A_34 = arith.constant 0 : i32
    %dma_wait3A_35 = tpu.memref_slice %arg4[%add3A, %dma_wait3A_33, %dma_wait3A_34] : memref<32x125x80xi32, #tpu.memory_space<hbm>> -> memref<1x125x80xi32, #tpu.memory_space<hbm>>
    %dma_wait3A_36 = tpu.memref_squeeze %dma_wait3A_35 : memref<1x125x80xi32, #tpu.memory_space<hbm>> -> memref<125x80xi32, #tpu.memory_space<hbm>>
    %dma_wait3A_37 = arith.constant 0 : i32
    %dma_wait3A_38 = arith.constant 0 : i32
    %dma_wait3A_39 = tpu.memref_slice %arg4[%add3A, %dma_wait3A_37, %dma_wait3A_38] : memref<32x125x80xi32, #tpu.memory_space<hbm>> -> memref<1x125x80xi32, #tpu.memory_space<hbm>>
    %dma_wait3A_40 = tpu.memref_squeeze %dma_wait3A_39 : memref<1x125x80xi32, #tpu.memory_space<hbm>> -> memref<125x80xi32, #tpu.memory_space<hbm>>
    tpu.wait_dma2 semaphore(%arg11 : memref<!tpu.dma_semaphore, #tpu.memory_space<semaphore_mem>>) src(%dma_wait3A_40 : memref<125x80xi32, #tpu.memory_space<hbm>>) dst(%arg8 : memref<125x80xi32, #tpu.memory_space<vmem>>)
    %barrier3A = arith.constant 0 : index
    tpu.barrier barrier_id(%barrier3A)
    %scan3A = arith.constant 0 : i32
    %scan3A_41 = arith.constant 125 : i32
    %scan3A_42 = arith.addi %scan3A, %scan3A_41 : i32
    %scan3A_43 = arith.constant 1 : i32
    scf.for %scan3A_56 = %scan3A to %scan3A_42 step %scan3A_43  : i32 {
      %mul3A_57 = arith.constant 1 : i32
      %mul3A_58 = arith.muli %scan3A_56, %mul3A_57 : i32
      %add3A_59 = arith.constant 0 : i32
      %add3A_60 = arith.addi %add3A_59, %mul3A_58 : i32
      %dma_start3A_61 = arith.constant 0 : i32
      %dma_start3A_62 = tpu.memref_slice %arg7[%add3A_60, %dma_start3A_61] : memref<125x80xi32, #tpu.memory_space<vmem>> -> memref<1x80xi32, #tpu.memory_space<vmem>>
      %dma_start3A_63 = tpu.memref_squeeze %dma_start3A_62 : memref<1x80xi32, #tpu.memory_space<vmem>> -> memref<80xi32, #tpu.memory_space<vmem>>
      %dma_start3A_64 = arith.constant 0 : i32
      %dma_start3A_65 = arith.constant 0 : i32
      %dma_start3A_66 = tpu.memref_slice %arg2[%dma_start3A_64, %dma_start3A_65] : memref<10000x128xf32, #tpu.memory_space<hbm>> -> memref<10000x128xf32, #tpu.memory_space<hbm>>
      tpu.enqueue_indirect_dma source(%dma_start3A_66 : memref<10000x128xf32, #tpu.memory_space<hbm>>) target(%arg9 : memref<80x128xf32, #tpu.memory_space<vmem>>) offsets(%dma_start3A_63 : memref<80xi32, #tpu.memory_space<vmem>>) semaphore(%arg11 : memref<!tpu.dma_semaphore, #tpu.memory_space<semaphore_mem>>)
      %dma_wait3A_67 = arith.constant 0 : i32
      %dma_wait3A_68 = tpu.memref_slice %arg7[%add3A_60, %dma_wait3A_67] : memref<125x80xi32, #tpu.memory_space<vmem>> -> memref<1x80xi32, #tpu.memory_space<vmem>>
      %dma_wait3A_69 = tpu.memref_squeeze %dma_wait3A_68 : memref<1x80xi32, #tpu.memory_space<vmem>> -> memref<80xi32, #tpu.memory_space<vmem>>
      %dma_wait3A_70 = arith.constant 0 : i32
      %dma_wait3A_71 = arith.constant 0 : i32
      %dma_wait3A_72 = tpu.memref_slice %arg2[%dma_wait3A_70, %dma_wait3A_71] : memref<10000x128xf32, #tpu.memory_space<hbm>> -> memref<10000x128xf32, #tpu.memory_space<hbm>>
      tpu.wait_indirect_dma semaphore(%arg11 : memref<!tpu.dma_semaphore, #tpu.memory_space<semaphore_mem>>) src(%dma_wait3A_72 : memref<10000x128xf32, #tpu.memory_space<hbm>>) dst(%arg9 : memref<80x128xf32, #tpu.memory_space<vmem>>)
      "tpu.region"() ({
        %run_scoped3A = tpu.sem_alloc : memref<!tpu.dma_semaphore, #tpu.memory_space<semaphore_mem>>
        %dma_start3A_73 = arith.constant 0 : i32
        %dma_start3A_74 = tpu.memref_slice %arg8[%add3A_60, %dma_start3A_73] : memref<125x80xi32, #tpu.memory_space<vmem>> -> memref<1x80xi32, #tpu.memory_space<vmem>>
        %dma_start3A_75 = tpu.memref_squeeze %dma_start3A_74 : memref<1x80xi32, #tpu.memory_space<vmem>> -> memref<80xi32, #tpu.memory_space<vmem>>
        %dma_start3A_76 = arith.constant 0 : i32
        %dma_start3A_77 = arith.constant 0 : i32
        %dma_start3A_78 = tpu.memref_slice %arg10[%dma_start3A_76, %dma_start3A_77] : memref<10240x128xf32, #tpu.memory_space<vmem_shared>> -> memref<10240x128xf32, #tpu.memory_space<vmem_shared>>
        tpu.enqueue_indirect_dma source(%arg9 : memref<80x128xf32, #tpu.memory_space<vmem>>) target(%dma_start3A_78 : memref<10240x128xf32, #tpu.memory_space<vmem_shared>>) offsets(%dma_start3A_75 : memref<80xi32, #tpu.memory_space<vmem>>) semaphore(%run_scoped3A : memref<!tpu.dma_semaphore, #tpu.memory_space<semaphore_mem>>) {add = true}
        %dma_wait3A_79 = arith.constant 0 : i32
        %dma_wait3A_80 = tpu.memref_slice %arg8[%add3A_60, %dma_wait3A_79] : memref<125x80xi32, #tpu.memory_space<vmem>> -> memref<1x80xi32, #tpu.memory_space<vmem>>
        %dma_wait3A_81 = tpu.memref_squeeze %dma_wait3A_80 : memref<1x80xi32, #tpu.memory_space<vmem>> -> memref<80xi32, #tpu.memory_space<vmem>>
        %dma_wait3A_82 = arith.constant 0 : i32
        %dma_wait3A_83 = arith.constant 0 : i32
        %dma_wait3A_84 = tpu.memref_slice %arg10[%dma_wait3A_82, %dma_wait3A_83] : memref<10240x128xf32, #tpu.memory_space<vmem_shared>> -> memref<10240x128xf32, #tpu.memory_space<vmem_shared>>
        tpu.wait_indirect_dma semaphore(%run_scoped3A : memref<!tpu.dma_semaphore, #tpu.memory_space<semaphore_mem>>) src(%arg9 : memref<80x128xf32, #tpu.memory_space<vmem>>) dst(%dma_wait3A_84 : memref<10240x128xf32, #tpu.memory_space<vmem_shared>>)
        tpu.yield
      }) : () -> ()
    }
    %scan3A_44 = arith.constant 125 : i32
    %barrier3A_45 = arith.constant 0 : index
    tpu.barrier barrier_id(%barrier3A_45)
    %dma_start3A_46 = arith.constant 0 : i32
    %dma_start3A_47 = tpu.memref_slice %arg6[%arg0, %mul3A_2, %dma_start3A_46] : memref<2x10240x128xf32, #tpu.memory_space<hbm>> -> memref<1x640x128xf32, #tpu.memory_space<hbm>>
    %dma_start3A_48 = tpu.memref_squeeze %dma_start3A_47 : memref<1x640x128xf32, #tpu.memory_space<hbm>> -> memref<640x128xf32, #tpu.memory_space<hbm>>
    %dma_start3A_49 = arith.constant 0 : i32
    %dma_start3A_50 = tpu.memref_slice %arg10[%mul3A_2, %dma_start3A_49] : memref<10240x128xf32, #tpu.memory_space<vmem_shared>> -> memref<640x128xf32, #tpu.memory_space<vmem_shared>>
    tpu.enqueue_dma source(%dma_start3A_50 : memref<640x128xf32, #tpu.memory_space<vmem_shared>>) target(%dma_start3A_48 : memref<640x128xf32, #tpu.memory_space<hbm>>) target_semaphore(%arg11 : memref<!tpu.dma_semaphore, #tpu.memory_space<semaphore_mem>>)
    %dma_wait3A_51 = arith.constant 0 : i32
    %dma_wait3A_52 = tpu.memref_slice %arg6[%arg0, %mul3A_2, %dma_wait3A_51] : memref<2x10240x128xf32, #tpu.memory_space<hbm>> -> memref<1x640x128xf32, #tpu.memory_space<hbm>>
    %dma_wait3A_53 = tpu.memref_squeeze %dma_wait3A_52 : memref<1x640x128xf32, #tpu.memory_space<hbm>> -> memref<640x128xf32, #tpu.memory_space<hbm>>
    %dma_wait3A_54 = arith.constant 0 : i32
    %dma_wait3A_55 = tpu.memref_slice %arg10[%mul3A_2, %dma_wait3A_54] : memref<10240x128xf32, #tpu.memory_space<vmem_shared>> -> memref<640x128xf32, #tpu.memory_space<vmem_shared>>
    tpu.wait_dma2 semaphore(%arg11 : memref<!tpu.dma_semaphore, #tpu.memory_space<semaphore_mem>>) src(%dma_wait3A_55 : memref<640x128xf32, #tpu.memory_space<vmem_shared>>) dst(%dma_wait3A_53 : memref<640x128xf32, #tpu.memory_space<hbm>>)
    return
  }
}

#map = affine_map<(d0, d1) -> (0, 0)>
#map1 = affine_map<(d0, d1) -> (0, 0, 0)>
module attributes {stable_mosaic.version = 14 : i64} {
  func.func @k(%arg0: i32, %arg1: i32, %arg2: memref<10000x128xf32, #tpu.memory_space<hbm>>, %arg3: memref<32x125x80xi32, #tpu.memory_space<hbm>>, %arg4: memref<32x125x80xi32, #tpu.memory_space<hbm>>, %arg5: memref<10240x128xf32, #tpu.memory_space<hbm>>, %arg6: memref<2x10240x128xf32, #tpu.memory_space<hbm>>, %arg7: memref<125x80xi32, #tpu.memory_space<vmem>>, %arg8: memref<125x80xi32, #tpu.memory_space<vmem>>, %arg9: memref<80x128xf32, #tpu.memory_space<vmem>>, %arg10: memref<10240x128xf32, #tpu.memory_space<vmem_shared>>, %arg11: memref<!tpu.dma_semaphore, #tpu.memory_space<semaphore_mem>>) attributes {dimension_semantics = [#tpu.dimension_semantics<core_parallel>, #tpu.dimension_semantics<subcore_parallel>], iteration_bounds = array<i64: 2, 16>, scalar_prefetch = 0 : i64, scratch_operands = 5 : i64, tpu.core_type = #tpu.core_type<sc_vector_subcore>, window_params = [{transform_indices = #map}, {transform_indices = #map1}, {transform_indices = #map1}, {transform_indices = #map}, {transform_indices = #map1}]} {
    %mul3A = arith.constant 16 : i32
    %mul3A_0 = arith.muli %arg0, %mul3A : i32
    %add3A = arith.addi %mul3A_0, %arg1 : i32
    %mul3A_1 = arith.constant 640 : i32
    %mul3A_2 = arith.muli %arg1, %mul3A_1 : i32
    %dma_start3A = arith.constant 0 : i32
    %dma_start3A_3 = tpu.memref_slice %arg10[%mul3A_2, %dma_start3A] : memref<10240x128xf32, #tpu.memory_space<vmem_shared>> -> memref<640x128xf32, #tpu.memory_space<vmem_shared>>
    %dma_start3A_4 = arith.constant 0 : i32
    %dma_start3A_5 = tpu.memref_slice %arg5[%mul3A_2, %dma_start3A_4] : memref<10240x128xf32, #tpu.memory_space<hbm>> -> memref<640x128xf32, #tpu.memory_space<hbm>>
    tpu.enqueue_dma source(%dma_start3A_5 : memref<640x128xf32, #tpu.memory_space<hbm>>) target(%dma_start3A_3 : memref<640x128xf32, #tpu.memory_space<vmem_shared>>) target_semaphore(%arg11 : memref<!tpu.dma_semaphore, #tpu.memory_space<semaphore_mem>>)
    %dma_wait3A = arith.constant 0 : i32
    %dma_wait3A_6 = tpu.memref_slice %arg10[%mul3A_2, %dma_wait3A] : memref<10240x128xf32, #tpu.memory_space<vmem_shared>> -> memref<640x128xf32, #tpu.memory_space<vmem_shared>>
    %dma_wait3A_7 = arith.constant 0 : i32
    %dma_wait3A_8 = tpu.memref_slice %arg5[%mul3A_2, %dma_wait3A_7] : memref<10240x128xf32, #tpu.memory_space<hbm>> -> memref<640x128xf32, #tpu.memory_space<hbm>>
    tpu.wait_dma2 semaphore(%arg11 : memref<!tpu.dma_semaphore, #tpu.memory_space<semaphore_mem>>) src(%dma_wait3A_8 : memref<640x128xf32, #tpu.memory_space<hbm>>) dst(%dma_wait3A_6 : memref<640x128xf32, #tpu.memory_space<vmem_shared>>)
    %dma_start3A_9 = arith.constant 0 : i32
    %dma_start3A_10 = arith.constant 0 : i32
    %dma_start3A_11 = tpu.memref_slice %arg3[%add3A, %dma_start3A_9, %dma_start3A_10] : memref<32x125x80xi32, #tpu.memory_space<hbm>> -> memref<1x125x80xi32, #tpu.memory_space<hbm>>
    %dma_start3A_12 = tpu.memref_squeeze %dma_start3A_11 : memref<1x125x80xi32, #tpu.memory_space<hbm>> -> memref<125x80xi32, #tpu.memory_space<hbm>>
    %dma_start3A_13 = arith.constant 0 : i32
    %dma_start3A_14 = arith.constant 0 : i32
    %dma_start3A_15 = tpu.memref_slice %arg3[%add3A, %dma_start3A_13, %dma_start3A_14] : memref<32x125x80xi32, #tpu.memory_space<hbm>> -> memref<1x125x80xi32, #tpu.memory_space<hbm>>
    %dma_start3A_16 = tpu.memref_squeeze %dma_start3A_15 : memref<1x125x80xi32, #tpu.memory_space<hbm>> -> memref<125x80xi32, #tpu.memory_space<hbm>>
    tpu.enqueue_dma source(%dma_start3A_16 : memref<125x80xi32, #tpu.memory_space<hbm>>) target(%arg7 : memref<125x80xi32, #tpu.memory_space<vmem>>) target_semaphore(%arg11 : memref<!tpu.dma_semaphore, #tpu.memory_space<semaphore_mem>>)
    %dma_wait3A_17 = arith.constant 0 : i32
    %dma_wait3A_18 = arith.constant 0 : i32
    %dma_wait3A_19 = tpu.memref_slice %arg3[%add3A, %dma_wait3A_17, %dma_wait3A_18] : memref<32x125x80xi32, #tpu.memory_space<hbm>> -> memref<1x125x80xi32, #tpu.memory_space<hbm>>
    %dma_wait3A_20 = tpu.memref_squeeze %dma_wait3A_19 : memref<1x125x80xi32, #tpu.memory_space<hbm>> -> memref<125x80xi32, #tpu.memory_space<hbm>>
    %dma_wait3A_21 = arith.constant 0 : i32
    %dma_wait3A_22 = arith.constant 0 : i32
    %dma_wait3A_23 = tpu.memref_slice %arg3[%add3A, %dma_wait3A_21, %dma_wait3A_22] : memref<32x125x80xi32, #tpu.memory_space<hbm>> -> memref<1x125x80xi32, #tpu.memory_space<hbm>>
    %dma_wait3A_24 = tpu.memref_squeeze %dma_wait3A_23 : memref<1x125x80xi32, #tpu.memory_space<hbm>> -> memref<125x80xi32, #tpu.memory_space<hbm>>
    tpu.wait_dma2 semaphore(%arg11 : memref<!tpu.dma_semaphore, #tpu.memory_space<semaphore_mem>>) src(%dma_wait3A_24 : memref<125x80xi32, #tpu.memory_space<hbm>>) dst(%arg7 : memref<125x80xi32, #tpu.memory_space<vmem>>)
    %dma_start3A_25 = arith.constant 0 : i32
    %dma_start3A_26 = arith.constant 0 : i32
    %dma_start3A_27 = tpu.memref_slice %arg4[%add3A, %dma_start3A_25, %dma_start3A_26] : memref<32x125x80xi32, #tpu.memory_space<hbm>> -> memref<1x125x80xi32, #tpu.memory_space<hbm>>
    %dma_start3A_28 = tpu.memref_squeeze %dma_start3A_27 : memref<1x125x80xi32, #tpu.memory_space<hbm>> -> memref<125x80xi32, #tpu.memory_space<hbm>>
    %dma_start3A_29 = arith.constant 0 : i32
    %dma_start3A_30 = arith.constant 0 : i32
    %dma_start3A_31 = tpu.memref_slice %arg4[%add3A, %dma_start3A_29, %dma_start3A_30] : memref<32x125x80xi32, #tpu.memory_space<hbm>> -> memref<1x125x80xi32, #tpu.memory_space<hbm>>
    %dma_start3A_32 = tpu.memref_squeeze %dma_start3A_31 : memref<1x125x80xi32, #tpu.memory_space<hbm>> -> memref<125x80xi32, #tpu.memory_space<hbm>>
    tpu.enqueue_dma source(%dma_start3A_32 : memref<125x80xi32, #tpu.memory_space<hbm>>) target(%arg8 : memref<125x80xi32, #tpu.memory_space<vmem>>) target_semaphore(%arg11 : memref<!tpu.dma_semaphore, #tpu.memory_space<semaphore_mem>>)
    %dma_wait3A_33 = arith.constant 0 : i32
    %dma_wait3A_34 = arith.constant 0 : i32
    %dma_wait3A_35 = tpu.memref_slice %arg4[%add3A, %dma_wait3A_33, %dma_wait3A_34] : memref<32x125x80xi32, #tpu.memory_space<hbm>> -> memref<1x125x80xi32, #tpu.memory_space<hbm>>
    %dma_wait3A_36 = tpu.memref_squeeze %dma_wait3A_35 : memref<1x125x80xi32, #tpu.memory_space<hbm>> -> memref<125x80xi32, #tpu.memory_space<hbm>>
    %dma_wait3A_37 = arith.constant 0 : i32
    %dma_wait3A_38 = arith.constant 0 : i32
    %dma_wait3A_39 = tpu.memref_slice %arg4[%add3A, %dma_wait3A_37, %dma_wait3A_38] : memref<32x125x80xi32, #tpu.memory_space<hbm>> -> memref<1x125x80xi32, #tpu.memory_space<hbm>>
    %dma_wait3A_40 = tpu.memref_squeeze %dma_wait3A_39 : memref<1x125x80xi32, #tpu.memory_space<hbm>> -> memref<125x80xi32, #tpu.memory_space<hbm>>
    tpu.wait_dma2 semaphore(%arg11 : memref<!tpu.dma_semaphore, #tpu.memory_space<semaphore_mem>>) src(%dma_wait3A_40 : memref<125x80xi32, #tpu.memory_space<hbm>>) dst(%arg8 : memref<125x80xi32, #tpu.memory_space<vmem>>)
    %barrier3A = arith.constant 0 : index
    tpu.barrier barrier_id(%barrier3A)
    %scan3A = arith.constant 0 : i32
    %scan3A_41 = arith.constant 125 : i32
    %scan3A_42 = arith.addi %scan3A, %scan3A_41 : i32
    %scan3A_43 = arith.constant 1 : i32
    scf.for %scan3A_56 = %scan3A to %scan3A_42 step %scan3A_43  : i32 {
      %mul3A_57 = arith.constant 1 : i32
      %mul3A_58 = arith.muli %scan3A_56, %mul3A_57 : i32
      %add3A_59 = arith.constant 0 : i32
      %add3A_60 = arith.addi %add3A_59, %mul3A_58 : i32
      %dma_start3A_61 = arith.constant 0 : i32
      %dma_start3A_62 = tpu.memref_slice %arg7[%add3A_60, %dma_start3A_61] : memref<125x80xi32, #tpu.memory_space<vmem>> -> memref<1x80xi32, #tpu.memory_space<vmem>>
      %dma_start3A_63 = tpu.memref_squeeze %dma_start3A_62 : memref<1x80xi32, #tpu.memory_space<vmem>> -> memref<80xi32, #tpu.memory_space<vmem>>
      %dma_start3A_64 = arith.constant 0 : i32
      %dma_start3A_65 = arith.constant 0 : i32
      %dma_start3A_66 = tpu.memref_slice %arg2[%dma_start3A_64, %dma_start3A_65] : memref<10000x128xf32, #tpu.memory_space<hbm>> -> memref<10000x128xf32, #tpu.memory_space<hbm>>
      tpu.enqueue_indirect_dma source(%dma_start3A_66 : memref<10000x128xf32, #tpu.memory_space<hbm>>) target(%arg9 : memref<80x128xf32, #tpu.memory_space<vmem>>) offsets(%dma_start3A_63 : memref<80xi32, #tpu.memory_space<vmem>>) semaphore(%arg11 : memref<!tpu.dma_semaphore, #tpu.memory_space<semaphore_mem>>)
      %dma_wait3A_67 = arith.constant 0 : i32
      %dma_wait3A_68 = tpu.memref_slice %arg7[%add3A_60, %dma_wait3A_67] : memref<125x80xi32, #tpu.memory_space<vmem>> -> memref<1x80xi32, #tpu.memory_space<vmem>>
      %dma_wait3A_69 = tpu.memref_squeeze %dma_wait3A_68 : memref<1x80xi32, #tpu.memory_space<vmem>> -> memref<80xi32, #tpu.memory_space<vmem>>
      %dma_wait3A_70 = arith.constant 0 : i32
      %dma_wait3A_71 = arith.constant 0 : i32
      %dma_wait3A_72 = tpu.memref_slice %arg2[%dma_wait3A_70, %dma_wait3A_71] : memref<10000x128xf32, #tpu.memory_space<hbm>> -> memref<10000x128xf32, #tpu.memory_space<hbm>>
      tpu.wait_indirect_dma semaphore(%arg11 : memref<!tpu.dma_semaphore, #tpu.memory_space<semaphore_mem>>) src(%dma_wait3A_72 : memref<10000x128xf32, #tpu.memory_space<hbm>>) dst(%arg9 : memref<80x128xf32, #tpu.memory_space<vmem>>)
      "tpu.region"() ({
        %run_scoped3A = tpu.sem_alloc : memref<!tpu.dma_semaphore, #tpu.memory_space<semaphore_mem>>
        %dma_start3A_73 = arith.constant 0 : i32
        %dma_start3A_74 = tpu.memref_slice %arg8[%add3A_60, %dma_start3A_73] : memref<125x80xi32, #tpu.memory_space<vmem>> -> memref<1x80xi32, #tpu.memory_space<vmem>>
        %dma_start3A_75 = tpu.memref_squeeze %dma_start3A_74 : memref<1x80xi32, #tpu.memory_space<vmem>> -> memref<80xi32, #tpu.memory_space<vmem>>
        %dma_start3A_76 = arith.constant 0 : i32
        %dma_start3A_77 = arith.constant 0 : i32
        %dma_start3A_78 = tpu.memref_slice %arg10[%dma_start3A_76, %dma_start3A_77] : memref<10240x128xf32, #tpu.memory_space<vmem_shared>> -> memref<10240x128xf32, #tpu.memory_space<vmem_shared>>
        tpu.enqueue_indirect_dma source(%arg9 : memref<80x128xf32, #tpu.memory_space<vmem>>) target(%dma_start3A_78 : memref<10240x128xf32, #tpu.memory_space<vmem_shared>>) offsets(%dma_start3A_75 : memref<80xi32, #tpu.memory_space<vmem>>) semaphore(%run_scoped3A : memref<!tpu.dma_semaphore, #tpu.memory_space<semaphore_mem>>) {add = true}
        %dma_wait3A_79 = arith.constant 0 : i32
        %dma_wait3A_80 = tpu.memref_slice %arg8[%add3A_60, %dma_wait3A_79] : memref<125x80xi32, #tpu.memory_space<vmem>> -> memref<1x80xi32, #tpu.memory_space<vmem>>
        %dma_wait3A_81 = tpu.memref_squeeze %dma_wait3A_80 : memref<1x80xi32, #tpu.memory_space<vmem>> -> memref<80xi32, #tpu.memory_space<vmem>>
        %dma_wait3A_82 = arith.constant 0 : i32
        %dma_wait3A_83 = arith.constant 0 : i32
        %dma_wait3A_84 = tpu.memref_slice %arg10[%dma_wait3A_82, %dma_wait3A_83] : memref<10240x128xf32, #tpu.memory_space<vmem_shared>> -> memref<10240x128xf32, #tpu.memory_space<vmem_shared>>
        tpu.wait_indirect_dma semaphore(%run_scoped3A : memref<!tpu.dma_semaphore, #tpu.memory_space<semaphore_mem>>) src(%arg9 : memref<80x128xf32, #tpu.memory_space<vmem>>) dst(%dma_wait3A_84 : memref<10240x128xf32, #tpu.memory_space<vmem_shared>>)
        tpu.yield
      }) : () -> ()
    }
    %scan3A_44 = arith.constant 125 : i32
    %barrier3A_45 = arith.constant 0 : index
    tpu.barrier barrier_id(%barrier3A_45)
    %dma_start3A_46 = arith.constant 0 : i32
    %dma_start3A_47 = tpu.memref_slice %arg6[%arg0, %mul3A_2, %dma_start3A_46] : memref<2x10240x128xf32, #tpu.memory_space<hbm>> -> memref<1x640x128xf32, #tpu.memory_space<hbm>>
    %dma_start3A_48 = tpu.memref_squeeze %dma_start3A_47 : memref<1x640x128xf32, #tpu.memory_space<hbm>> -> memref<640x128xf32, #tpu.memory_space<hbm>>
    %dma_start3A_49 = arith.constant 0 : i32
    %dma_start3A_50 = tpu.memref_slice %arg10[%mul3A_2, %dma_start3A_49] : memref<10240x128xf32, #tpu.memory_space<vmem_shared>> -> memref<640x128xf32, #tpu.memory_space<vmem_shared>>
    tpu.enqueue_dma source(%dma_start3A_50 : memref<640x128xf32, #tpu.memory_space<vmem_shared>>) target(%dma_start3A_48 : memref<640x128xf32, #tpu.memory_space<hbm>>) target_semaphore(%arg11 : memref<!tpu.dma_semaphore, #tpu.memory_space<semaphore_mem>>)
    %dma_wait3A_51 = arith.constant 0 : i32
    %dma_wait3A_52 = tpu.memref_slice %arg6[%arg0, %mul3A_2, %dma_wait3A_51] : memref<2x10240x128xf32, #tpu.memory_space<hbm>> -> memref<1x640x128xf32, #tpu.memory_space<hbm>>
    %dma_wait3A_53 = tpu.memref_squeeze %dma_wait3A_52 : memref<1x640x128xf32, #tpu.memory_space<hbm>> -> memref<640x128xf32, #tpu.memory_space<hbm>>
    %dma_wait3A_54 = arith.constant 0 : i32
    %dma_wait3A_55 = tpu.memref_slice %arg10[%mul3A_2, %dma_wait3A_54] : memref<10240x128xf32, #tpu.memory_space<vmem_shared>> -> memref<640x128xf32, #tpu.memory_space<vmem_shared>>
    tpu.wait_dma2 semaphore(%arg11 : memref<!tpu.dma_semaphore, #tpu.memory_space<semaphore_mem>>) src(%dma_wait3A_55 : memref<640x128xf32, #tpu.memory_space<vmem_shared>>) dst(%dma_wait3A_53 : memref<640x128xf32, #tpu.memory_space<hbm>>)
    return
  }
}

#map = affine_map<(d0, d1) -> (0, 0)>
#map1 = affine_map<(d0, d1) -> (0, 0, 0)>
module attributes {stable_mosaic.version = 14 : i64} {
  func.func @k(%arg0: i32, %arg1: i32, %arg2: memref<10000x128xf32, #tpu.memory_space<hbm>>, %arg3: memref<32x125x80xi32, #tpu.memory_space<hbm>>, %arg4: memref<32x125x80xi32, #tpu.memory_space<hbm>>, %arg5: memref<10240x128xf32, #tpu.memory_space<hbm>>, %arg6: memref<2x10240x128xf32, #tpu.memory_space<hbm>>, %arg7: memref<125x80xi32, #tpu.memory_space<vmem>>, %arg8: memref<125x80xi32, #tpu.memory_space<vmem>>, %arg9: memref<80x128xf32, #tpu.memory_space<vmem>>, %arg10: memref<10240x128xf32, #tpu.memory_space<vmem_shared>>, %arg11: memref<!tpu.dma_semaphore, #tpu.memory_space<semaphore_mem>>) attributes {dimension_semantics = [#tpu.dimension_semantics<core_parallel>, #tpu.dimension_semantics<subcore_parallel>], iteration_bounds = array<i64: 2, 16>, scalar_prefetch = 0 : i64, scratch_operands = 5 : i64, tpu.core_type = #tpu.core_type<sc_vector_subcore>, window_params = [{transform_indices = #map}, {transform_indices = #map1}, {transform_indices = #map1}, {transform_indices = #map}, {transform_indices = #map1}]} {
    %mul3A = arith.constant 16 : i32
    %mul3A_0 = arith.muli %arg0, %mul3A : i32
    %add3A = arith.addi %mul3A_0, %arg1 : i32
    %mul3A_1 = arith.constant 640 : i32
    %mul3A_2 = arith.muli %arg1, %mul3A_1 : i32
    %dma_start3A = arith.constant 0 : i32
    %dma_start3A_3 = tpu.memref_slice %arg10[%mul3A_2, %dma_start3A] : memref<10240x128xf32, #tpu.memory_space<vmem_shared>> -> memref<640x128xf32, #tpu.memory_space<vmem_shared>>
    %dma_start3A_4 = arith.constant 0 : i32
    %dma_start3A_5 = tpu.memref_slice %arg5[%mul3A_2, %dma_start3A_4] : memref<10240x128xf32, #tpu.memory_space<hbm>> -> memref<640x128xf32, #tpu.memory_space<hbm>>
    tpu.enqueue_dma source(%dma_start3A_5 : memref<640x128xf32, #tpu.memory_space<hbm>>) target(%dma_start3A_3 : memref<640x128xf32, #tpu.memory_space<vmem_shared>>) target_semaphore(%arg11 : memref<!tpu.dma_semaphore, #tpu.memory_space<semaphore_mem>>)
    %dma_wait3A = arith.constant 0 : i32
    %dma_wait3A_6 = tpu.memref_slice %arg10[%mul3A_2, %dma_wait3A] : memref<10240x128xf32, #tpu.memory_space<vmem_shared>> -> memref<640x128xf32, #tpu.memory_space<vmem_shared>>
    %dma_wait3A_7 = arith.constant 0 : i32
    %dma_wait3A_8 = tpu.memref_slice %arg5[%mul3A_2, %dma_wait3A_7] : memref<10240x128xf32, #tpu.memory_space<hbm>> -> memref<640x128xf32, #tpu.memory_space<hbm>>
    tpu.wait_dma2 semaphore(%arg11 : memref<!tpu.dma_semaphore, #tpu.memory_space<semaphore_mem>>) src(%dma_wait3A_8 : memref<640x128xf32, #tpu.memory_space<hbm>>) dst(%dma_wait3A_6 : memref<640x128xf32, #tpu.memory_space<vmem_shared>>)
    %dma_start3A_9 = arith.constant 0 : i32
    %dma_start3A_10 = arith.constant 0 : i32
    %dma_start3A_11 = tpu.memref_slice %arg3[%add3A, %dma_start3A_9, %dma_start3A_10] : memref<32x125x80xi32, #tpu.memory_space<hbm>> -> memref<1x125x80xi32, #tpu.memory_space<hbm>>
    %dma_start3A_12 = tpu.memref_squeeze %dma_start3A_11 : memref<1x125x80xi32, #tpu.memory_space<hbm>> -> memref<125x80xi32, #tpu.memory_space<hbm>>
    %dma_start3A_13 = arith.constant 0 : i32
    %dma_start3A_14 = arith.constant 0 : i32
    %dma_start3A_15 = tpu.memref_slice %arg3[%add3A, %dma_start3A_13, %dma_start3A_14] : memref<32x125x80xi32, #tpu.memory_space<hbm>> -> memref<1x125x80xi32, #tpu.memory_space<hbm>>
    %dma_start3A_16 = tpu.memref_squeeze %dma_start3A_15 : memref<1x125x80xi32, #tpu.memory_space<hbm>> -> memref<125x80xi32, #tpu.memory_space<hbm>>
    tpu.enqueue_dma source(%dma_start3A_16 : memref<125x80xi32, #tpu.memory_space<hbm>>) target(%arg7 : memref<125x80xi32, #tpu.memory_space<vmem>>) target_semaphore(%arg11 : memref<!tpu.dma_semaphore, #tpu.memory_space<semaphore_mem>>)
    %dma_wait3A_17 = arith.constant 0 : i32
    %dma_wait3A_18 = arith.constant 0 : i32
    %dma_wait3A_19 = tpu.memref_slice %arg3[%add3A, %dma_wait3A_17, %dma_wait3A_18] : memref<32x125x80xi32, #tpu.memory_space<hbm>> -> memref<1x125x80xi32, #tpu.memory_space<hbm>>
    %dma_wait3A_20 = tpu.memref_squeeze %dma_wait3A_19 : memref<1x125x80xi32, #tpu.memory_space<hbm>> -> memref<125x80xi32, #tpu.memory_space<hbm>>
    %dma_wait3A_21 = arith.constant 0 : i32
    %dma_wait3A_22 = arith.constant 0 : i32
    %dma_wait3A_23 = tpu.memref_slice %arg3[%add3A, %dma_wait3A_21, %dma_wait3A_22] : memref<32x125x80xi32, #tpu.memory_space<hbm>> -> memref<1x125x80xi32, #tpu.memory_space<hbm>>
    %dma_wait3A_24 = tpu.memref_squeeze %dma_wait3A_23 : memref<1x125x80xi32, #tpu.memory_space<hbm>> -> memref<125x80xi32, #tpu.memory_space<hbm>>
    tpu.wait_dma2 semaphore(%arg11 : memref<!tpu.dma_semaphore, #tpu.memory_space<semaphore_mem>>) src(%dma_wait3A_24 : memref<125x80xi32, #tpu.memory_space<hbm>>) dst(%arg7 : memref<125x80xi32, #tpu.memory_space<vmem>>)
    %dma_start3A_25 = arith.constant 0 : i32
    %dma_start3A_26 = arith.constant 0 : i32
    %dma_start3A_27 = tpu.memref_slice %arg4[%add3A, %dma_start3A_25, %dma_start3A_26] : memref<32x125x80xi32, #tpu.memory_space<hbm>> -> memref<1x125x80xi32, #tpu.memory_space<hbm>>
    %dma_start3A_28 = tpu.memref_squeeze %dma_start3A_27 : memref<1x125x80xi32, #tpu.memory_space<hbm>> -> memref<125x80xi32, #tpu.memory_space<hbm>>
    %dma_start3A_29 = arith.constant 0 : i32
    %dma_start3A_30 = arith.constant 0 : i32
    %dma_start3A_31 = tpu.memref_slice %arg4[%add3A, %dma_start3A_29, %dma_start3A_30] : memref<32x125x80xi32, #tpu.memory_space<hbm>> -> memref<1x125x80xi32, #tpu.memory_space<hbm>>
    %dma_start3A_32 = tpu.memref_squeeze %dma_start3A_31 : memref<1x125x80xi32, #tpu.memory_space<hbm>> -> memref<125x80xi32, #tpu.memory_space<hbm>>
    tpu.enqueue_dma source(%dma_start3A_32 : memref<125x80xi32, #tpu.memory_space<hbm>>) target(%arg8 : memref<125x80xi32, #tpu.memory_space<vmem>>) target_semaphore(%arg11 : memref<!tpu.dma_semaphore, #tpu.memory_space<semaphore_mem>>)
    %dma_wait3A_33 = arith.constant 0 : i32
    %dma_wait3A_34 = arith.constant 0 : i32
    %dma_wait3A_35 = tpu.memref_slice %arg4[%add3A, %dma_wait3A_33, %dma_wait3A_34] : memref<32x125x80xi32, #tpu.memory_space<hbm>> -> memref<1x125x80xi32, #tpu.memory_space<hbm>>
    %dma_wait3A_36 = tpu.memref_squeeze %dma_wait3A_35 : memref<1x125x80xi32, #tpu.memory_space<hbm>> -> memref<125x80xi32, #tpu.memory_space<hbm>>
    %dma_wait3A_37 = arith.constant 0 : i32
    %dma_wait3A_38 = arith.constant 0 : i32
    %dma_wait3A_39 = tpu.memref_slice %arg4[%add3A, %dma_wait3A_37, %dma_wait3A_38] : memref<32x125x80xi32, #tpu.memory_space<hbm>> -> memref<1x125x80xi32, #tpu.memory_space<hbm>>
    %dma_wait3A_40 = tpu.memref_squeeze %dma_wait3A_39 : memref<1x125x80xi32, #tpu.memory_space<hbm>> -> memref<125x80xi32, #tpu.memory_space<hbm>>
    tpu.wait_dma2 semaphore(%arg11 : memref<!tpu.dma_semaphore, #tpu.memory_space<semaphore_mem>>) src(%dma_wait3A_40 : memref<125x80xi32, #tpu.memory_space<hbm>>) dst(%arg8 : memref<125x80xi32, #tpu.memory_space<vmem>>)
    %barrier3A = arith.constant 0 : index
    tpu.barrier barrier_id(%barrier3A)
    %scan3A = arith.constant 0 : i32
    %scan3A_41 = arith.constant 125 : i32
    %scan3A_42 = arith.addi %scan3A, %scan3A_41 : i32
    %scan3A_43 = arith.constant 1 : i32
    scf.for %scan3A_56 = %scan3A to %scan3A_42 step %scan3A_43  : i32 {
      %mul3A_57 = arith.constant 1 : i32
      %mul3A_58 = arith.muli %scan3A_56, %mul3A_57 : i32
      %add3A_59 = arith.constant 0 : i32
      %add3A_60 = arith.addi %add3A_59, %mul3A_58 : i32
      %dma_start3A_61 = arith.constant 0 : i32
      %dma_start3A_62 = tpu.memref_slice %arg7[%add3A_60, %dma_start3A_61] : memref<125x80xi32, #tpu.memory_space<vmem>> -> memref<1x80xi32, #tpu.memory_space<vmem>>
      %dma_start3A_63 = tpu.memref_squeeze %dma_start3A_62 : memref<1x80xi32, #tpu.memory_space<vmem>> -> memref<80xi32, #tpu.memory_space<vmem>>
      %dma_start3A_64 = arith.constant 0 : i32
      %dma_start3A_65 = arith.constant 0 : i32
      %dma_start3A_66 = tpu.memref_slice %arg2[%dma_start3A_64, %dma_start3A_65] : memref<10000x128xf32, #tpu.memory_space<hbm>> -> memref<10000x128xf32, #tpu.memory_space<hbm>>
      tpu.enqueue_indirect_dma source(%dma_start3A_66 : memref<10000x128xf32, #tpu.memory_space<hbm>>) target(%arg9 : memref<80x128xf32, #tpu.memory_space<vmem>>) offsets(%dma_start3A_63 : memref<80xi32, #tpu.memory_space<vmem>>) semaphore(%arg11 : memref<!tpu.dma_semaphore, #tpu.memory_space<semaphore_mem>>)
      %dma_wait3A_67 = arith.constant 0 : i32
      %dma_wait3A_68 = tpu.memref_slice %arg7[%add3A_60, %dma_wait3A_67] : memref<125x80xi32, #tpu.memory_space<vmem>> -> memref<1x80xi32, #tpu.memory_space<vmem>>
      %dma_wait3A_69 = tpu.memref_squeeze %dma_wait3A_68 : memref<1x80xi32, #tpu.memory_space<vmem>> -> memref<80xi32, #tpu.memory_space<vmem>>
      %dma_wait3A_70 = arith.constant 0 : i32
      %dma_wait3A_71 = arith.constant 0 : i32
      %dma_wait3A_72 = tpu.memref_slice %arg2[%dma_wait3A_70, %dma_wait3A_71] : memref<10000x128xf32, #tpu.memory_space<hbm>> -> memref<10000x128xf32, #tpu.memory_space<hbm>>
      tpu.wait_indirect_dma semaphore(%arg11 : memref<!tpu.dma_semaphore, #tpu.memory_space<semaphore_mem>>) src(%dma_wait3A_72 : memref<10000x128xf32, #tpu.memory_space<hbm>>) dst(%arg9 : memref<80x128xf32, #tpu.memory_space<vmem>>)
      "tpu.region"() ({
        %run_scoped3A = tpu.sem_alloc : memref<!tpu.dma_semaphore, #tpu.memory_space<semaphore_mem>>
        %dma_start3A_73 = arith.constant 0 : i32
        %dma_start3A_74 = tpu.memref_slice %arg8[%add3A_60, %dma_start3A_73] : memref<125x80xi32, #tpu.memory_space<vmem>> -> memref<1x80xi32, #tpu.memory_space<vmem>>
        %dma_start3A_75 = tpu.memref_squeeze %dma_start3A_74 : memref<1x80xi32, #tpu.memory_space<vmem>> -> memref<80xi32, #tpu.memory_space<vmem>>
        %dma_start3A_76 = arith.constant 0 : i32
        %dma_start3A_77 = arith.constant 0 : i32
        %dma_start3A_78 = tpu.memref_slice %arg10[%dma_start3A_76, %dma_start3A_77] : memref<10240x128xf32, #tpu.memory_space<vmem_shared>> -> memref<10240x128xf32, #tpu.memory_space<vmem_shared>>
        tpu.enqueue_indirect_dma source(%arg9 : memref<80x128xf32, #tpu.memory_space<vmem>>) target(%dma_start3A_78 : memref<10240x128xf32, #tpu.memory_space<vmem_shared>>) offsets(%dma_start3A_75 : memref<80xi32, #tpu.memory_space<vmem>>) semaphore(%run_scoped3A : memref<!tpu.dma_semaphore, #tpu.memory_space<semaphore_mem>>) {add = true}
        %dma_wait3A_79 = arith.constant 0 : i32
        %dma_wait3A_80 = tpu.memref_slice %arg8[%add3A_60, %dma_wait3A_79] : memref<125x80xi32, #tpu.memory_space<vmem>> -> memref<1x80xi32, #tpu.memory_space<vmem>>
        %dma_wait3A_81 = tpu.memref_squeeze %dma_wait3A_80 : memref<1x80xi32, #tpu.memory_space<vmem>> -> memref<80xi32, #tpu.memory_space<vmem>>
        %dma_wait3A_82 = arith.constant 0 : i32
        %dma_wait3A_83 = arith.constant 0 : i32
        %dma_wait3A_84 = tpu.memref_slice %arg10[%dma_wait3A_82, %dma_wait3A_83] : memref<10240x128xf32, #tpu.memory_space<vmem_shared>> -> memref<10240x128xf32, #tpu.memory_space<vmem_shared>>
        tpu.wait_indirect_dma semaphore(%run_scoped3A : memref<!tpu.dma_semaphore, #tpu.memory_space<semaphore_mem>>) src(%arg9 : memref<80x128xf32, #tpu.memory_space<vmem>>) dst(%dma_wait3A_84 : memref<10240x128xf32, #tpu.memory_space<vmem_shared>>)
        tpu.yield
      }) : () -> ()
    }
    %scan3A_44 = arith.constant 125 : i32
    %barrier3A_45 = arith.constant 0 : index
    tpu.barrier barrier_id(%barrier3A_45)
    %dma_start3A_46 = arith.constant 0 : i32
    %dma_start3A_47 = tpu.memref_slice %arg6[%arg0, %mul3A_2, %dma_start3A_46] : memref<2x10240x128xf32, #tpu.memory_space<hbm>> -> memref<1x640x128xf32, #tpu.memory_space<hbm>>
    %dma_start3A_48 = tpu.memref_squeeze %dma_start3A_47 : memref<1x640x128xf32, #tpu.memory_space<hbm>> -> memref<640x128xf32, #tpu.memory_space<hbm>>
    %dma_start3A_49 = arith.constant 0 : i32
    %dma_start3A_50 = tpu.memref_slice %arg10[%mul3A_2, %dma_start3A_49] : memref<10240x128xf32, #tpu.memory_space<vmem_shared>> -> memref<640x128xf32, #tpu.memory_space<vmem_shared>>
    tpu.enqueue_dma source(%dma_start3A_50 : memref<640x128xf32, #tpu.memory_space<vmem_shared>>) target(%dma_start3A_48 : memref<640x128xf32, #tpu.memory_space<hbm>>) target_semaphore(%arg11 : memref<!tpu.dma_semaphore, #tpu.memory_space<semaphore_mem>>)
    %dma_wait3A_51 = arith.constant 0 : i32
    %dma_wait3A_52 = tpu.memref_slice %arg6[%arg0, %mul3A_2, %dma_wait3A_51] : memref<2x10240x128xf32, #tpu.memory_space<hbm>> -> memref<1x640x128xf32, #tpu.memory_space<hbm>>
    %dma_wait3A_53 = tpu.memref_squeeze %dma_wait3A_52 : memref<1x640x128xf32, #tpu.memory_space<hbm>> -> memref<640x128xf32, #tpu.memory_space<hbm>>
    %dma_wait3A_54 = arith.constant 0 : i32
    %dma_wait3A_55 = tpu.memref_slice %arg10[%mul3A_2, %dma_wait3A_54] : memref<10240x128xf32, #tpu.memory_space<vmem_shared>> -> memref<640x128xf32, #tpu.memory_space<vmem_shared>>
    tpu.wait_dma2 semaphore(%arg11 : memref<!tpu.dma_semaphore, #tpu.memory_space<semaphore_mem>>) src(%dma_wait3A_55 : memref<640x128xf32, #tpu.memory_space<vmem_shared>>) dst(%dma_wait3A_53 : memref<640x128xf32, #tpu.memory_space<hbm>>)
    return
  }
}

#map = affine_map<(d0, d1) -> (0, 0)>
#map1 = affine_map<(d0, d1) -> (0, 0, 0)>
module attributes {stable_mosaic.version = 14 : i64} {
  func.func @k(%arg0: i32, %arg1: i32, %arg2: memref<10240x128xf32, #tpu.memory_space<hbm>>, %arg3: memref<32x4x80xi32, #tpu.memory_space<hbm>>, %arg4: memref<3968x128xf32, #tpu.memory_space<hbm>>, %arg5: memref<2x3840x128xf32, #tpu.memory_space<hbm>>, %arg6: memref<4x80xi32, #tpu.memory_space<vmem>>, %arg7: memref<80x128xf32, #tpu.memory_space<vmem>>, %arg8: memref<3968x128xf32, #tpu.memory_space<vmem_shared>>, %arg9: memref<!tpu.dma_semaphore, #tpu.memory_space<semaphore_mem>>) attributes {dimension_semantics = [#tpu.dimension_semantics<core_parallel>, #tpu.dimension_semantics<subcore_parallel>], iteration_bounds = array<i64: 2, 16>, scalar_prefetch = 0 : i64, scratch_operands = 4 : i64, tpu.core_type = #tpu.core_type<sc_vector_subcore>, window_params = [{transform_indices = #map}, {transform_indices = #map1}, {transform_indices = #map}, {transform_indices = #map1}]} {
    %mul3A = arith.constant 16 : i32
    %mul3A_0 = arith.muli %arg0, %mul3A : i32
    %add3A = arith.addi %mul3A_0, %arg1 : i32
    %mul3A_1 = arith.constant 248 : i32
    %mul3A_2 = arith.muli %arg1, %mul3A_1 : i32
    %dma_start3A = arith.constant 0 : i32
    %dma_start3A_3 = tpu.memref_slice %arg8[%mul3A_2, %dma_start3A] : memref<3968x128xf32, #tpu.memory_space<vmem_shared>> -> memref<248x128xf32, #tpu.memory_space<vmem_shared>>
    %dma_start3A_4 = arith.constant 0 : i32
    %dma_start3A_5 = tpu.memref_slice %arg4[%mul3A_2, %dma_start3A_4] : memref<3968x128xf32, #tpu.memory_space<hbm>> -> memref<248x128xf32, #tpu.memory_space<hbm>>
    tpu.enqueue_dma source(%dma_start3A_5 : memref<248x128xf32, #tpu.memory_space<hbm>>) target(%dma_start3A_3 : memref<248x128xf32, #tpu.memory_space<vmem_shared>>) target_semaphore(%arg9 : memref<!tpu.dma_semaphore, #tpu.memory_space<semaphore_mem>>)
    %dma_wait3A = arith.constant 0 : i32
    %dma_wait3A_6 = tpu.memref_slice %arg8[%mul3A_2, %dma_wait3A] : memref<3968x128xf32, #tpu.memory_space<vmem_shared>> -> memref<248x128xf32, #tpu.memory_space<vmem_shared>>
    %dma_wait3A_7 = arith.constant 0 : i32
    %dma_wait3A_8 = tpu.memref_slice %arg4[%mul3A_2, %dma_wait3A_7] : memref<3968x128xf32, #tpu.memory_space<hbm>> -> memref<248x128xf32, #tpu.memory_space<hbm>>
    tpu.wait_dma2 semaphore(%arg9 : memref<!tpu.dma_semaphore, #tpu.memory_space<semaphore_mem>>) src(%dma_wait3A_8 : memref<248x128xf32, #tpu.memory_space<hbm>>) dst(%dma_wait3A_6 : memref<248x128xf32, #tpu.memory_space<vmem_shared>>)
    %dma_start3A_9 = arith.constant 0 : i32
    %dma_start3A_10 = arith.constant 0 : i32
    %dma_start3A_11 = tpu.memref_slice %arg3[%add3A, %dma_start3A_9, %dma_start3A_10] : memref<32x4x80xi32, #tpu.memory_space<hbm>> -> memref<1x4x80xi32, #tpu.memory_space<hbm>>
    %dma_start3A_12 = tpu.memref_squeeze %dma_start3A_11 : memref<1x4x80xi32, #tpu.memory_space<hbm>> -> memref<4x80xi32, #tpu.memory_space<hbm>>
    %dma_start3A_13 = arith.constant 0 : i32
    %dma_start3A_14 = arith.constant 0 : i32
    %dma_start3A_15 = tpu.memref_slice %arg3[%add3A, %dma_start3A_13, %dma_start3A_14] : memref<32x4x80xi32, #tpu.memory_space<hbm>> -> memref<1x4x80xi32, #tpu.memory_space<hbm>>
    %dma_start3A_16 = tpu.memref_squeeze %dma_start3A_15 : memref<1x4x80xi32, #tpu.memory_space<hbm>> -> memref<4x80xi32, #tpu.memory_space<hbm>>
    tpu.enqueue_dma source(%dma_start3A_16 : memref<4x80xi32, #tpu.memory_space<hbm>>) target(%arg6 : memref<4x80xi32, #tpu.memory_space<vmem>>) target_semaphore(%arg9 : memref<!tpu.dma_semaphore, #tpu.memory_space<semaphore_mem>>)
    %dma_wait3A_17 = arith.constant 0 : i32
    %dma_wait3A_18 = arith.constant 0 : i32
    %dma_wait3A_19 = tpu.memref_slice %arg3[%add3A, %dma_wait3A_17, %dma_wait3A_18] : memref<32x4x80xi32, #tpu.memory_space<hbm>> -> memref<1x4x80xi32, #tpu.memory_space<hbm>>
    %dma_wait3A_20 = tpu.memref_squeeze %dma_wait3A_19 : memref<1x4x80xi32, #tpu.memory_space<hbm>> -> memref<4x80xi32, #tpu.memory_space<hbm>>
    %dma_wait3A_21 = arith.constant 0 : i32
    %dma_wait3A_22 = arith.constant 0 : i32
    %dma_wait3A_23 = tpu.memref_slice %arg3[%add3A, %dma_wait3A_21, %dma_wait3A_22] : memref<32x4x80xi32, #tpu.memory_space<hbm>> -> memref<1x4x80xi32, #tpu.memory_space<hbm>>
    %dma_wait3A_24 = tpu.memref_squeeze %dma_wait3A_23 : memref<1x4x80xi32, #tpu.memory_space<hbm>> -> memref<4x80xi32, #tpu.memory_space<hbm>>
    tpu.wait_dma2 semaphore(%arg9 : memref<!tpu.dma_semaphore, #tpu.memory_space<semaphore_mem>>) src(%dma_wait3A_24 : memref<4x80xi32, #tpu.memory_space<hbm>>) dst(%arg6 : memref<4x80xi32, #tpu.memory_space<vmem>>)
    %barrier3A = arith.constant 0 : index
    tpu.barrier barrier_id(%barrier3A)
    %mul3A_25 = arith.constant 320 : i32
    %mul3A_26 = arith.muli %add3A, %mul3A_25 : i32
    %scan3A = arith.constant 0 : i32
    %scan3A_27 = arith.constant 4 : i32
    %scan3A_28 = arith.addi %scan3A, %scan3A_27 : i32
    %scan3A_29 = arith.constant 1 : i32
    scf.for %scan3A_44 = %scan3A to %scan3A_28 step %scan3A_29  : i32 {
      %mul3A_45 = arith.constant 1 : i32
      %mul3A_46 = arith.muli %scan3A_44, %mul3A_45 : i32
      %add3A_47 = arith.constant 0 : i32
      %add3A_48 = arith.addi %add3A_47, %mul3A_46 : i32
      %mul3A_49 = arith.constant 80 : i32
      %mul3A_50 = arith.muli %add3A_48, %mul3A_49 : i32
      %add3A_51 = arith.addi %mul3A_26, %mul3A_50 : i32
      %dma_start3A_52 = arith.constant 0 : i32
      %dma_start3A_53 = tpu.memref_slice %arg2[%add3A_51, %dma_start3A_52] : memref<10240x128xf32, #tpu.memory_space<hbm>> -> memref<80x128xf32, #tpu.memory_space<hbm>>
      %dma_start3A_54 = arith.constant 0 : i32
      %dma_start3A_55 = tpu.memref_slice %arg2[%add3A_51, %dma_start3A_54] : memref<10240x128xf32, #tpu.memory_space<hbm>> -> memref<80x128xf32, #tpu.memory_space<hbm>>
      tpu.enqueue_dma source(%dma_start3A_55 : memref<80x128xf32, #tpu.memory_space<hbm>>) target(%arg7 : memref<80x128xf32, #tpu.memory_space<vmem>>) target_semaphore(%arg9 : memref<!tpu.dma_semaphore, #tpu.memory_space<semaphore_mem>>)
      %dma_wait3A_56 = arith.constant 0 : i32
      %dma_wait3A_57 = tpu.memref_slice %arg2[%add3A_51, %dma_wait3A_56] : memref<10240x128xf32, #tpu.memory_space<hbm>> -> memref<80x128xf32, #tpu.memory_space<hbm>>
      %dma_wait3A_58 = arith.constant 0 : i32
      %dma_wait3A_59 = tpu.memref_slice %arg2[%add3A_51, %dma_wait3A_58] : memref<10240x128xf32, #tpu.memory_space<hbm>> -> memref<80x128xf32, #tpu.memory_space<hbm>>
      tpu.wait_dma2 semaphore(%arg9 : memref<!tpu.dma_semaphore, #tpu.memory_space<semaphore_mem>>) src(%dma_wait3A_59 : memref<80x128xf32, #tpu.memory_space<hbm>>) dst(%arg7 : memref<80x128xf32, #tpu.memory_space<vmem>>)
      "tpu.region"() ({
        %run_scoped3A = tpu.sem_alloc : memref<!tpu.dma_semaphore, #tpu.memory_space<semaphore_mem>>
        %dma_start3A_60 = arith.constant 0 : i32
        %dma_start3A_61 = tpu.memref_slice %arg6[%add3A_48, %dma_start3A_60] : memref<4x80xi32, #tpu.memory_space<vmem>> -> memref<1x80xi32, #tpu.memory_space<vmem>>
        %dma_start3A_62 = tpu.memref_squeeze %dma_start3A_61 : memref<1x80xi32, #tpu.memory_space<vmem>> -> memref<80xi32, #tpu.memory_space<vmem>>
        %dma_start3A_63 = arith.constant 0 : i32
        %dma_start3A_64 = arith.constant 0 : i32
        %dma_start3A_65 = tpu.memref_slice %arg8[%dma_start3A_63, %dma_start3A_64] : memref<3968x128xf32, #tpu.memory_space<vmem_shared>> -> memref<3968x128xf32, #tpu.memory_space<vmem_shared>>
        tpu.enqueue_indirect_dma source(%arg7 : memref<80x128xf32, #tpu.memory_space<vmem>>) target(%dma_start3A_65 : memref<3968x128xf32, #tpu.memory_space<vmem_shared>>) offsets(%dma_start3A_62 : memref<80xi32, #tpu.memory_space<vmem>>) semaphore(%run_scoped3A : memref<!tpu.dma_semaphore, #tpu.memory_space<semaphore_mem>>) {add = true}
        %dma_wait3A_66 = arith.constant 0 : i32
        %dma_wait3A_67 = tpu.memref_slice %arg6[%add3A_48, %dma_wait3A_66] : memref<4x80xi32, #tpu.memory_space<vmem>> -> memref<1x80xi32, #tpu.memory_space<vmem>>
        %dma_wait3A_68 = tpu.memref_squeeze %dma_wait3A_67 : memref<1x80xi32, #tpu.memory_space<vmem>> -> memref<80xi32, #tpu.memory_space<vmem>>
        %dma_wait3A_69 = arith.constant 0 : i32
        %dma_wait3A_70 = arith.constant 0 : i32
        %dma_wait3A_71 = tpu.memref_slice %arg8[%dma_wait3A_69, %dma_wait3A_70] : memref<3968x128xf32, #tpu.memory_space<vmem_shared>> -> memref<3968x128xf32, #tpu.memory_space<vmem_shared>>
        tpu.wait_indirect_dma semaphore(%run_scoped3A : memref<!tpu.dma_semaphore, #tpu.memory_space<semaphore_mem>>) src(%arg7 : memref<80x128xf32, #tpu.memory_space<vmem>>) dst(%dma_wait3A_71 : memref<3968x128xf32, #tpu.memory_space<vmem_shared>>)
        tpu.yield
      }) : () -> ()
    }
    %scan3A_30 = arith.constant 4 : i32
    %barrier3A_31 = arith.constant 0 : index
    tpu.barrier barrier_id(%barrier3A_31)
    %mul3A_32 = arith.constant 240 : i32
    %mul3A_33 = arith.muli %arg1, %mul3A_32 : i32
    %dma_start3A_34 = arith.constant 0 : i32
    %dma_start3A_35 = tpu.memref_slice %arg5[%arg0, %mul3A_33, %dma_start3A_34] : memref<2x3840x128xf32, #tpu.memory_space<hbm>> -> memref<1x240x128xf32, #tpu.memory_space<hbm>>
    %dma_start3A_36 = tpu.memref_squeeze %dma_start3A_35 : memref<1x240x128xf32, #tpu.memory_space<hbm>> -> memref<240x128xf32, #tpu.memory_space<hbm>>
    %dma_start3A_37 = arith.constant 0 : i32
    %dma_start3A_38 = tpu.memref_slice %arg8[%mul3A_33, %dma_start3A_37] : memref<3968x128xf32, #tpu.memory_space<vmem_shared>> -> memref<240x128xf32, #tpu.memory_space<vmem_shared>>
    tpu.enqueue_dma source(%dma_start3A_38 : memref<240x128xf32, #tpu.memory_space<vmem_shared>>) target(%dma_start3A_36 : memref<240x128xf32, #tpu.memory_space<hbm>>) target_semaphore(%arg9 : memref<!tpu.dma_semaphore, #tpu.memory_space<semaphore_mem>>)
    %dma_wait3A_39 = arith.constant 0 : i32
    %dma_wait3A_40 = tpu.memref_slice %arg5[%arg0, %mul3A_33, %dma_wait3A_39] : memref<2x3840x128xf32, #tpu.memory_space<hbm>> -> memref<1x240x128xf32, #tpu.memory_space<hbm>>
    %dma_wait3A_41 = tpu.memref_squeeze %dma_wait3A_40 : memref<1x240x128xf32, #tpu.memory_space<hbm>> -> memref<240x128xf32, #tpu.memory_space<hbm>>
    %dma_wait3A_42 = arith.constant 0 : i32
    %dma_wait3A_43 = tpu.memref_slice %arg8[%mul3A_33, %dma_wait3A_42] : memref<3968x128xf32, #tpu.memory_space<vmem_shared>> -> memref<240x128xf32, #tpu.memory_space<vmem_shared>>
    tpu.wait_dma2 semaphore(%arg9 : memref<!tpu.dma_semaphore, #tpu.memory_space<semaphore_mem>>) src(%dma_wait3A_43 : memref<240x128xf32, #tpu.memory_space<vmem_shared>>) dst(%dma_wait3A_41 : memref<240x128xf32, #tpu.memory_space<hbm>>)
    return
  }
}

module attributes {stable_mosaic.version = 14 : i64} {
  func.func @body(%arg0: i32, %arg1: memref<2x1000x128xf32, #tpu.memory_space<vmem>>, %arg2: memref<1000x128xf32, #tpu.memory_space<vmem>>, %arg3: memref<128x128xf32, #tpu.memory_space<vmem>>, %arg4: memref<1000x1xf32, #tpu.memory_space<vmem>>, %arg5: memref<1000x128xf32, #tpu.memory_space<vmem>>) attributes {dimension_semantics = [#tpu.dimension_semantics<arbitrary>], iteration_bounds = array<i64: 10>, scalar_prefetch = 0 : i64, scratch_operands = 0 : i64, tpu.core_type = #tpu.core_type<tc>, window_params = [{transform_indices = @transform_0, window_bounds = array<i64: 2, 1000, 128>}, {transform_indices = @transform_1, window_bounds = array<i64: 1000, 128>}, {pipeline_mode = #tpu.pipeline_mode<synchronous>, transform_indices = @transform_2, window_bounds = array<i64: 128, 128>}, {transform_indices = @transform_3, window_bounds = array<i64: 1000, 1>}, {transform_indices = @transform_4, window_bounds = array<i64: 1000, 128>}]} {
    %get3A = arith.constant 0 : index
    %get3A_0 = arith.constant 0 : index
    %get3A_1 = arith.constant 0 : index
    %get3A_2 = vector.load %arg1[%get3A, %get3A_0, %get3A_1] : memref<2x1000x128xf32, #tpu.memory_space<vmem>>, vector<1x1000x1xf32>
    %get3A_3 = vector.shape_cast %get3A_2 : vector<1x1000x1xf32> to vector<1000x1xf32>
    %get3A_4 = arith.constant 1 : index
    %get3A_5 = arith.constant 0 : index
    %get3A_6 = arith.constant 0 : index
    %get3A_7 = vector.load %arg1[%get3A_4, %get3A_5, %get3A_6] : memref<2x1000x128xf32, #tpu.memory_space<vmem>>, vector<1x1000x1xf32>
    %get3A_8 = vector.shape_cast %get3A_7 : vector<1x1000x1xf32> to vector<1000x1xf32>
    %add3A = arith.addf %get3A_3, %get3A_8 : vector<1000x1xf32>
    %add3A_9 = arith.constant 1.000000e+00 : f32
    %add3A_10 = vector.broadcast %add3A_9 : f32 to vector<1000x1xf32>
    %add3A_11 = arith.addf %add3A, %add3A_10 : vector<1000x1xf32>
    %sqrt3A = math.sqrt %add3A_11 : vector<1000x1xf32>
    %div3A = arith.constant 1.000000e+00 : f32
    %div3A_12 = vector.broadcast %div3A : f32 to vector<1000x1xf32>
    %div3A_13 = arith.divf %div3A_12, %sqrt3A : vector<1000x1xf32>
    %swap3A = arith.constant 0 : index
    %swap3A_14 = arith.constant 0 : index
    %swap3A_15 = vector.load %arg4[%swap3A, %swap3A_14] : memref<1000x1xf32, #tpu.memory_space<vmem>>, vector<1000x1xf32>
    tpu.vector_store %arg4[%swap3A, %swap3A_14], %div3A_13 {strides = array<i32>} : memref<1000x1xf32, #tpu.memory_space<vmem>>, vector<1000x1xf32>,
    %get3A_16 = arith.constant 0 : index
    %get3A_17 = arith.constant 0 : index
    %get3A_18 = vector.load %arg2[%get3A_16, %get3A_17] : memref<1000x128xf32, #tpu.memory_space<vmem>>, vector<1000x128xf32>
    %get3A_19 = arith.constant 0 : index
    %get3A_20 = arith.constant 0 : index
    %get3A_21 = vector.load %arg3[%get3A_19, %get3A_20] : memref<128x128xf32, #tpu.memory_space<vmem>>, vector<128x128xf32>
    %dot_general3A = arith.constant dense<0.000000e+00> : vector<1000x128xf32>
    %dot_general3A_22 = tpu.matmul %get3A_18, %get3A_21, %dot_general3A {dimension_numbers = #tpu.dot_dimension_numbers<[1], [0], [0], [1], [0, 0, 1, 1], [], []>, transpose_lhs_hint = false} : vector<1000x128xf32>, vector<128x128xf32>, vector<1000x128xf32> -> vector<1000x128xf32>
    %mul3A = vector.broadcast %div3A_13 : vector<1000x1xf32> to vector<1000x128xf32>
    %mul3A_23 = arith.mulf %dot_general3A_22, %mul3A : vector<1000x128xf32>
    %swap3A_24 = arith.constant 0 : index
    %swap3A_25 = arith.constant 0 : index
    %swap3A_26 = vector.load %arg5[%swap3A_24, %swap3A_25] : memref<1000x128xf32, #tpu.memory_space<vmem>>, vector<1000x128xf32>
    tpu.vector_store %arg5[%swap3A_24, %swap3A_25], %mul3A_23 {strides = array<i32>} : memref<1000x128xf32, #tpu.memory_space<vmem>>, vector<1000x128xf32>,
    return
  }
  func.func @transform_0(%arg0: i32) -> (i32, i32, i32) {
    %c0_i32 = arith.constant 0 : i32
    %c0_i32_0 = arith.constant 0 : i32
    %c0_i32_1 = arith.constant 0 : i32
    return %c0_i32, %arg0, %c0_i32_0 : i32, i32, i32
  }
  func.func @transform_1(%arg0: i32) -> (i32, i32) {
    %c0_i32 = arith.constant 0 : i32
    %c0_i32_0 = arith.constant 0 : i32
    return %arg0, %c0_i32 : i32, i32
  }
  func.func @transform_2(%arg0: i32) -> (i32, i32) {
    %c0_i32 = arith.constant 0 : i32
    %c0_i32_0 = arith.constant 0 : i32
    %c0_i32_1 = arith.constant 0 : i32
    return %c0_i32, %c0_i32_0 : i32, i32
  }
  func.func @transform_3(%arg0: i32) -> (i32, i32) {
    %c0_i32 = arith.constant 0 : i32
    %c0_i32_0 = arith.constant 0 : i32
    return %arg0, %c0_i32 : i32, i32
  }
  func.func @transform_4(%arg0: i32) -> (i32, i32) {
    %c0_i32 = arith.constant 0 : i32
    %c0_i32_0 = arith.constant 0 : i32
    return %arg0, %c0_i32 : i32, i32
  }
}

module attributes {stable_mosaic.version = 14 : i64} {
  func.func @body(%arg0: i32, %arg1: memref<2x1000x128xf32, #tpu.memory_space<vmem>>, %arg2: memref<1000x128xf32, #tpu.memory_space<vmem>>, %arg3: memref<1000x1xf32, #tpu.memory_space<vmem>>, %arg4: memref<1x128xf32, #tpu.memory_space<vmem>>, %arg5: memref<128x128xf32, #tpu.memory_space<vmem>>, %arg6: memref<1000x128xf32, #tpu.memory_space<vmem>>, %arg7: memref<1000x128xf32, #tpu.memory_space<vmem>>) attributes {dimension_semantics = [#tpu.dimension_semantics<arbitrary>], iteration_bounds = array<i64: 10>, scalar_prefetch = 0 : i64, scratch_operands = 0 : i64, tpu.core_type = #tpu.core_type<tc>, window_params = [{transform_indices = @transform_0, window_bounds = array<i64: 2, 1000, 128>}, {transform_indices = @transform_1, window_bounds = array<i64: 1000, 128>}, {transform_indices = @transform_2, window_bounds = array<i64: 1000, 1>}, {pipeline_mode = #tpu.pipeline_mode<synchronous>, transform_indices = @transform_3, window_bounds = array<i64: 1, 128>}, {pipeline_mode = #tpu.pipeline_mode<synchronous>, transform_indices = @transform_4, window_bounds = array<i64: 128, 128>}, {transform_indices = @transform_5, window_bounds = array<i64: 1000, 128>}, {transform_indices = @transform_6, window_bounds = array<i64: 1000, 128>}]} {
    %get3A = arith.constant 0 : index
    %get3A_0 = arith.constant 0 : index
    %get3A_1 = vector.load %arg3[%get3A, %get3A_0] : memref<1000x1xf32, #tpu.memory_space<vmem>>, vector<1000x1xf32>
    %get3A_2 = arith.constant 0 : index
    %get3A_3 = arith.constant 0 : index
    %get3A_4 = arith.constant 0 : index
    %get3A_5 = vector.load %arg1[%get3A_2, %get3A_3, %get3A_4] : memref<2x1000x128xf32, #tpu.memory_space<vmem>>, vector<1x1000x128xf32>
    %get3A_6 = vector.shape_cast %get3A_5 : vector<1x1000x128xf32> to vector<1000x128xf32>
    %get3A_7 = arith.constant 1 : index
    %get3A_8 = arith.constant 0 : index
    %get3A_9 = arith.constant 0 : index
    %get3A_10 = vector.load %arg1[%get3A_7, %get3A_8, %get3A_9] : memref<2x1000x128xf32, #tpu.memory_space<vmem>>, vector<1x1000x128xf32>
    %get3A_11 = vector.shape_cast %get3A_10 : vector<1x1000x128xf32> to vector<1000x128xf32>
    %add3A = arith.addf %get3A_6, %get3A_11 : vector<1000x128xf32>
    %get3A_12 = arith.constant 0 : index
    %get3A_13 = arith.constant 0 : index
    %get3A_14 = vector.load %arg2[%get3A_12, %get3A_13] : memref<1000x128xf32, #tpu.memory_space<vmem>>, vector<1000x128xf32>
    %add3A_15 = arith.addf %add3A, %get3A_14 : vector<1000x128xf32>
    %mul3A = vector.broadcast %get3A_1 : vector<1000x1xf32> to vector<1000x128xf32>
    %mul3A_16 = arith.mulf %mul3A, %add3A_15 : vector<1000x128xf32>
    %get3A_17 = arith.constant 0 : index
    %get3A_18 = arith.constant 0 : index
    %get3A_19 = vector.load %arg4[%get3A_17, %get3A_18] : memref<1x128xf32, #tpu.memory_space<vmem>>, vector<1x128xf32>
    %add3A_20 = vector.broadcast %get3A_19 : vector<1x128xf32> to vector<1000x128xf32>
    %add3A_21 = arith.addf %mul3A_16, %add3A_20 : vector<1000x128xf32>
    %tanh3A = math.tanh %add3A_21 : vector<1000x128xf32>
    %swap3A = arith.constant 0 : index
    %swap3A_22 = arith.constant 0 : index
    %swap3A_23 = vector.load %arg6[%swap3A, %swap3A_22] : memref<1000x128xf32, #tpu.memory_space<vmem>>, vector<1000x128xf32>
    tpu.vector_store %arg6[%swap3A, %swap3A_22], %tanh3A {strides = array<i32>} : memref<1000x128xf32, #tpu.memory_space<vmem>>, vector<1000x128xf32>,
    %get3A_24 = arith.constant 0 : index
    %get3A_25 = arith.constant 0 : index
    %get3A_26 = vector.load %arg5[%get3A_24, %get3A_25] : memref<128x128xf32, #tpu.memory_space<vmem>>, vector<128x128xf32>
    %dot_general3A = arith.constant dense<0.000000e+00> : vector<1000x128xf32>
    %dot_general3A_27 = tpu.matmul %tanh3A, %get3A_26, %dot_general3A {dimension_numbers = #tpu.dot_dimension_numbers<[1], [0], [0], [1], [0, 0, 1, 1], [], []>, transpose_lhs_hint = false} : vector<1000x128xf32>, vector<128x128xf32>, vector<1000x128xf32> -> vector<1000x128xf32>
    %mul3A_28 = vector.broadcast %get3A_1 : vector<1000x1xf32> to vector<1000x128xf32>
    %mul3A_29 = arith.mulf %dot_general3A_27, %mul3A_28 : vector<1000x128xf32>
    %swap3A_30 = arith.constant 0 : index
    %swap3A_31 = arith.constant 0 : index
    %swap3A_32 = vector.load %arg7[%swap3A_30, %swap3A_31] : memref<1000x128xf32, #tpu.memory_space<vmem>>, vector<1000x128xf32>
    tpu.vector_store %arg7[%swap3A_30, %swap3A_31], %mul3A_29 {strides = array<i32>} : memref<1000x128xf32, #tpu.memory_space<vmem>>, vector<1000x128xf32>,
    return
  }
  func.func @transform_0(%arg0: i32) -> (i32, i32, i32) {
    %c0_i32 = arith.constant 0 : i32
    %c0_i32_0 = arith.constant 0 : i32
    %c0_i32_1 = arith.constant 0 : i32
    return %c0_i32, %arg0, %c0_i32_0 : i32, i32, i32
  }
  func.func @transform_1(%arg0: i32) -> (i32, i32) {
    %c0_i32 = arith.constant 0 : i32
    %c0_i32_0 = arith.constant 0 : i32
    return %arg0, %c0_i32 : i32, i32
  }
  func.func @transform_2(%arg0: i32) -> (i32, i32) {
    %c0_i32 = arith.constant 0 : i32
    %c0_i32_0 = arith.constant 0 : i32
    return %arg0, %c0_i32 : i32, i32
  }
  func.func @transform_3(%arg0: i32) -> (i32, i32) {
    %c0_i32 = arith.constant 0 : i32
    %c0_i32_0 = arith.constant 0 : i32
    %c0_i32_1 = arith.constant 0 : i32
    return %c0_i32, %c0_i32_0 : i32, i32
  }
  func.func @transform_4(%arg0: i32) -> (i32, i32) {
    %c0_i32 = arith.constant 0 : i32
    %c0_i32_0 = arith.constant 0 : i32
    %c0_i32_1 = arith.constant 0 : i32
    return %c0_i32, %c0_i32_0 : i32, i32
  }
  func.func @transform_5(%arg0: i32) -> (i32, i32) {
    %c0_i32 = arith.constant 0 : i32
    %c0_i32_0 = arith.constant 0 : i32
    return %arg0, %c0_i32 : i32, i32
  }
  func.func @transform_6(%arg0: i32) -> (i32, i32) {
    %c0_i32 = arith.constant 0 : i32
    %c0_i32_0 = arith.constant 0 : i32
    return %arg0, %c0_i32 : i32, i32
  }
}

module attributes {stable_mosaic.version = 14 : i64} {
  func.func @body(%arg0: i32, %arg1: memref<2x1000x128xf32, #tpu.memory_space<vmem>>, %arg2: memref<1000x128xf32, #tpu.memory_space<vmem>>, %arg3: memref<1000x1xf32, #tpu.memory_space<vmem>>, %arg4: memref<1x128xf32, #tpu.memory_space<vmem>>, %arg5: memref<1000x128xf32, #tpu.memory_space<vmem>>) attributes {dimension_semantics = [#tpu.dimension_semantics<arbitrary>], iteration_bounds = array<i64: 10>, scalar_prefetch = 0 : i64, scratch_operands = 0 : i64, tpu.core_type = #tpu.core_type<tc>, window_params = [{transform_indices = @transform_0, window_bounds = array<i64: 2, 1000, 128>}, {transform_indices = @transform_1, window_bounds = array<i64: 1000, 128>}, {transform_indices = @transform_2, window_bounds = array<i64: 1000, 1>}, {pipeline_mode = #tpu.pipeline_mode<synchronous>, transform_indices = @transform_3, window_bounds = array<i64: 1, 128>}, {transform_indices = @transform_4, window_bounds = array<i64: 1000, 128>}]} {
    %get3A = arith.constant 0 : index
    %get3A_0 = arith.constant 0 : index
    %get3A_1 = vector.load %arg3[%get3A, %get3A_0] : memref<1000x1xf32, #tpu.memory_space<vmem>>, vector<1000x1xf32>
    %get3A_2 = arith.constant 0 : index
    %get3A_3 = arith.constant 0 : index
    %get3A_4 = arith.constant 0 : index
    %get3A_5 = vector.load %arg1[%get3A_2, %get3A_3, %get3A_4] : memref<2x1000x128xf32, #tpu.memory_space<vmem>>, vector<1x1000x128xf32>
    %get3A_6 = vector.shape_cast %get3A_5 : vector<1x1000x128xf32> to vector<1000x128xf32>
    %get3A_7 = arith.constant 1 : index
    %get3A_8 = arith.constant 0 : index
    %get3A_9 = arith.constant 0 : index
    %get3A_10 = vector.load %arg1[%get3A_7, %get3A_8, %get3A_9] : memref<2x1000x128xf32, #tpu.memory_space<vmem>>, vector<1x1000x128xf32>
    %get3A_11 = vector.shape_cast %get3A_10 : vector<1x1000x128xf32> to vector<1000x128xf32>
    %add3A = arith.addf %get3A_6, %get3A_11 : vector<1000x128xf32>
    %get3A_12 = arith.constant 0 : index
    %get3A_13 = arith.constant 0 : index
    %get3A_14 = vector.load %arg2[%get3A_12, %get3A_13] : memref<1000x128xf32, #tpu.memory_space<vmem>>, vector<1000x128xf32>
    %add3A_15 = arith.addf %add3A, %get3A_14 : vector<1000x128xf32>
    %mul3A = vector.broadcast %get3A_1 : vector<1000x1xf32> to vector<1000x128xf32>
    %mul3A_16 = arith.mulf %mul3A, %add3A_15 : vector<1000x128xf32>
    %get3A_17 = arith.constant 0 : index
    %get3A_18 = arith.constant 0 : index
    %get3A_19 = vector.load %arg4[%get3A_17, %get3A_18] : memref<1x128xf32, #tpu.memory_space<vmem>>, vector<1x128xf32>
    %add3A_20 = vector.broadcast %get3A_19 : vector<1x128xf32> to vector<1000x128xf32>
    %add3A_21 = arith.addf %mul3A_16, %add3A_20 : vector<1000x128xf32>
    %tanh3A = math.tanh %add3A_21 : vector<1000x128xf32>
    %swap3A = arith.constant 0 : index
    %swap3A_22 = arith.constant 0 : index
    %swap3A_23 = vector.load %arg5[%swap3A, %swap3A_22] : memref<1000x128xf32, #tpu.memory_space<vmem>>, vector<1000x128xf32>
    tpu.vector_store %arg5[%swap3A, %swap3A_22], %tanh3A {strides = array<i32>} : memref<1000x128xf32, #tpu.memory_space<vmem>>, vector<1000x128xf32>,
    return
  }
  func.func @transform_0(%arg0: i32) -> (i32, i32, i32) {
    %c0_i32 = arith.constant 0 : i32
    %c0_i32_0 = arith.constant 0 : i32
    %c0_i32_1 = arith.constant 0 : i32
    return %c0_i32, %arg0, %c0_i32_0 : i32, i32, i32
  }
  func.func @transform_1(%arg0: i32) -> (i32, i32) {
    %c0_i32 = arith.constant 0 : i32
    %c0_i32_0 = arith.constant 0 : i32
    return %arg0, %c0_i32 : i32, i32
  }
  func.func @transform_2(%arg0: i32) -> (i32, i32) {
    %c0_i32 = arith.constant 0 : i32
    %c0_i32_0 = arith.constant 0 : i32
    return %arg0, %c0_i32 : i32, i32
  }
  func.func @transform_3(%arg0: i32) -> (i32, i32) {
    %c0_i32 = arith.constant 0 : i32
    %c0_i32_0 = arith.constant 0 : i32
    %c0_i32_1 = arith.constant 0 : i32
    return %c0_i32, %c0_i32_0 : i32, i32
  }
  func.func @transform_4(%arg0: i32) -> (i32, i32) {
    %c0_i32 = arith.constant 0 : i32
    %c0_i32_0 = arith.constant 0 : i32
    return %arg0, %c0_i32 : i32, i32
  }
}

module attributes {stable_mosaic.version = 14 : i64} {
  func.func @body(%arg0: i32, %arg1: i32, %arg2: memref<512x1xf32, #tpu.memory_space<vmem>>, %arg3: memref<1x2048xf32, #tpu.memory_space<vmem>>, %arg4: memref<512x1xi32, #tpu.memory_space<vmem>>, %arg5: memref<1x2048xi32, #tpu.memory_space<vmem>>, %arg6: memref<512x1xi32, #tpu.memory_space<vmem>>) attributes {dimension_semantics = [#tpu.dimension_semantics<arbitrary>, #tpu.dimension_semantics<arbitrary>], iteration_bounds = array<i64: 20, 5>, scalar_prefetch = 0 : i64, scratch_operands = 0 : i64, tpu.core_type = #tpu.core_type<tc>, window_params = [{transform_indices = @transform_0, window_bounds = array<i64: 512, 1>}, {transform_indices = @transform_1, window_bounds = array<i64: 1, 2048>}, {transform_indices = @transform_2, window_bounds = array<i64: 512, 1>}, {transform_indices = @transform_3, window_bounds = array<i64: 1, 2048>}, {transform_indices = @transform_4, window_bounds = array<i64: 512, 1>}]} {
    %eq3A = arith.constant 0 : i32
    %eq3A_0 = arith.cmpi eq, %arg1, %eq3A : i32
    %convert_element_type3A = arith.extui %eq3A_0 : i1 to i32
    %cond3A = arith.constant 0 : i32
    %cond3A_1 = arith.cmpi ne, %convert_element_type3A, %cond3A : i32
    scf.if %cond3A_1 {
      %broadcast_in_dim3A = arith.constant 0 : i32
      %broadcast_in_dim3A_33 = vector.broadcast %broadcast_in_dim3A : i32 to vector<512x1xi32>
      %swap3A = arith.constant 0 : index
      %swap3A_34 = arith.constant 0 : index
      %swap3A_35 = vector.load %arg6[%swap3A, %swap3A_34] : memref<512x1xi32, #tpu.memory_space<vmem>>, vector<512x1xi32>
      tpu.vector_store %arg6[%swap3A, %swap3A_34], %broadcast_in_dim3A_33 {strides = array<i32>} : memref<512x1xi32, #tpu.memory_space<vmem>>, vector<512x1xi32>,
    } else {
    }
    %get3A = arith.constant 0 : index
    %get3A_2 = arith.constant 0 : index
    %get3A_3 = vector.load %arg4[%get3A, %get3A_2] : memref<512x1xi32, #tpu.memory_space<vmem>>, vector<512x1xi32>
    %get3A_4 = arith.constant 0 : index
    %get3A_5 = arith.constant 0 : index
    %get3A_6 = vector.load %arg5[%get3A_4, %get3A_5] : memref<1x2048xi32, #tpu.memory_space<vmem>>, vector<1x2048xi32>
    %reduce_max3A = vector.shape_cast %get3A_6 : vector<1x2048xi32> to vector<1x1x2048xi32>
    %reduce_max3A_7 = arith.constant dense<-2147483648> : vector<1xi32>
    %reduce_max3A_8 = vector.multi_reduction <maxsi>, %reduce_max3A, %reduce_max3A_7 [1, 2] : vector<1x1x2048xi32> to vector<1xi32>
    %reduce_max3A_9 = vector.shape_cast %reduce_max3A_8 : vector<1xi32> to vector<1x1x1xi32>
    %reduce_max3A_10 = vector.extract %reduce_max3A_9[0, 0, 0] : i32 from vector<1x1x1xi32>
    %reduce_min3A = vector.shape_cast %get3A_3 : vector<512x1xi32> to vector<1x512x1xi32>
    %reduce_min3A_11 = arith.constant dense<2147483647> : vector<1xi32>
    %reduce_min3A_12 = vector.multi_reduction <minsi>, %reduce_min3A, %reduce_min3A_11 [1, 2] : vector<1x512x1xi32> to vector<1xi32>
    %reduce_min3A_13 = vector.shape_cast %reduce_min3A_12 : vector<1xi32> to vector<1x1x1xi32>
    %reduce_min3A_14 = vector.extract %reduce_min3A_13[0, 0, 0] : i32 from vector<1x1x1xi32>
    %ge3A = arith.cmpi sge, %reduce_max3A_10, %reduce_min3A_14 : i32
    %reduce_min3A_15 = vector.shape_cast %get3A_6 : vector<1x2048xi32> to vector<1x1x2048xi32>
    %reduce_min3A_16 = arith.constant dense<2147483647> : vector<1xi32>
    %reduce_min3A_17 = vector.multi_reduction <minsi>, %reduce_min3A_15, %reduce_min3A_16 [1, 2] : vector<1x1x2048xi32> to vector<1xi32>
    %reduce_min3A_18 = vector.shape_cast %reduce_min3A_17 : vector<1xi32> to vector<1x1x1xi32>
    %reduce_min3A_19 = vector.extract %reduce_min3A_18[0, 0, 0] : i32 from vector<1x1x1xi32>
    %reduce_max3A_20 = vector.shape_cast %get3A_3 : vector<512x1xi32> to vector<1x512x1xi32>
    %reduce_max3A_21 = arith.constant dense<-2147483648> : vector<1xi32>
    %reduce_max3A_22 = vector.multi_reduction <maxsi>, %reduce_max3A_20, %reduce_max3A_21 [1, 2] : vector<1x512x1xi32> to vector<1xi32>
    %reduce_max3A_23 = vector.shape_cast %reduce_max3A_22 : vector<1xi32> to vector<1x1x1xi32>
    %reduce_max3A_24 = vector.extract %reduce_max3A_23[0, 0, 0] : i32 from vector<1x1x1xi32>
    %le3A = arith.cmpi sle, %reduce_min3A_19, %reduce_max3A_24 : i32
    %and3A = arith.andi %ge3A, %le3A : i1
    %convert_element_type3A_25 = arith.extui %and3A : i1 to i32
    %cond3A_26 = arith.constant 0 : i32
    %cond3A_27 = arith.cmpi ne, %convert_element_type3A_25, %cond3A_26 : i32
    scf.if %cond3A_27 {
      %get3A_33 = arith.constant 0 : index
      %get3A_34 = arith.constant 0 : index
      %get3A_35 = vector.load %arg2[%get3A_33, %get3A_34] : memref<512x1xf32, #tpu.memory_space<vmem>>, vector<512x1xf32>
      %get3A_36 = arith.constant 0 : index
      %get3A_37 = arith.constant 0 : index
      %get3A_38 = vector.load %arg3[%get3A_36, %get3A_37] : memref<1x2048xf32, #tpu.memory_space<vmem>>, vector<1x2048xf32>
      %mul3A = arith.constant 512 : i32
      %mul3A_39 = arith.muli %arg0, %mul3A : i32
      %iota3A = tpu.iota {dimensions = array<i32: 0>} : vector<512x1xi32>
      %add3A = vector.broadcast %mul3A_39 : i32 to vector<512x1xi32>
      %add3A_40 = arith.addi %add3A, %iota3A : vector<512x1xi32>
      %mul3A_41 = arith.constant 2048 : i32
      %mul3A_42 = arith.muli %arg1, %mul3A_41 : i32
      %iota3A_43 = tpu.iota {dimensions = array<i32: 1>} : vector<1x2048xi32>
      %add3A_44 = vector.broadcast %mul3A_42 : i32 to vector<1x2048xi32>
      %add3A_45 = arith.addi %add3A_44, %iota3A_43 : vector<1x2048xi32>
      %gt3A = vector.broadcast %get3A_38 : vector<1x2048xf32> to vector<512x2048xf32>
      %gt3A_46 = vector.broadcast %get3A_35 : vector<512x1xf32> to vector<512x2048xf32>
      %gt3A_47 = arith.cmpf ogt, %gt3A, %gt3A_46 : vector<512x2048xf32>
      %eq3A_48 = vector.broadcast %get3A_38 : vector<1x2048xf32> to vector<512x2048xf32>
      %eq3A_49 = vector.broadcast %get3A_35 : vector<512x1xf32> to vector<512x2048xf32>
      %eq3A_50 = arith.cmpf oeq, %eq3A_48, %eq3A_49 : vector<512x2048xf32>
      %lt3A = vector.broadcast %add3A_45 : vector<1x2048xi32> to vector<512x2048xi32>
      %lt3A_51 = vector.broadcast %add3A_40 : vector<512x1xi32> to vector<512x2048xi32>
      %lt3A_52 = arith.cmpi slt, %lt3A, %lt3A_51 : vector<512x2048xi32>
      %and3A_53 = arith.andi %eq3A_50, %lt3A_52 : vector<512x2048xi1>
      %or3A = arith.ori %gt3A_47, %and3A_53 : vector<512x2048xi1>
      %eq3A_54 = vector.broadcast %get3A_3 : vector<512x1xi32> to vector<512x2048xi32>
      %eq3A_55 = vector.broadcast %get3A_6 : vector<1x2048xi32> to vector<512x2048xi32>
      %eq3A_56 = arith.cmpi eq, %eq3A_54, %eq3A_55 : vector<512x2048xi32>
      %and3A_57 = arith.andi %eq3A_56, %or3A : vector<512x2048xi1>
      %get3A_58 = arith.constant 0 : index
      %get3A_59 = arith.constant 0 : index
      %get3A_60 = vector.load %arg6[%get3A_58, %get3A_59] : memref<512x1xi32, #tpu.memory_space<vmem>>, vector<512x1xi32>
      %convert_element_type3A_61 = arith.extui %and3A_57 : vector<512x2048xi1> to vector<512x2048xi32>
      %reduce_sum3A = arith.constant dense<0> : vector<512xi32>
      %reduce_sum3A_62 = vector.multi_reduction <add>, %convert_element_type3A_61, %reduce_sum3A [1] : vector<512x2048xi32> to vector<512xi32>
      %broadcast_in_dim3A = vector.shape_cast %reduce_sum3A_62 : vector<512xi32> to vector<512x1xi32>
      %add3A_63 = arith.addi %get3A_60, %broadcast_in_dim3A : vector<512x1xi32>
      %swap3A = arith.constant 0 : index
      %swap3A_64 = arith.constant 0 : index
      %swap3A_65 = vector.load %arg6[%swap3A, %swap3A_64] : memref<512x1xi32, #tpu.memory_space<vmem>>, vector<512x1xi32>
      tpu.vector_store %arg6[%swap3A, %swap3A_64], %add3A_63 {strides = array<i32>} : memref<512x1xi32, #tpu.memory_space<vmem>>, vector<512x1xi32>,
    } else {
    }
    %eq3A_28 = arith.constant 4 : i32
    %eq3A_29 = arith.cmpi eq, %arg1, %eq3A_28 : i32
    %convert_element_type3A_30 = arith.extui %eq3A_29 : i1 to i32
    %cond3A_31 = arith.constant 0 : i32
    %cond3A_32 = arith.cmpi ne, %convert_element_type3A_30, %cond3A_31 : i32
    scf.if %cond3A_32 {
      %get3A_33 = arith.constant 0 : index
      %get3A_34 = arith.constant 0 : index
      %get3A_35 = vector.load %arg6[%get3A_33, %get3A_34] : memref<512x1xi32, #tpu.memory_space<vmem>>, vector<512x1xi32>
      %lt3A = arith.constant 30 : i32
      %lt3A_36 = vector.broadcast %lt3A : i32 to vector<512x1xi32>
      %lt3A_37 = arith.cmpi slt, %get3A_35, %lt3A_36 : vector<512x1xi32>
      %lt3A_38 = arith.constant 128 : i32
      %lt3A_39 = vector.broadcast %lt3A_38 : i32 to vector<512x1xi32>
      %lt3A_40 = arith.cmpi slt, %get3A_3, %lt3A_39 : vector<512x1xi32>
      %and3A_41 = arith.andi %lt3A_37, %lt3A_40 : vector<512x1xi1>
      %mul3A = arith.constant 30 : i32
      %mul3A_42 = vector.broadcast %mul3A : i32 to vector<512x1xi32>
      %mul3A_43 = arith.muli %get3A_3, %mul3A_42 : vector<512x1xi32>
      %add3A = arith.addi %mul3A_43, %get3A_35 : vector<512x1xi32>
      %jit3A = arith.constant 3840 : i32
      %broadcast_in_dim3A = vector.broadcast %jit3A : i32 to vector<512x1xi32>
      %select_n3A = arith.select %and3A_41, %add3A, %broadcast_in_dim3A : vector<512x1xi1>, vector<512x1xi32>
      %swap3A = arith.constant 0 : index
      %swap3A_44 = arith.constant 0 : index
      %swap3A_45 = vector.load %arg6[%swap3A, %swap3A_44] : memref<512x1xi32, #tpu.memory_space<vmem>>, vector<512x1xi32>
      tpu.vector_store %arg6[%swap3A, %swap3A_44], %select_n3A {strides = array<i32>} : memref<512x1xi32, #tpu.memory_space<vmem>>, vector<512x1xi32>,
    } else {
    }
    return
  }
  func.func @transform_0(%arg0: i32, %arg1: i32) -> (i32, i32) {
    %c0_i32 = arith.constant 0 : i32
    %c0_i32_0 = arith.constant 0 : i32
    return %arg0, %c0_i32 : i32, i32
  }
  func.func @transform_1(%arg0: i32, %arg1: i32) -> (i32, i32) {
    %c0_i32 = arith.constant 0 : i32
    %c0_i32_0 = arith.constant 0 : i32
    return %c0_i32, %arg1 : i32, i32
  }
  func.func @transform_2(%arg0: i32, %arg1: i32) -> (i32, i32) {
    %c0_i32 = arith.constant 0 : i32
    %c0_i32_0 = arith.constant 0 : i32
    return %arg0, %c0_i32 : i32, i32
  }
  func.func @transform_3(%arg0: i32, %arg1: i32) -> (i32, i32) {
    %c0_i32 = arith.constant 0 : i32
    %c0_i32_0 = arith.constant 0 : i32
    return %c0_i32, %arg1 : i32, i32
  }
  func.func @transform_4(%arg0: i32, %arg1: i32) -> (i32, i32) {
    %c0_i32 = arith.constant 0 : i32
    %c0_i32_0 = arith.constant 0 : i32
    return %arg0, %c0_i32 : i32, i32
  }
}

module attributes {stable_mosaic.version = 14 : i64} {
  func.func @body(%arg0: memref<2x3840x128xf32, #tpu.memory_space<vmem>>, %arg1: memref<97x16xf32, #tpu.memory_space<vmem>>, %arg2: memref<1x16xf32, #tpu.memory_space<vmem>>, %arg3: memref<80x32xf32, #tpu.memory_space<vmem>>, %arg4: memref<1x32xf32, #tpu.memory_space<vmem>>, %arg5: memref<352x128xf32, #tpu.memory_space<vmem>>, %arg6: memref<1x128xf32, #tpu.memory_space<vmem>>, %arg7: memref<128x1xf32, #tpu.memory_space<vmem>>, %arg8: memref<1x1xf32, #tpu.memory_space<vmem>>, %arg9: memref<128x1xf32, #tpu.memory_space<vmem>>) attributes {dimension_semantics = [], scalar_prefetch = 0 : i64, scratch_operands = 0 : i64, tpu.core_type = #tpu.core_type<tc>} {
    %get3A = arith.constant 0 : index
    %get3A_0 = arith.constant 0 : index
    %get3A_1 = arith.constant 0 : index
    %get3A_2 = vector.load %arg0[%get3A, %get3A_0, %get3A_1] : memref<2x3840x128xf32, #tpu.memory_space<vmem>>, vector<1x3840x128xf32>
    %get3A_3 = vector.shape_cast %get3A_2 : vector<1x3840x128xf32> to vector<3840x128xf32>
    %get3A_4 = arith.constant 1 : index
    %get3A_5 = arith.constant 0 : index
    %get3A_6 = arith.constant 0 : index
    %get3A_7 = vector.load %arg0[%get3A_4, %get3A_5, %get3A_6] : memref<2x3840x128xf32, #tpu.memory_space<vmem>>, vector<1x3840x128xf32>
    %get3A_8 = vector.shape_cast %get3A_7 : vector<1x3840x128xf32> to vector<3840x128xf32>
    %add3A = arith.addf %get3A_3, %get3A_8 : vector<3840x128xf32>
    %slice3A = vector.extract_strided_slice %add3A {offsets = [0, 0], sizes = [3840, 97], strides = [1, 1]} : vector<3840x128xf32> to vector<3840x97xf32>
    %get3A_9 = arith.constant 0 : index
    %get3A_10 = arith.constant 0 : index
    %get3A_11 = vector.load %arg1[%get3A_9, %get3A_10] : memref<97x16xf32, #tpu.memory_space<vmem>>, vector<97x16xf32>
    %dot_general3A = arith.constant dense<0.000000e+00> : vector<3840x16xf32>
    %dot_general3A_12 = tpu.matmul %slice3A, %get3A_11, %dot_general3A {dimension_numbers = #tpu.dot_dimension_numbers<[1], [0], [0], [1], [0, 0, 1, 1], [], []>, transpose_lhs_hint = false} : vector<3840x97xf32>, vector<97x16xf32>, vector<3840x16xf32> -> vector<3840x16xf32>
    %get3A_13 = arith.constant 0 : index
    %get3A_14 = arith.constant 0 : index
    %get3A_15 = vector.load %arg2[%get3A_13, %get3A_14] : memref<1x16xf32, #tpu.memory_space<vmem>>, vector<1x16xf32>
    %add3A_16 = vector.broadcast %get3A_15 : vector<1x16xf32> to vector<3840x16xf32>
    %add3A_17 = arith.addf %dot_general3A_12, %add3A_16 : vector<3840x16xf32>
    %max3A = arith.constant 0.000000e+00 : f32
    %max3A_18 = vector.broadcast %max3A : f32 to vector<3840x16xf32>
    %max3A_19 = arith.maximumf %add3A_17, %max3A_18 : vector<3840x16xf32>
    %reshape3A = vector.shape_cast %max3A_19 : vector<3840x16xf32> to vector<1920x2x16xf32>
    %slice3A_20 = vector.extract_strided_slice %reshape3A {offsets = [0, 0, 0], sizes = [1920, 1, 16], strides = [1, 1, 1]} : vector<1920x2x16xf32> to vector<1920x1x16xf32>
    %squeeze3A = vector.shape_cast %slice3A_20 : vector<1920x1x16xf32> to vector<1920x16xf32>
    %slice3A_21 = vector.extract_strided_slice %reshape3A {offsets = [0, 1, 0], sizes = [1920, 1, 16], strides = [1, 1, 1]} : vector<1920x2x16xf32> to vector<1920x1x16xf32>
    %squeeze3A_22 = vector.shape_cast %slice3A_21 : vector<1920x1x16xf32> to vector<1920x16xf32>
    %max3A_23 = arith.maximumf %squeeze3A, %squeeze3A_22 : vector<1920x16xf32>
    %reshape3A_24 = vector.shape_cast %max3A_23 : vector<1920x16xf32> to vector<128x15x16xf32>
    %slice3A_25 = vector.extract_strided_slice %reshape3A_24 {offsets = [0, 0, 0], sizes = [128, 1, 16], strides = [1, 1, 1]} : vector<128x15x16xf32> to vector<128x1x16xf32>
    %squeeze3A_26 = vector.shape_cast %slice3A_25 : vector<128x1x16xf32> to vector<128x16xf32>
    %slice3A_27 = vector.extract_strided_slice %reshape3A_24 {offsets = [0, 1, 0], sizes = [128, 1, 16], strides = [1, 1, 1]} : vector<128x15x16xf32> to vector<128x1x16xf32>
    %squeeze3A_28 = vector.shape_cast %slice3A_27 : vector<128x1x16xf32> to vector<128x16xf32>
    %slice3A_29 = vector.extract_strided_slice %reshape3A_24 {offsets = [0, 2, 0], sizes = [128, 1, 16], strides = [1, 1, 1]} : vector<128x15x16xf32> to vector<128x1x16xf32>
    %squeeze3A_30 = vector.shape_cast %slice3A_29 : vector<128x1x16xf32> to vector<128x16xf32>
    %slice3A_31 = vector.extract_strided_slice %reshape3A_24 {offsets = [0, 3, 0], sizes = [128, 1, 16], strides = [1, 1, 1]} : vector<128x15x16xf32> to vector<128x1x16xf32>
    %squeeze3A_32 = vector.shape_cast %slice3A_31 : vector<128x1x16xf32> to vector<128x16xf32>
    %slice3A_33 = vector.extract_strided_slice %reshape3A_24 {offsets = [0, 4, 0], sizes = [128, 1, 16], strides = [1, 1, 1]} : vector<128x15x16xf32> to vector<128x1x16xf32>
    %squeeze3A_34 = vector.shape_cast %slice3A_33 : vector<128x1x16xf32> to vector<128x16xf32>
    %concatenate3A = tpu.concatenate %squeeze3A_26, %squeeze3A_28, %squeeze3A_30, %squeeze3A_32, %squeeze3A_34 in 1 : vector<128x16xf32>, vector<128x16xf32>, vector<128x16xf32>, vector<128x16xf32>, vector<128x16xf32> -> vector<128x80xf32>
    %get3A_35 = arith.constant 0 : index
    %get3A_36 = arith.constant 0 : index
    %get3A_37 = vector.load %arg3[%get3A_35, %get3A_36] : memref<80x32xf32, #tpu.memory_space<vmem>>, vector<80x32xf32>
    %dot_general3A_38 = arith.constant dense<0.000000e+00> : vector<128x32xf32>
    %dot_general3A_39 = tpu.matmul %concatenate3A, %get3A_37, %dot_general3A_38 {dimension_numbers = #tpu.dot_dimension_numbers<[1], [0], [0], [1], [0, 0, 1, 1], [], []>, transpose_lhs_hint = false} : vector<128x80xf32>, vector<80x32xf32>, vector<128x32xf32> -> vector<128x32xf32>
    %get3A_40 = arith.constant 0 : index
    %get3A_41 = arith.constant 0 : index
    %get3A_42 = vector.load %arg4[%get3A_40, %get3A_41] : memref<1x32xf32, #tpu.memory_space<vmem>>, vector<1x32xf32>
    %add3A_43 = vector.broadcast %get3A_42 : vector<1x32xf32> to vector<128x32xf32>
    %add3A_44 = arith.addf %dot_general3A_39, %add3A_43 : vector<128x32xf32>
    %max3A_45 = arith.constant 0.000000e+00 : f32
    %max3A_46 = vector.broadcast %max3A_45 : f32 to vector<128x32xf32>
    %max3A_47 = arith.maximumf %add3A_44, %max3A_46 : vector<128x32xf32>
    %slice3A_48 = vector.extract_strided_slice %reshape3A_24 {offsets = [0, 1, 0], sizes = [128, 1, 16], strides = [1, 1, 1]} : vector<128x15x16xf32> to vector<128x1x16xf32>
    %squeeze3A_49 = vector.shape_cast %slice3A_48 : vector<128x1x16xf32> to vector<128x16xf32>
    %slice3A_50 = vector.extract_strided_slice %reshape3A_24 {offsets = [0, 2, 0], sizes = [128, 1, 16], strides = [1, 1, 1]} : vector<128x15x16xf32> to vector<128x1x16xf32>
    %squeeze3A_51 = vector.shape_cast %slice3A_50 : vector<128x1x16xf32> to vector<128x16xf32>
    %slice3A_52 = vector.extract_strided_slice %reshape3A_24 {offsets = [0, 3, 0], sizes = [128, 1, 16], strides = [1, 1, 1]} : vector<128x15x16xf32> to vector<128x1x16xf32>
    %squeeze3A_53 = vector.shape_cast %slice3A_52 : vector<128x1x16xf32> to vector<128x16xf32>
    %slice3A_54 = vector.extract_strided_slice %reshape3A_24 {offsets = [0, 4, 0], sizes = [128, 1, 16], strides = [1, 1, 1]} : vector<128x15x16xf32> to vector<128x1x16xf32>
    %squeeze3A_55 = vector.shape_cast %slice3A_54 : vector<128x1x16xf32> to vector<128x16xf32>
    %slice3A_56 = vector.extract_strided_slice %reshape3A_24 {offsets = [0, 5, 0], sizes = [128, 1, 16], strides = [1, 1, 1]} : vector<128x15x16xf32> to vector<128x1x16xf32>
    %squeeze3A_57 = vector.shape_cast %slice3A_56 : vector<128x1x16xf32> to vector<128x16xf32>
    %concatenate3A_58 = tpu.concatenate %squeeze3A_49, %squeeze3A_51, %squeeze3A_53, %squeeze3A_55, %squeeze3A_57 in 1 : vector<128x16xf32>, vector<128x16xf32>, vector<128x16xf32>, vector<128x16xf32>, vector<128x16xf32> -> vector<128x80xf32>
    %get3A_59 = arith.constant 0 : index
    %get3A_60 = arith.constant 0 : index
    %get3A_61 = vector.load %arg3[%get3A_59, %get3A_60] : memref<80x32xf32, #tpu.memory_space<vmem>>, vector<80x32xf32>
    %dot_general3A_62 = arith.constant dense<0.000000e+00> : vector<128x32xf32>
    %dot_general3A_63 = tpu.matmul %concatenate3A_58, %get3A_61, %dot_general3A_62 {dimension_numbers = #tpu.dot_dimension_numbers<[1], [0], [0], [1], [0, 0, 1, 1], [], []>, transpose_lhs_hint = false} : vector<128x80xf32>, vector<80x32xf32>, vector<128x32xf32> -> vector<128x32xf32>
    %get3A_64 = arith.constant 0 : index
    %get3A_65 = arith.constant 0 : index
    %get3A_66 = vector.load %arg4[%get3A_64, %get3A_65] : memref<1x32xf32, #tpu.memory_space<vmem>>, vector<1x32xf32>
    %add3A_67 = vector.broadcast %get3A_66 : vector<1x32xf32> to vector<128x32xf32>
    %add3A_68 = arith.addf %dot_general3A_63, %add3A_67 : vector<128x32xf32>
    %max3A_69 = arith.constant 0.000000e+00 : f32
    %max3A_70 = vector.broadcast %max3A_69 : f32 to vector<128x32xf32>
    %max3A_71 = arith.maximumf %add3A_68, %max3A_70 : vector<128x32xf32>
    %slice3A_72 = vector.extract_strided_slice %reshape3A_24 {offsets = [0, 2, 0], sizes = [128, 1, 16], strides = [1, 1, 1]} : vector<128x15x16xf32> to vector<128x1x16xf32>
    %squeeze3A_73 = vector.shape_cast %slice3A_72 : vector<128x1x16xf32> to vector<128x16xf32>
    %slice3A_74 = vector.extract_strided_slice %reshape3A_24 {offsets = [0, 3, 0], sizes = [128, 1, 16], strides = [1, 1, 1]} : vector<128x15x16xf32> to vector<128x1x16xf32>
    %squeeze3A_75 = vector.shape_cast %slice3A_74 : vector<128x1x16xf32> to vector<128x16xf32>
    %slice3A_76 = vector.extract_strided_slice %reshape3A_24 {offsets = [0, 4, 0], sizes = [128, 1, 16], strides = [1, 1, 1]} : vector<128x15x16xf32> to vector<128x1x16xf32>
    %squeeze3A_77 = vector.shape_cast %slice3A_76 : vector<128x1x16xf32> to vector<128x16xf32>
    %slice3A_78 = vector.extract_strided_slice %reshape3A_24 {offsets = [0, 5, 0], sizes = [128, 1, 16], strides = [1, 1, 1]} : vector<128x15x16xf32> to vector<128x1x16xf32>
    %squeeze3A_79 = vector.shape_cast %slice3A_78 : vector<128x1x16xf32> to vector<128x16xf32>
    %slice3A_80 = vector.extract_strided_slice %reshape3A_24 {offsets = [0, 6, 0], sizes = [128, 1, 16], strides = [1, 1, 1]} : vector<128x15x16xf32> to vector<128x1x16xf32>
    %squeeze3A_81 = vector.shape_cast %slice3A_80 : vector<128x1x16xf32> to vector<128x16xf32>
    %concatenate3A_82 = tpu.concatenate %squeeze3A_73, %squeeze3A_75, %squeeze3A_77, %squeeze3A_79, %squeeze3A_81 in 1 : vector<128x16xf32>, vector<128x16xf32>, vector<128x16xf32>, vector<128x16xf32>, vector<128x16xf32> -> vector<128x80xf32>
    %get3A_83 = arith.constant 0 : index
    %get3A_84 = arith.constant 0 : index
    %get3A_85 = vector.load %arg3[%get3A_83, %get3A_84] : memref<80x32xf32, #tpu.memory_space<vmem>>, vector<80x32xf32>
    %dot_general3A_86 = arith.constant dense<0.000000e+00> : vector<128x32xf32>
    %dot_general3A_87 = tpu.matmul %concatenate3A_82, %get3A_85, %dot_general3A_86 {dimension_numbers = #tpu.dot_dimension_numbers<[1], [0], [0], [1], [0, 0, 1, 1], [], []>, transpose_lhs_hint = false} : vector<128x80xf32>, vector<80x32xf32>, vector<128x32xf32> -> vector<128x32xf32>
    %get3A_88 = arith.constant 0 : index
    %get3A_89 = arith.constant 0 : index
    %get3A_90 = vector.load %arg4[%get3A_88, %get3A_89] : memref<1x32xf32, #tpu.memory_space<vmem>>, vector<1x32xf32>
    %add3A_91 = vector.broadcast %get3A_90 : vector<1x32xf32> to vector<128x32xf32>
    %add3A_92 = arith.addf %dot_general3A_87, %add3A_91 : vector<128x32xf32>
    %max3A_93 = arith.constant 0.000000e+00 : f32
    %max3A_94 = vector.broadcast %max3A_93 : f32 to vector<128x32xf32>
    %max3A_95 = arith.maximumf %add3A_92, %max3A_94 : vector<128x32xf32>
    %slice3A_96 = vector.extract_strided_slice %reshape3A_24 {offsets = [0, 3, 0], sizes = [128, 1, 16], strides = [1, 1, 1]} : vector<128x15x16xf32> to vector<128x1x16xf32>
    %squeeze3A_97 = vector.shape_cast %slice3A_96 : vector<128x1x16xf32> to vector<128x16xf32>
    %slice3A_98 = vector.extract_strided_slice %reshape3A_24 {offsets = [0, 4, 0], sizes = [128, 1, 16], strides = [1, 1, 1]} : vector<128x15x16xf32> to vector<128x1x16xf32>
    %squeeze3A_99 = vector.shape_cast %slice3A_98 : vector<128x1x16xf32> to vector<128x16xf32>
    %slice3A_100 = vector.extract_strided_slice %reshape3A_24 {offsets = [0, 5, 0], sizes = [128, 1, 16], strides = [1, 1, 1]} : vector<128x15x16xf32> to vector<128x1x16xf32>
    %squeeze3A_101 = vector.shape_cast %slice3A_100 : vector<128x1x16xf32> to vector<128x16xf32>
    %slice3A_102 = vector.extract_strided_slice %reshape3A_24 {offsets = [0, 6, 0], sizes = [128, 1, 16], strides = [1, 1, 1]} : vector<128x15x16xf32> to vector<128x1x16xf32>
    %squeeze3A_103 = vector.shape_cast %slice3A_102 : vector<128x1x16xf32> to vector<128x16xf32>
    %slice3A_104 = vector.extract_strided_slice %reshape3A_24 {offsets = [0, 7, 0], sizes = [128, 1, 16], strides = [1, 1, 1]} : vector<128x15x16xf32> to vector<128x1x16xf32>
    %squeeze3A_105 = vector.shape_cast %slice3A_104 : vector<128x1x16xf32> to vector<128x16xf32>
    %concatenate3A_106 = tpu.concatenate %squeeze3A_97, %squeeze3A_99, %squeeze3A_101, %squeeze3A_103, %squeeze3A_105 in 1 : vector<128x16xf32>, vector<128x16xf32>, vector<128x16xf32>, vector<128x16xf32>, vector<128x16xf32> -> vector<128x80xf32>
    %get3A_107 = arith.constant 0 : index
    %get3A_108 = arith.constant 0 : index
    %get3A_109 = vector.load %arg3[%get3A_107, %get3A_108] : memref<80x32xf32, #tpu.memory_space<vmem>>, vector<80x32xf32>
    %dot_general3A_110 = arith.constant dense<0.000000e+00> : vector<128x32xf32>
    %dot_general3A_111 = tpu.matmul %concatenate3A_106, %get3A_109, %dot_general3A_110 {dimension_numbers = #tpu.dot_dimension_numbers<[1], [0], [0], [1], [0, 0, 1, 1], [], []>, transpose_lhs_hint = false} : vector<128x80xf32>, vector<80x32xf32>, vector<128x32xf32> -> vector<128x32xf32>
    %get3A_112 = arith.constant 0 : index
    %get3A_113 = arith.constant 0 : index
    %get3A_114 = vector.load %arg4[%get3A_112, %get3A_113] : memref<1x32xf32, #tpu.memory_space<vmem>>, vector<1x32xf32>
    %add3A_115 = vector.broadcast %get3A_114 : vector<1x32xf32> to vector<128x32xf32>
    %add3A_116 = arith.addf %dot_general3A_111, %add3A_115 : vector<128x32xf32>
    %max3A_117 = arith.constant 0.000000e+00 : f32
    %max3A_118 = vector.broadcast %max3A_117 : f32 to vector<128x32xf32>
    %max3A_119 = arith.maximumf %add3A_116, %max3A_118 : vector<128x32xf32>
    %slice3A_120 = vector.extract_strided_slice %reshape3A_24 {offsets = [0, 4, 0], sizes = [128, 1, 16], strides = [1, 1, 1]} : vector<128x15x16xf32> to vector<128x1x16xf32>
    %squeeze3A_121 = vector.shape_cast %slice3A_120 : vector<128x1x16xf32> to vector<128x16xf32>
    %slice3A_122 = vector.extract_strided_slice %reshape3A_24 {offsets = [0, 5, 0], sizes = [128, 1, 16], strides = [1, 1, 1]} : vector<128x15x16xf32> to vector<128x1x16xf32>
    %squeeze3A_123 = vector.shape_cast %slice3A_122 : vector<128x1x16xf32> to vector<128x16xf32>
    %slice3A_124 = vector.extract_strided_slice %reshape3A_24 {offsets = [0, 6, 0], sizes = [128, 1, 16], strides = [1, 1, 1]} : vector<128x15x16xf32> to vector<128x1x16xf32>
    %squeeze3A_125 = vector.shape_cast %slice3A_124 : vector<128x1x16xf32> to vector<128x16xf32>
    %slice3A_126 = vector.extract_strided_slice %reshape3A_24 {offsets = [0, 7, 0], sizes = [128, 1, 16], strides = [1, 1, 1]} : vector<128x15x16xf32> to vector<128x1x16xf32>
    %squeeze3A_127 = vector.shape_cast %slice3A_126 : vector<128x1x16xf32> to vector<128x16xf32>
    %slice3A_128 = vector.extract_strided_slice %reshape3A_24 {offsets = [0, 8, 0], sizes = [128, 1, 16], strides = [1, 1, 1]} : vector<128x15x16xf32> to vector<128x1x16xf32>
    %squeeze3A_129 = vector.shape_cast %slice3A_128 : vector<128x1x16xf32> to vector<128x16xf32>
    %concatenate3A_130 = tpu.concatenate %squeeze3A_121, %squeeze3A_123, %squeeze3A_125, %squeeze3A_127, %squeeze3A_129 in 1 : vector<128x16xf32>, vector<128x16xf32>, vector<128x16xf32>, vector<128x16xf32>, vector<128x16xf32> -> vector<128x80xf32>
    %get3A_131 = arith.constant 0 : index
    %get3A_132 = arith.constant 0 : index
    %get3A_133 = vector.load %arg3[%get3A_131, %get3A_132] : memref<80x32xf32, #tpu.memory_space<vmem>>, vector<80x32xf32>
    %dot_general3A_134 = arith.constant dense<0.000000e+00> : vector<128x32xf32>
    %dot_general3A_135 = tpu.matmul %concatenate3A_130, %get3A_133, %dot_general3A_134 {dimension_numbers = #tpu.dot_dimension_numbers<[1], [0], [0], [1], [0, 0, 1, 1], [], []>, transpose_lhs_hint = false} : vector<128x80xf32>, vector<80x32xf32>, vector<128x32xf32> -> vector<128x32xf32>
    %get3A_136 = arith.constant 0 : index
    %get3A_137 = arith.constant 0 : index
    %get3A_138 = vector.load %arg4[%get3A_136, %get3A_137] : memref<1x32xf32, #tpu.memory_space<vmem>>, vector<1x32xf32>
    %add3A_139 = vector.broadcast %get3A_138 : vector<1x32xf32> to vector<128x32xf32>
    %add3A_140 = arith.addf %dot_general3A_135, %add3A_139 : vector<128x32xf32>
    %max3A_141 = arith.constant 0.000000e+00 : f32
    %max3A_142 = vector.broadcast %max3A_141 : f32 to vector<128x32xf32>
    %max3A_143 = arith.maximumf %add3A_140, %max3A_142 : vector<128x32xf32>
    %slice3A_144 = vector.extract_strided_slice %reshape3A_24 {offsets = [0, 5, 0], sizes = [128, 1, 16], strides = [1, 1, 1]} : vector<128x15x16xf32> to vector<128x1x16xf32>
    %squeeze3A_145 = vector.shape_cast %slice3A_144 : vector<128x1x16xf32> to vector<128x16xf32>
    %slice3A_146 = vector.extract_strided_slice %reshape3A_24 {offsets = [0, 6, 0], sizes = [128, 1, 16], strides = [1, 1, 1]} : vector<128x15x16xf32> to vector<128x1x16xf32>
    %squeeze3A_147 = vector.shape_cast %slice3A_146 : vector<128x1x16xf32> to vector<128x16xf32>
    %slice3A_148 = vector.extract_strided_slice %reshape3A_24 {offsets = [0, 7, 0], sizes = [128, 1, 16], strides = [1, 1, 1]} : vector<128x15x16xf32> to vector<128x1x16xf32>
    %squeeze3A_149 = vector.shape_cast %slice3A_148 : vector<128x1x16xf32> to vector<128x16xf32>
    %slice3A_150 = vector.extract_strided_slice %reshape3A_24 {offsets = [0, 8, 0], sizes = [128, 1, 16], strides = [1, 1, 1]} : vector<128x15x16xf32> to vector<128x1x16xf32>
    %squeeze3A_151 = vector.shape_cast %slice3A_150 : vector<128x1x16xf32> to vector<128x16xf32>
    %slice3A_152 = vector.extract_strided_slice %reshape3A_24 {offsets = [0, 9, 0], sizes = [128, 1, 16], strides = [1, 1, 1]} : vector<128x15x16xf32> to vector<128x1x16xf32>
    %squeeze3A_153 = vector.shape_cast %slice3A_152 : vector<128x1x16xf32> to vector<128x16xf32>
    %concatenate3A_154 = tpu.concatenate %squeeze3A_145, %squeeze3A_147, %squeeze3A_149, %squeeze3A_151, %squeeze3A_153 in 1 : vector<128x16xf32>, vector<128x16xf32>, vector<128x16xf32>, vector<128x16xf32>, vector<128x16xf32> -> vector<128x80xf32>
    %get3A_155 = arith.constant 0 : index
    %get3A_156 = arith.constant 0 : index
    %get3A_157 = vector.load %arg3[%get3A_155, %get3A_156] : memref<80x32xf32, #tpu.memory_space<vmem>>, vector<80x32xf32>
    %dot_general3A_158 = arith.constant dense<0.000000e+00> : vector<128x32xf32>
    %dot_general3A_159 = tpu.matmul %concatenate3A_154, %get3A_157, %dot_general3A_158 {dimension_numbers = #tpu.dot_dimension_numbers<[1], [0], [0], [1], [0, 0, 1, 1], [], []>, transpose_lhs_hint = false} : vector<128x80xf32>, vector<80x32xf32>, vector<128x32xf32> -> vector<128x32xf32>
    %get3A_160 = arith.constant 0 : index
    %get3A_161 = arith.constant 0 : index
    %get3A_162 = vector.load %arg4[%get3A_160, %get3A_161] : memref<1x32xf32, #tpu.memory_space<vmem>>, vector<1x32xf32>
    %add3A_163 = vector.broadcast %get3A_162 : vector<1x32xf32> to vector<128x32xf32>
    %add3A_164 = arith.addf %dot_general3A_159, %add3A_163 : vector<128x32xf32>
    %max3A_165 = arith.constant 0.000000e+00 : f32
    %max3A_166 = vector.broadcast %max3A_165 : f32 to vector<128x32xf32>
    %max3A_167 = arith.maximumf %add3A_164, %max3A_166 : vector<128x32xf32>
    %slice3A_168 = vector.extract_strided_slice %reshape3A_24 {offsets = [0, 6, 0], sizes = [128, 1, 16], strides = [1, 1, 1]} : vector<128x15x16xf32> to vector<128x1x16xf32>
    %squeeze3A_169 = vector.shape_cast %slice3A_168 : vector<128x1x16xf32> to vector<128x16xf32>
    %slice3A_170 = vector.extract_strided_slice %reshape3A_24 {offsets = [0, 7, 0], sizes = [128, 1, 16], strides = [1, 1, 1]} : vector<128x15x16xf32> to vector<128x1x16xf32>
    %squeeze3A_171 = vector.shape_cast %slice3A_170 : vector<128x1x16xf32> to vector<128x16xf32>
    %slice3A_172 = vector.extract_strided_slice %reshape3A_24 {offsets = [0, 8, 0], sizes = [128, 1, 16], strides = [1, 1, 1]} : vector<128x15x16xf32> to vector<128x1x16xf32>
    %squeeze3A_173 = vector.shape_cast %slice3A_172 : vector<128x1x16xf32> to vector<128x16xf32>
    %slice3A_174 = vector.extract_strided_slice %reshape3A_24 {offsets = [0, 9, 0], sizes = [128, 1, 16], strides = [1, 1, 1]} : vector<128x15x16xf32> to vector<128x1x16xf32>
    %squeeze3A_175 = vector.shape_cast %slice3A_174 : vector<128x1x16xf32> to vector<128x16xf32>
    %slice3A_176 = vector.extract_strided_slice %reshape3A_24 {offsets = [0, 10, 0], sizes = [128, 1, 16], strides = [1, 1, 1]} : vector<128x15x16xf32> to vector<128x1x16xf32>
    %squeeze3A_177 = vector.shape_cast %slice3A_176 : vector<128x1x16xf32> to vector<128x16xf32>
    %concatenate3A_178 = tpu.concatenate %squeeze3A_169, %squeeze3A_171, %squeeze3A_173, %squeeze3A_175, %squeeze3A_177 in 1 : vector<128x16xf32>, vector<128x16xf32>, vector<128x16xf32>, vector<128x16xf32>, vector<128x16xf32> -> vector<128x80xf32>
    %get3A_179 = arith.constant 0 : index
    %get3A_180 = arith.constant 0 : index
    %get3A_181 = vector.load %arg3[%get3A_179, %get3A_180] : memref<80x32xf32, #tpu.memory_space<vmem>>, vector<80x32xf32>
    %dot_general3A_182 = arith.constant dense<0.000000e+00> : vector<128x32xf32>
    %dot_general3A_183 = tpu.matmul %concatenate3A_178, %get3A_181, %dot_general3A_182 {dimension_numbers = #tpu.dot_dimension_numbers<[1], [0], [0], [1], [0, 0, 1, 1], [], []>, transpose_lhs_hint = false} : vector<128x80xf32>, vector<80x32xf32>, vector<128x32xf32> -> vector<128x32xf32>
    %get3A_184 = arith.constant 0 : index
    %get3A_185 = arith.constant 0 : index
    %get3A_186 = vector.load %arg4[%get3A_184, %get3A_185] : memref<1x32xf32, #tpu.memory_space<vmem>>, vector<1x32xf32>
    %add3A_187 = vector.broadcast %get3A_186 : vector<1x32xf32> to vector<128x32xf32>
    %add3A_188 = arith.addf %dot_general3A_183, %add3A_187 : vector<128x32xf32>
    %max3A_189 = arith.constant 0.000000e+00 : f32
    %max3A_190 = vector.broadcast %max3A_189 : f32 to vector<128x32xf32>
    %max3A_191 = arith.maximumf %add3A_188, %max3A_190 : vector<128x32xf32>
    %slice3A_192 = vector.extract_strided_slice %reshape3A_24 {offsets = [0, 7, 0], sizes = [128, 1, 16], strides = [1, 1, 1]} : vector<128x15x16xf32> to vector<128x1x16xf32>
    %squeeze3A_193 = vector.shape_cast %slice3A_192 : vector<128x1x16xf32> to vector<128x16xf32>
    %slice3A_194 = vector.extract_strided_slice %reshape3A_24 {offsets = [0, 8, 0], sizes = [128, 1, 16], strides = [1, 1, 1]} : vector<128x15x16xf32> to vector<128x1x16xf32>
    %squeeze3A_195 = vector.shape_cast %slice3A_194 : vector<128x1x16xf32> to vector<128x16xf32>
    %slice3A_196 = vector.extract_strided_slice %reshape3A_24 {offsets = [0, 9, 0], sizes = [128, 1, 16], strides = [1, 1, 1]} : vector<128x15x16xf32> to vector<128x1x16xf32>
    %squeeze3A_197 = vector.shape_cast %slice3A_196 : vector<128x1x16xf32> to vector<128x16xf32>
    %slice3A_198 = vector.extract_strided_slice %reshape3A_24 {offsets = [0, 10, 0], sizes = [128, 1, 16], strides = [1, 1, 1]} : vector<128x15x16xf32> to vector<128x1x16xf32>
    %squeeze3A_199 = vector.shape_cast %slice3A_198 : vector<128x1x16xf32> to vector<128x16xf32>
    %slice3A_200 = vector.extract_strided_slice %reshape3A_24 {offsets = [0, 11, 0], sizes = [128, 1, 16], strides = [1, 1, 1]} : vector<128x15x16xf32> to vector<128x1x16xf32>
    %squeeze3A_201 = vector.shape_cast %slice3A_200 : vector<128x1x16xf32> to vector<128x16xf32>
    %concatenate3A_202 = tpu.concatenate %squeeze3A_193, %squeeze3A_195, %squeeze3A_197, %squeeze3A_199, %squeeze3A_201 in 1 : vector<128x16xf32>, vector<128x16xf32>, vector<128x16xf32>, vector<128x16xf32>, vector<128x16xf32> -> vector<128x80xf32>
    %get3A_203 = arith.constant 0 : index
    %get3A_204 = arith.constant 0 : index
    %get3A_205 = vector.load %arg3[%get3A_203, %get3A_204] : memref<80x32xf32, #tpu.memory_space<vmem>>, vector<80x32xf32>
    %dot_general3A_206 = arith.constant dense<0.000000e+00> : vector<128x32xf32>
    %dot_general3A_207 = tpu.matmul %concatenate3A_202, %get3A_205, %dot_general3A_206 {dimension_numbers = #tpu.dot_dimension_numbers<[1], [0], [0], [1], [0, 0, 1, 1], [], []>, transpose_lhs_hint = false} : vector<128x80xf32>, vector<80x32xf32>, vector<128x32xf32> -> vector<128x32xf32>
    %get3A_208 = arith.constant 0 : index
    %get3A_209 = arith.constant 0 : index
    %get3A_210 = vector.load %arg4[%get3A_208, %get3A_209] : memref<1x32xf32, #tpu.memory_space<vmem>>, vector<1x32xf32>
    %add3A_211 = vector.broadcast %get3A_210 : vector<1x32xf32> to vector<128x32xf32>
    %add3A_212 = arith.addf %dot_general3A_207, %add3A_211 : vector<128x32xf32>
    %max3A_213 = arith.constant 0.000000e+00 : f32
    %max3A_214 = vector.broadcast %max3A_213 : f32 to vector<128x32xf32>
    %max3A_215 = arith.maximumf %add3A_212, %max3A_214 : vector<128x32xf32>
    %slice3A_216 = vector.extract_strided_slice %reshape3A_24 {offsets = [0, 8, 0], sizes = [128, 1, 16], strides = [1, 1, 1]} : vector<128x15x16xf32> to vector<128x1x16xf32>
    %squeeze3A_217 = vector.shape_cast %slice3A_216 : vector<128x1x16xf32> to vector<128x16xf32>
    %slice3A_218 = vector.extract_strided_slice %reshape3A_24 {offsets = [0, 9, 0], sizes = [128, 1, 16], strides = [1, 1, 1]} : vector<128x15x16xf32> to vector<128x1x16xf32>
    %squeeze3A_219 = vector.shape_cast %slice3A_218 : vector<128x1x16xf32> to vector<128x16xf32>
    %slice3A_220 = vector.extract_strided_slice %reshape3A_24 {offsets = [0, 10, 0], sizes = [128, 1, 16], strides = [1, 1, 1]} : vector<128x15x16xf32> to vector<128x1x16xf32>
    %squeeze3A_221 = vector.shape_cast %slice3A_220 : vector<128x1x16xf32> to vector<128x16xf32>
    %slice3A_222 = vector.extract_strided_slice %reshape3A_24 {offsets = [0, 11, 0], sizes = [128, 1, 16], strides = [1, 1, 1]} : vector<128x15x16xf32> to vector<128x1x16xf32>
    %squeeze3A_223 = vector.shape_cast %slice3A_222 : vector<128x1x16xf32> to vector<128x16xf32>
    %slice3A_224 = vector.extract_strided_slice %reshape3A_24 {offsets = [0, 12, 0], sizes = [128, 1, 16], strides = [1, 1, 1]} : vector<128x15x16xf32> to vector<128x1x16xf32>
    %squeeze3A_225 = vector.shape_cast %slice3A_224 : vector<128x1x16xf32> to vector<128x16xf32>
    %concatenate3A_226 = tpu.concatenate %squeeze3A_217, %squeeze3A_219, %squeeze3A_221, %squeeze3A_223, %squeeze3A_225 in 1 : vector<128x16xf32>, vector<128x16xf32>, vector<128x16xf32>, vector<128x16xf32>, vector<128x16xf32> -> vector<128x80xf32>
    %get3A_227 = arith.constant 0 : index
    %get3A_228 = arith.constant 0 : index
    %get3A_229 = vector.load %arg3[%get3A_227, %get3A_228] : memref<80x32xf32, #tpu.memory_space<vmem>>, vector<80x32xf32>
    %dot_general3A_230 = arith.constant dense<0.000000e+00> : vector<128x32xf32>
    %dot_general3A_231 = tpu.matmul %concatenate3A_226, %get3A_229, %dot_general3A_230 {dimension_numbers = #tpu.dot_dimension_numbers<[1], [0], [0], [1], [0, 0, 1, 1], [], []>, transpose_lhs_hint = false} : vector<128x80xf32>, vector<80x32xf32>, vector<128x32xf32> -> vector<128x32xf32>
    %get3A_232 = arith.constant 0 : index
    %get3A_233 = arith.constant 0 : index
    %get3A_234 = vector.load %arg4[%get3A_232, %get3A_233] : memref<1x32xf32, #tpu.memory_space<vmem>>, vector<1x32xf32>
    %add3A_235 = vector.broadcast %get3A_234 : vector<1x32xf32> to vector<128x32xf32>
    %add3A_236 = arith.addf %dot_general3A_231, %add3A_235 : vector<128x32xf32>
    %max3A_237 = arith.constant 0.000000e+00 : f32
    %max3A_238 = vector.broadcast %max3A_237 : f32 to vector<128x32xf32>
    %max3A_239 = arith.maximumf %add3A_236, %max3A_238 : vector<128x32xf32>
    %slice3A_240 = vector.extract_strided_slice %reshape3A_24 {offsets = [0, 9, 0], sizes = [128, 1, 16], strides = [1, 1, 1]} : vector<128x15x16xf32> to vector<128x1x16xf32>
    %squeeze3A_241 = vector.shape_cast %slice3A_240 : vector<128x1x16xf32> to vector<128x16xf32>
    %slice3A_242 = vector.extract_strided_slice %reshape3A_24 {offsets = [0, 10, 0], sizes = [128, 1, 16], strides = [1, 1, 1]} : vector<128x15x16xf32> to vector<128x1x16xf32>
    %squeeze3A_243 = vector.shape_cast %slice3A_242 : vector<128x1x16xf32> to vector<128x16xf32>
    %slice3A_244 = vector.extract_strided_slice %reshape3A_24 {offsets = [0, 11, 0], sizes = [128, 1, 16], strides = [1, 1, 1]} : vector<128x15x16xf32> to vector<128x1x16xf32>
    %squeeze3A_245 = vector.shape_cast %slice3A_244 : vector<128x1x16xf32> to vector<128x16xf32>
    %slice3A_246 = vector.extract_strided_slice %reshape3A_24 {offsets = [0, 12, 0], sizes = [128, 1, 16], strides = [1, 1, 1]} : vector<128x15x16xf32> to vector<128x1x16xf32>
    %squeeze3A_247 = vector.shape_cast %slice3A_246 : vector<128x1x16xf32> to vector<128x16xf32>
    %slice3A_248 = vector.extract_strided_slice %reshape3A_24 {offsets = [0, 13, 0], sizes = [128, 1, 16], strides = [1, 1, 1]} : vector<128x15x16xf32> to vector<128x1x16xf32>
    %squeeze3A_249 = vector.shape_cast %slice3A_248 : vector<128x1x16xf32> to vector<128x16xf32>
    %concatenate3A_250 = tpu.concatenate %squeeze3A_241, %squeeze3A_243, %squeeze3A_245, %squeeze3A_247, %squeeze3A_249 in 1 : vector<128x16xf32>, vector<128x16xf32>, vector<128x16xf32>, vector<128x16xf32>, vector<128x16xf32> -> vector<128x80xf32>
    %get3A_251 = arith.constant 0 : index
    %get3A_252 = arith.constant 0 : index
    %get3A_253 = vector.load %arg3[%get3A_251, %get3A_252] : memref<80x32xf32, #tpu.memory_space<vmem>>, vector<80x32xf32>
    %dot_general3A_254 = arith.constant dense<0.000000e+00> : vector<128x32xf32>
    %dot_general3A_255 = tpu.matmul %concatenate3A_250, %get3A_253, %dot_general3A_254 {dimension_numbers = #tpu.dot_dimension_numbers<[1], [0], [0], [1], [0, 0, 1, 1], [], []>, transpose_lhs_hint = false} : vector<128x80xf32>, vector<80x32xf32>, vector<128x32xf32> -> vector<128x32xf32>
    %get3A_256 = arith.constant 0 : index
    %get3A_257 = arith.constant 0 : index
    %get3A_258 = vector.load %arg4[%get3A_256, %get3A_257] : memref<1x32xf32, #tpu.memory_space<vmem>>, vector<1x32xf32>
    %add3A_259 = vector.broadcast %get3A_258 : vector<1x32xf32> to vector<128x32xf32>
    %add3A_260 = arith.addf %dot_general3A_255, %add3A_259 : vector<128x32xf32>
    %max3A_261 = arith.constant 0.000000e+00 : f32
    %max3A_262 = vector.broadcast %max3A_261 : f32 to vector<128x32xf32>
    %max3A_263 = arith.maximumf %add3A_260, %max3A_262 : vector<128x32xf32>
    %slice3A_264 = vector.extract_strided_slice %reshape3A_24 {offsets = [0, 10, 0], sizes = [128, 1, 16], strides = [1, 1, 1]} : vector<128x15x16xf32> to vector<128x1x16xf32>
    %squeeze3A_265 = vector.shape_cast %slice3A_264 : vector<128x1x16xf32> to vector<128x16xf32>
    %slice3A_266 = vector.extract_strided_slice %reshape3A_24 {offsets = [0, 11, 0], sizes = [128, 1, 16], strides = [1, 1, 1]} : vector<128x15x16xf32> to vector<128x1x16xf32>
    %squeeze3A_267 = vector.shape_cast %slice3A_266 : vector<128x1x16xf32> to vector<128x16xf32>
    %slice3A_268 = vector.extract_strided_slice %reshape3A_24 {offsets = [0, 12, 0], sizes = [128, 1, 16], strides = [1, 1, 1]} : vector<128x15x16xf32> to vector<128x1x16xf32>
    %squeeze3A_269 = vector.shape_cast %slice3A_268 : vector<128x1x16xf32> to vector<128x16xf32>
    %slice3A_270 = vector.extract_strided_slice %reshape3A_24 {offsets = [0, 13, 0], sizes = [128, 1, 16], strides = [1, 1, 1]} : vector<128x15x16xf32> to vector<128x1x16xf32>
    %squeeze3A_271 = vector.shape_cast %slice3A_270 : vector<128x1x16xf32> to vector<128x16xf32>
    %slice3A_272 = vector.extract_strided_slice %reshape3A_24 {offsets = [0, 14, 0], sizes = [128, 1, 16], strides = [1, 1, 1]} : vector<128x15x16xf32> to vector<128x1x16xf32>
    %squeeze3A_273 = vector.shape_cast %slice3A_272 : vector<128x1x16xf32> to vector<128x16xf32>
    %concatenate3A_274 = tpu.concatenate %squeeze3A_265, %squeeze3A_267, %squeeze3A_269, %squeeze3A_271, %squeeze3A_273 in 1 : vector<128x16xf32>, vector<128x16xf32>, vector<128x16xf32>, vector<128x16xf32>, vector<128x16xf32> -> vector<128x80xf32>
    %get3A_275 = arith.constant 0 : index
    %get3A_276 = arith.constant 0 : index
    %get3A_277 = vector.load %arg3[%get3A_275, %get3A_276] : memref<80x32xf32, #tpu.memory_space<vmem>>, vector<80x32xf32>
    %dot_general3A_278 = arith.constant dense<0.000000e+00> : vector<128x32xf32>
    %dot_general3A_279 = tpu.matmul %concatenate3A_274, %get3A_277, %dot_general3A_278 {dimension_numbers = #tpu.dot_dimension_numbers<[1], [0], [0], [1], [0, 0, 1, 1], [], []>, transpose_lhs_hint = false} : vector<128x80xf32>, vector<80x32xf32>, vector<128x32xf32> -> vector<128x32xf32>
    %get3A_280 = arith.constant 0 : index
    %get3A_281 = arith.constant 0 : index
    %get3A_282 = vector.load %arg4[%get3A_280, %get3A_281] : memref<1x32xf32, #tpu.memory_space<vmem>>, vector<1x32xf32>
    %add3A_283 = vector.broadcast %get3A_282 : vector<1x32xf32> to vector<128x32xf32>
    %add3A_284 = arith.addf %dot_general3A_279, %add3A_283 : vector<128x32xf32>
    %max3A_285 = arith.constant 0.000000e+00 : f32
    %max3A_286 = vector.broadcast %max3A_285 : f32 to vector<128x32xf32>
    %max3A_287 = arith.maximumf %add3A_284, %max3A_286 : vector<128x32xf32>
    %concatenate3A_288 = tpu.concatenate %max3A_47, %max3A_71, %max3A_95, %max3A_119, %max3A_143, %max3A_167, %max3A_191, %max3A_215, %max3A_239, %max3A_263, %max3A_287 in 1 : vector<128x32xf32>, vector<128x32xf32>, vector<128x32xf32>, vector<128x32xf32>, vector<128x32xf32>, vector<128x32xf32>, vector<128x32xf32>, vector<128x32xf32>, vector<128x32xf32>, vector<128x32xf32>, vector<128x32xf32> -> vector<128x352xf32>
    %get3A_289 = arith.constant 0 : index
    %get3A_290 = arith.constant 0 : index
    %get3A_291 = vector.load %arg5[%get3A_289, %get3A_290] : memref<352x128xf32, #tpu.memory_space<vmem>>, vector<352x128xf32>
    %dot_general3A_292 = arith.constant dense<0.000000e+00> : vector<128x128xf32>
    %dot_general3A_293 = tpu.matmul %concatenate3A_288, %get3A_291, %dot_general3A_292 {dimension_numbers = #tpu.dot_dimension_numbers<[1], [0], [0], [1], [0, 0, 1, 1], [], []>, transpose_lhs_hint = false} : vector<128x352xf32>, vector<352x128xf32>, vector<128x128xf32> -> vector<128x128xf32>
    %get3A_294 = arith.constant 0 : index
    %get3A_295 = arith.constant 0 : index
    %get3A_296 = vector.load %arg6[%get3A_294, %get3A_295] : memref<1x128xf32, #tpu.memory_space<vmem>>, vector<1x128xf32>
    %add3A_297 = vector.broadcast %get3A_296 : vector<1x128xf32> to vector<128x128xf32>
    %add3A_298 = arith.addf %dot_general3A_293, %add3A_297 : vector<128x128xf32>
    %max3A_299 = arith.constant 0.000000e+00 : f32
    %max3A_300 = vector.broadcast %max3A_299 : f32 to vector<128x128xf32>
    %max3A_301 = arith.maximumf %add3A_298, %max3A_300 : vector<128x128xf32>
    %get3A_302 = arith.constant 0 : index
    %get3A_303 = arith.constant 0 : index
    %get3A_304 = vector.load %arg7[%get3A_302, %get3A_303] : memref<128x1xf32, #tpu.memory_space<vmem>>, vector<128x1xf32>
    %dot_general3A_305 = arith.constant dense<0.000000e+00> : vector<128x1xf32>
    %dot_general3A_306 = tpu.matmul %max3A_301, %get3A_304, %dot_general3A_305 {dimension_numbers = #tpu.dot_dimension_numbers<[1], [0], [0], [1], [0, 0, 1, 1], [], []>, transpose_lhs_hint = false} : vector<128x128xf32>, vector<128x1xf32>, vector<128x1xf32> -> vector<128x1xf32>
    %get3A_307 = arith.constant 0 : index
    %get3A_308 = arith.constant 0 : index
    %get3A_309 = vector.load %arg8[%get3A_307, %get3A_308] : memref<1x1xf32, #tpu.memory_space<vmem>>, vector<1x1xf32>
    %add3A_310 = vector.broadcast %get3A_309 : vector<1x1xf32> to vector<128x1xf32>
    %add3A_311 = arith.addf %dot_general3A_306, %add3A_310 : vector<128x1xf32>
    %swap3A = arith.constant 0 : index
    %swap3A_312 = arith.constant 0 : index
    %swap3A_313 = vector.load %arg9[%swap3A, %swap3A_312] : memref<128x1xf32, #tpu.memory_space<vmem>>, vector<128x1xf32>
    tpu.vector_store %arg9[%swap3A, %swap3A_312], %add3A_311 {strides = array<i32>} : memref<128x1xf32, #tpu.memory_space<vmem>>, vector<128x1xf32>,
    return
  }
}

</mosaic_0001>

<sc_bundles>
// kernel: kernel.15.cloned.1.call-start
scs
__scs_entry_jumppad:
0x0: {  	(pc) =	sbr.rel $0x88, $3  }
0x1: {  	(tag) =	ssettag $0x0;
	lr =	simm.s32 $0x1  }
0x2: {  	[smem:$0x3F8E] =	sst lr;
	_ =	strace $0xD0000000  }
0x3: {  	_ = 	snop  }
0x4: {  	_ = 	snop  }
0x5: {  	_ = 	snop  }
0x6: {  	_ = 	snop  }
0x7: {  	_ = 	snop  }
__scs_overlays_trampoline_lowered:
0x8: {  	[smem:$0x3F9D] =	sst s0  }
0x9: {  	[smem:$0x3F9E] =	sst s1  }
0xa: {  	[smem:$0x3F9F] =	sst s2  }
0xb: {  	[smem:$0x3FA0] =	sst s3  }
0xc: {  	[smem:$0x3FA1] =	sst s4  }
0xd: {  	[smem:$0x3FA2] =	sst s5  }
0xe: {  	[smem:$0x3FA3] =	sst s6  }
0xf: {  	[smem:$0x3FA4] =	sst s7  }
0x10: {  	[smem:$0x3FA5] =	sst s8  }
0x11: {  	[smem:$0x3FA6] =	sst s9;
	s0 =	simm.s32 @!p0 $0x0  }
0x12: {  	s1 =	sld [smem:$0x3F8C];
	s0 =	simm.s32 @p0 $0x1  }
0x13: {  	[smem:$0x3FA7] =	sst s0;
	s0 =	simm.s32 @!p1 $0x0  }
0x14: {  	s2 =	sld [smem:$0x3F8B];
	s0 =	simm.s32 @p1 $0x1  }
0x15: {  	[smem:$0x3FA8] =	sst s0;
	s0 =	simm.s32 @!p2 $0x0  }
0x16: {  	s3 =	sld [smem:$0x3FDB];
	s0 =	simm.s32 @p2 $0x1  }
0x17: {  	s4 =	simm.s32 $0x1BF5;
	[smem:$0x3FAA] =	sst s0  }
0x18: {  	s0 =	sld [smem:$0x3F8D];
	_ =	swait.ge [sflag:s4], $0x0  }
0x19: {  	s7 =	sld [smem:$0x3F8E]  }
0x1a: {  	s8 =	sadd.s32 $0xFFFFE003, lr  }
0x1b: {  	s9 =	sadd.s32 $0xFFFFFEF7, lr;
	s5 =	simm.s32 $0xFFFFFFFF;
	p2 =	slt.u32 s8, $0xFFFFF086  }
0x1c: {  	p1 =	slt.u32 s9, $0xF7A;
	s5 =	simm.s32 @!p2 $0x0  }
0x1d: {  	s5 =	simm.s32 @p1 $0x1;
	p0 =	seq.s32 s7, s2  }
0x1e: {  	s7 =	smul.u32 @!p0 $0xF7A, s2;
	p2 =	seq.s32 @!p0 s5, $0x0  }
0x1f: {  	s9 =	smul.u32 $0xF7A, s1;
	s8 =	simm.s32 @!p0 $0x1BF5;
	p2 =	por !p2, p0  }
0x20: {  	[sflag:s8] =	ssyncset.s32 @!p0 $0xFFFFF086;
	s6 =	sadd.s32 @!p0 s3, s7;
	s7 =	simm.s32 @!p0 $0x108  }
0x21: {  	s3 =	sadd.s32 s3, s9;
	s6 =	sadd.s32 @!p0 $0x88, s6;
	s7 =	simm.s32 @p2 $0x1082  }
0x22: {  	[simem:s7], [sflag:s8] =	dma.local @!p0 [hbm:s6], $0xF7A  }
0x23: {  	s9 =	sor.u32 $0xD0000000, s2;
	s6 =	simm.s32 $0x108;
	_ =	swait.ge @!p0 [sflag:s8], $0x0  }
0x24: {  	s3 =	sadd.s32 $0x88, s3;
	s6 =	simm.s32 @!p1 $0x1082;
	[sflag:s4] =	ssyncset.s32 $0xFFFFF086  }
0x25: {  	[simem:s6], [sflag:s4] =	dma.local [hbm:s3], $0xF7A  }
0x26: {  	[smem:$0x3F8E] =	sst s1;
	(tag) =	ssettag s2;
	_ =	strace s9  }
0x27: {  	s1 =	sld [smem:$0x3F9E]  }
0x28: {  	s2 =	sld [smem:$0x3F9F]  }
0x29: {  	s4 =	sld [smem:$0x3FA1]  }
0x2a: {  	p0 =	seq.s32 s5, $0x0;
	s5 =	sld [smem:$0x3FA2]  }
0x2b: {  	s6 =	sld [smem:$0x3FA3]  }
0x2c: {  	s7 =	sld [smem:$0x3FA4]  }
0x2d: {  	s3 =	simm.s32 $0x108;
	s8 =	sld [smem:$0x3FA5]  }
0x2e: {  	s3 =	simm.s32 @!p0 $0x1082;
	s9 =	sld [smem:$0x3FA6]  }
0x2f: {  	lr =	sadd.s32 s0, s3;
	s0 =	sld [smem:$0x3F9D]  }
0x30: {  	s3 =	sld [smem:$0x3FA0]  }
0x31: {  	[smem:$0x3FA9] =	sst s10  }
0x32: {  	s10 =	sld [smem:$0x3FA7];
	_ =	sdelay $0x3  }
0x33: {  	p0 =	seq.s32 s10, $0x1;
	s10 =	sld [smem:$0x3FA9];
	_ =	sdelay $0x3  }
0x34: {  	[smem:$0x3FA9] =	sst s10  }
0x35: {  	s10 =	sld [smem:$0x3FA8];
	_ =	sdelay $0x3  }
0x36: {  	p1 =	seq.s32 s10, $0x1;
	s10 =	sld [smem:$0x3FA9];
	_ =	sdelay $0x3  }
0x37: {  	[smem:$0x3FA9] =	sst s10  }
0x38: {  	s10 =	sld [smem:$0x3FAA]  }
0x39: {  	_ = 	snop;
	(pc) =	sbr.ind lr, $3  }
0x3a: {  	_ = 	snop  }
0x3b: {  	_ = 	snop  }
0x3c: {  	p2 =	seq.s32 s10, $0x1;
	s10 =	sld [smem:$0x3FA9]  }
0x3d: {  	_ =	shalt  }
0x3e: {  	_ =	shalt  }
0x3f: {  	_ =	shalt  }
0x40: {  	_ =	shalt  }
0x41: {  	_ =	shalt  }
0x42: {  	_ =	shalt  }
0x43: {  	_ =	shalt  }
0x44: {  	_ =	shalt  }
0x45: {  	_ =	shalt  }
0x46: {  	_ =	shalt  }
0x47: {  	_ =	shalt  }
0x48: {  	_ =	shalt  }
0x49: {  	_ =	shalt  }
0x4a: {  	_ =	shalt  }
0x4b: {  	_ =	shalt  }
0x4c: {  	_ =	shalt  }
0x4d: {  	_ =	shalt  }
0x4e: {  	_ =	shalt  }
0x4f: {  	_ =	shalt  }
0x50: {  	_ =	shalt  }
0x51: {  	_ =	shalt  }
0x52: {  	_ =	shalt  }
0x53: {  	_ =	shalt  }
0x54: {  	_ =	shalt  }
0x55: {  	_ =	shalt  }
0x56: {  	_ =	shalt  }
0x57: {  	_ =	shalt  }
0x58: {  	_ =	shalt  }
0x59: {  	_ =	shalt  }
0x5a: {  	_ =	shalt  }
0x5b: {  	_ =	shalt  }
0x5c: {  	_ =	shalt  }
0x5d: {  	_ =	shalt  }
0x5e: {  	_ =	shalt  }
0x5f: {  	_ =	shalt  }
0x60: {  	_ =	shalt  }
0x61: {  	_ =	shalt  }
0x62: {  	_ =	shalt  }
0x63: {  	_ =	shalt  }
0x64: {  	_ =	shalt  }
0x65: {  	_ =	shalt  }
0x66: {  	_ =	shalt  }
0x67: {  	_ =	shalt  }
0x68: {  	_ =	shalt  }
0x69: {  	_ =	shalt  }
0x6a: {  	_ =	shalt  }
0x6b: {  	_ =	shalt  }
0x6c: {  	_ =	shalt  }
0x6d: {  	_ =	shalt  }
0x6e: {  	_ =	shalt  }
0x6f: {  	_ =	shalt  }
0x70: {  	_ =	shalt  }
0x71: {  	_ =	shalt  }
0x72: {  	_ =	shalt  }
0x73: {  	_ =	shalt  }
0x74: {  	_ =	shalt  }
0x75: {  	_ =	shalt  }
0x76: {  	_ =	shalt  }
0x77: {  	_ =	shalt  }
0x78: {  	_ =	shalt  }
0x79: {  	_ =	shalt  }
0x7a: {  	_ =	shalt  }
0x7b: {  	_ =	shalt  }
0x7c: {  	_ =	shalt  }
0x7d: {  	_ =	shalt  }
0x7e: {  	_ =	shalt  }
0x7f: {  	_ =	shalt  }
0x80: {  	_ =	shalt  }
0x81: {  	_ =	shalt  }
0x82: {  	_ =	shalt  }
0x83: {  	_ =	shalt  }
0x84: {  	_ =	shalt  }
0x85: {  	_ =	shalt  }
0x86: {  	_ =	shalt  }
0x87: {  	_ =	shalt  }
.Lfunc_end0:
.L_simem_size_0:
called_computation_lowered:
.L_overlay_start_0:
0x88: {  	s2 =	sld [smem:$0x3FD9]  }
0x89: {  	s3 =	sld [smem:$0x3FFE];
	_ =	sdelay $0x1  }
0x8a: {  	s1 =	srdreg.scid  }
0x8b: {  	s0 =	sand.u32 $0x1, s1  }
0x8c: {  	s16 =	sshll.u32 s0, $0xA;
	s2 =	sadd.s32 s3, s2  }
0x8d: {  	s2 =	sadd.s32 s2, s16  }
0x8e: {  	[smem:$0x3FB5] =	sst s2  }
0x8f: {  	_ = 	snop  }
0x90: {  	(tm) =	ssettm $0x1  }
0x91: {  	s17 =	sld [smem:$0x3FFB];
	_ =	sdelay $0x3  }
0x92: {  	_ =	strace s17  }
0x93: {  	s2 =	sld [smem:$0x3FFC];
	_ =	sdelay $0x3  }
0x94: {  	_ =	strace s2  }
0x95: {  	s2 =	sld [smem:$0x3FFD];
	_ =	sdelay $0x3  }
0x96: {  	_ =	strace s2  }
0x97: {  	_ =	strace $0x8FFFFFFF  }
0x98: {  	s18 =	sld [smem:$0x3FDB];
	_ =	sdelay $0x1  }
0x99: {  	s19 =	simm.s32 $_scs_section_size  }
0x9a: {  	s4 =	simm.s32 $_size__tile_overlayer_lowered;
	s5 =	simm.s32 $_tile_overlayer_lowered  }
0x9b: {  	s22 =	simm.s32 $0x1BFF;
	s21 =	sshll.u32 s5, $0x1;
	s2 =	sadd.s32 s19, s18  }
0x9c: {  	s6 =	simm.s32 $0x0;
	s20 =	sshll.u32 s4, $0x1;
	s4 =	sadd.s32 s21, s2  }
0x9d: {  	[timem:s6], [sflag:s22] =	dma.local [hbm:s4], s20  }
0x9e: {  	_ =	swait.ge [sflag:s22], s20  }
0x9f: {  	s3 =	ssub.s32 $0x0, s20;
	[sflag:s22] =	ssyncset.done $0x0  }
0xa0: {  	[sflag:s22] =	ssyncadd.s32 s3;
	_ =	sdelay $0x1  }
0xa1: {  	s23 =	simm.s32 $0x1B8B  }
0xa2: {  	_ =	swait.ge [sflag:s23], $0x1  }
0xa3: {  	[sflag:s23] =	ssyncset.done $0x0  }
0xa4: {  	s25 =	simm.s32 $0x1B8E;
	s24 =	sld [smem:$0x3FFE];
	[sflag:s23] =	ssyncadd.s32 $0xFFFFFFFF  }
0xa5: {  	s26 =	simm.s32 $execute0_lowered;
	[smem:$0x3FD2] =	sst s25  }
0xa6: {  	s4 =	sshll.u32 s26, $0x1;
	_ =	strace $0x80000046;
	[dreg:$0x1] =	wrdreg $0xFFFFFFFF  }
0xa7: {  	s28 =	simm.s32 $_size_execute0_lowered;
	s2 =	sadd.s32 s2, s4;
	[dreg:$0x0] =	wrdreg $0x0  }
0xa8: {  	s4 =	sshll.u32 s28, $0x1;
	[dreg:$0x2] =	wrdreg s2  }
0xa9: {  	[dreg:$0x3] =	wrdreg s4  }
0xaa: {  	[dreg:$0x4] =	wrdreg $0xC0  }
0xab: {  	_ =	task [dreg:s6], $0x5FFFF  }
0xac: {  	[dreg:$0x1] =	wrdreg $0xFFFFFFFF  }
0xad: {  	[dreg:$0x0] =	wrdreg $0x60  }
0xae: {  	[dreg:$0x2] =	wrdreg s24  }
0xaf: {  	[dreg:$0x3] =	wrdreg $0x68000  }
0xb0: {  	[dreg:$0x4] =	wrdreg $0x9  }
0xb1: {  	_ =	task.clear_ibuf [dreg:s6], $0x5FFFF;
	_ =	strace $0x90000046  }
0xb2: {  	s29 =	simm.s32 $0x9;
	_ =	strace $0x80000048  }
0xb3: {  	_ =	swait.ge [sflag:s29], $0x1  }
0xb4: {  	[sflag:s29] =	ssyncadd.s32 $0xFFFFFFFF  }
0xb5: {  	_ =	strace $0x90000048  }
0xb6: {  	_ =	sfence  }
0xb7: {  	s30 =	sld [smem:$0x0];
	_ =	sdelay $0x2  }
0xb8: {  	s31 =	sshll.u32 s1, $0xD;
	s1 =	sshrl.u32 s1, $0x2  }
0xb9: {  	s3 =	sand.u32 $0x4000, s31;
	s1 =	sadd.s32 s1, s30  }
0xba: {  	s0 =	sor.u32 s3, s0;
	s1 =	sshll.u32 s1, $0x11  }
0xbb: {  	s0 =	sor.u32 s1, s0  }
0xbc: {  	s0 =	sadd.s32 $0x8F2B, s0  }
0xbd: {  	[sflag:s0] =	ssyncadd.remote.s32 $0x1  }
0xbe: {  	_ =	sfence.sel $0xFFFF  }
0xbf: {  	[dreg:$0x0] =	wrdreg $0xFFFFFFFF;
	(pc) =	sbr.abs _section_cstart, $3  }
0xc0: {  	[dreg:$0x1] =	wrdreg $0xFFFFFFFF  }
0xc1: {  	_ =	task.clear_ibuf [dreg:s6], $0x2FFFF;
	_ =	strace $0x9FFFFFFF  }
0xc2: {  	(tm) =	ssettm $0x7FFFFFFF  }
0xc3: {  	_ =	shalt  }
tec
execute0_lowered:
.L_overlay_start_1:
0x0: {  	(tag) =	ssettag $0x1  }
0x1: {  	s5 =	rddreg [dreg:$0x0]  }
0x2: {  	s2 =	rddreg [dreg:$0x1]  }
0x3: {  	s0 =	rddreg [dreg:$0x2]  }
0x4: {  	s3 =	simm.s32 $0x0;
	s1 =	stileid.u32;
	s4 =	srdreg.scid  }
0x5: {  	s14 =	simm.s32 $0x2;
	s15 =	simm.s32 $0x0;
	[smem:$0x7FF] =	sst s3  }
0x6: {  	s6 =	smul.u32 $0x14000, s1;
	s7 =	sand.u32 $0x1, s4;
	s28 =	sshll.u32 s1, $0xB  }
0x7: {  	s4 =	sadd.s32 $0x3E200, s5;
	s11 =	smul.u32 $0x50000, s1;
	s31 =	sshll.u32 s1, $0x6  }
0x8: {  	_ =	strace $0x80000047;
	s8 =	smul.u32 $0x140000, s7;
	s9 =	sadd.s32 s28, s5  }
0x9: {  	s29 =	ssub.s32 $0x2, s7;
	s7 =	sshll.u32 s7, $0xF;
	s10 =	sshrl.u32 s6, $0x3  }
0xa: {  	s12 =	sshrl.u32 s29, $0x1;
	s30 =	sshrl.u32 s11, $0x2;
	s7 =	sadd.s32 s7, s9  }
0xb: {  	s6 =	sadd.s32 s6, s8;
	s10 =	sadd.s32 s10, s5;
	s12 =	ssub.s32 s29, s12  }
0xc: {  	s11 =	sadd.s32 s30, s2;
	s7 =	sadd.s32 $0x6200, s7;
	s6 =	sshrl.u32 s6, $0x3  }
0xd: {  	s9 =	smax.u32 s12, $0x1;
	s12 =	simm.s32 $0x4000;
	s13 =	sadd.s32 s6, s5  }
0xe: {  	s5 =	sadd.s32 $0x16200, s10;
	s6 =	sor.u32 $0x1C01, s31;
	s10 =	sshrl.u32 s11, $0x3  }
0xf: {  	s11 =	simm.s32 $0x1;
	s8 =	sadd.s32 $0x3E800, s13;
	s13 =	simm.s32 $0x50  }
.LBB2_1:
0x10: {  	[spmem:s10], [sflag:s6] =	dma.local [hbm:s5], $0x2800  }
0x11: {  	_ =	swait.ge [sflag:s11], $0x2800  }
0x12: {  	[sflag:s11] =	ssyncset.done $0x0  }
0x13: {  	[sflag:s11] =	ssyncadd.s32 $0xFFFFD800  }
0x14: {  	[tilespmem:s3], [sflag:$0x1] =	stream.linear.gather [hbm4b:s7+s3], $0x3E80, $0x38;
	[tilespmem:$0x1A800] =	vst v63  }
0x15: {  	_ =	swait.ge [sflag:s11], $0x3E80  }
0x16: {  	[sflag:s11] =	ssyncset.done $0x0  }
0x17: {  	[sflag:s11] =	ssyncadd.s32 $0xFFFFC180  }
0x18: {  	[tilespmem:s12], [sflag:$0x1] =	stream.linear.gather [hbm4b:s4+s3], $0x2800, $0x38;
	[tilespmem:$0x1A800] =	vst v63  }
0x19: {  	_ =	swait.ge [sflag:s11], $0x2800  }
0x1a: {  	[sflag:s11] =	ssyncset.done $0x0  }
0x1b: {  	[sflag:s11] =	ssyncadd.s32 $0xFFFFD800  }
0x1c: {  	s16 =	simm.s32 $0x0;
	[bflag:$0x0] =	sbarrier.arrive $0xFFFF  }
0x1d: {  	[spmem:s2] =	stream.indirect.scatter.add.f32 [tilespmem:s12], [sflag:$0x2], $0x80, s16, s13, $0xb8;
	[tilespmem:$0x1A800] =	vst v63  }
0x1e: {  	_ =	swait.ge [sflag:s14], $0x2800  }
0x1f: {  	s16 =	simm.s32 $0x200;
	[sflag:s14] =	ssyncset.done $0x0  }
.LBB2_2:
0x20: {  	s17 =	sshra.s32 s16, $0x2;
	[sflag:s14] =	ssyncadd.s32 $0xFFFFD800;
	p0 =	sne.s32 s16, $0xF800  }
0x21: {  	[spmem:s2] =	stream.indirect.scatter.add.f32 [tilespmem:s12], [sflag:$0x2], $0x80, s17, s13, $0xb8;
	[tilespmem:$0x1A800] =	vst v63  }
.Ltmp0:
0x22: {  	_ = 	snop;
	(pc) =	sbr.rel @p0 .LBB2_2-.Ltmp0, $4  }
0x23: {  	_ = 	snop  }
0x24: {  	s16 =	sadd.s32 $0x200, s16  }
0x25: {  	_ =	swait.ge [sflag:s14], $0x2800  }
0x26: {  	[sflag:s14] =	ssyncset.done $0x0  }
0x27: {  	s15 =	sadd.s32 $0x1, s15  }
0x28: {  	[sflag:s14] =	ssyncadd.s32 $0xFFFFD800;
	p0 =	sne.s32 s15, s9  }
.Ltmp1:
0x29: {  	[bflag:$0x0] =	sbarrier.arrive $0xFFFF;
	(pc) =	sbr.rel @p0 .LBB2_1-.Ltmp1, $4  }
0x2a: {  	[hbm:s8], [sflag:s6] =	dma.local [spmem:s10], $0x2800  }
0x2b: {  	_ =	swait.ge [sflag:s11], $0x2800  }
0x2c: {  	[sflag:s11] =	ssyncset.done $0x0  }
0x2d: {  	[sflag:s11] =	ssyncadd.s32 $0xFFFFD800  }
0x2e: {  	_ =	sfence.sel $0x180000  }
0x2f: {  	[bflag:$0x0] =	sbarrier.arrive $0xFFFF  }
0x30: {  	p0 =	sne.s32 s1, $0x0;
	_ =	strace $0x90000047  }
0x31: {  	s0 =	sadd.s32 @!p0 $0x100000, s0;
	[bflag:$0x2] =	sbarrier.arrive $0xFFFF  }
0x32: {  	[sflag:s0] =	ssyncadd.tile.s32 @!p0 $0x1;
	_ =	shalt  }
.Lfunc_end2:
_tile_overlayer_lowered:
.L_overlay_start_2:
0x33: {  	(tag) =	ssettag $0x2  }
0x34: {  	s0 =	rddreg [dreg:$0x0];
	s2 =	stileid.u32  }
0x35: {  	s1 =	rddreg [dreg:$0x1];
	p0 =	sne.s32 s2, $0x0  }
0x36: {  	s3 =	rddreg [dreg:$0x2];
	[bflag:$0x3] =	sbarrier.arrive $0xFFFF;
	s2 =	simm.s32 @!p0 $0x1C02  }
0x37: {  	[timem:s3], [sflag:s2] =	dma.local @!p0 [hbm:s0], s1  }
0x38: {  	s0 =	simm.s32 @!p0 $0x2  }
0x39: {  	_ =	swait.ge @!p0 [sflag:s0], s1  }
0x3a: {  	s1 =	ssub.s32 @!p0 $0x0, s1;
	[sflag:s0] =	ssyncset.done @!p0 $0x0  }
0x3b: {  	[sflag:s0] =	ssyncadd.s32 @!p0 s1  }
0x3c: {  	[bflag:$0x3] =	sbarrier.arrive $0xFFFF  }
0x3d: {  	_ =	shalt  }

// kernel: kernel.18.cloned.1.call-start
scs
__scs_entry_jumppad:
0x0: {  	(pc) =	sbr.rel $0x88, $3  }
0x1: {  	(tag) =	ssettag $0x0;
	lr =	simm.s32 $0x1  }
0x2: {  	[smem:$0x3F8E] =	sst lr;
	_ =	strace $0xD0000000  }
0x3: {  	_ = 	snop  }
0x4: {  	_ = 	snop  }
0x5: {  	_ = 	snop  }
0x6: {  	_ = 	snop  }
0x7: {  	_ = 	snop  }
__scs_overlays_trampoline_lowered:
0x8: {  	[smem:$0x3F9D] =	sst s0  }
0x9: {  	[smem:$0x3F9E] =	sst s1  }
0xa: {  	[smem:$0x3F9F] =	sst s2  }
0xb: {  	[smem:$0x3FA0] =	sst s3  }
0xc: {  	[smem:$0x3FA1] =	sst s4  }
0xd: {  	[smem:$0x3FA2] =	sst s5  }
0xe: {  	[smem:$0x3FA3] =	sst s6  }
0xf: {  	[smem:$0x3FA4] =	sst s7  }
0x10: {  	[smem:$0x3FA5] =	sst s8  }
0x11: {  	[smem:$0x3FA6] =	sst s9;
	s0 =	simm.s32 @!p0 $0x0  }
0x12: {  	s1 =	sld [smem:$0x3F8C];
	s0 =	simm.s32 @p0 $0x1  }
0x13: {  	[smem:$0x3FA7] =	sst s0;
	s0 =	simm.s32 @!p1 $0x0  }
0x14: {  	s2 =	sld [smem:$0x3F8B];
	s0 =	simm.s32 @p1 $0x1  }
0x15: {  	[smem:$0x3FA8] =	sst s0;
	s0 =	simm.s32 @!p2 $0x0  }
0x16: {  	s3 =	sld [smem:$0x3FDB];
	s0 =	simm.s32 @p2 $0x1  }
0x17: {  	s4 =	simm.s32 $0x1BF5;
	[smem:$0x3FAA] =	sst s0  }
0x18: {  	s0 =	sld [smem:$0x3F8D];
	_ =	swait.ge [sflag:s4], $0x0  }
0x19: {  	s7 =	sld [smem:$0x3F8E]  }
0x1a: {  	s8 =	sadd.s32 $0xFFFFE003, lr  }
0x1b: {  	s9 =	sadd.s32 $0xFFFFFEF7, lr;
	s5 =	simm.s32 $0xFFFFFFFF;
	p2 =	slt.u32 s8, $0xFFFFF086  }
0x1c: {  	p1 =	slt.u32 s9, $0xF7A;
	s5 =	simm.s32 @!p2 $0x0  }
0x1d: {  	s5 =	simm.s32 @p1 $0x1;
	p0 =	seq.s32 s7, s2  }
0x1e: {  	s7 =	smul.u32 @!p0 $0xF7A, s2;
	p2 =	seq.s32 @!p0 s5, $0x0  }
0x1f: {  	s9 =	smul.u32 $0xF7A, s1;
	s8 =	simm.s32 @!p0 $0x1BF5;
	p2 =	por !p2, p0  }
0x20: {  	[sflag:s8] =	ssyncset.s32 @!p0 $0xFFFFF086;
	s6 =	sadd.s32 @!p0 s3, s7;
	s7 =	simm.s32 @!p0 $0x108  }
0x21: {  	s3 =	sadd.s32 s3, s9;
	s6 =	sadd.s32 @!p0 $0x88, s6;
	s7 =	simm.s32 @p2 $0x1082  }
0x22: {  	[simem:s7], [sflag:s8] =	dma.local @!p0 [hbm:s6], $0xF7A  }
0x23: {  	s9 =	sor.u32 $0xD0000000, s2;
	s6 =	simm.s32 $0x108;
	_ =	swait.ge @!p0 [sflag:s8], $0x0  }
0x24: {  	s3 =	sadd.s32 $0x88, s3;
	s6 =	simm.s32 @!p1 $0x1082;
	[sflag:s4] =	ssyncset.s32 $0xFFFFF086  }
0x25: {  	[simem:s6], [sflag:s4] =	dma.local [hbm:s3], $0xF7A  }
0x26: {  	[smem:$0x3F8E] =	sst s1;
	(tag) =	ssettag s2;
	_ =	strace s9  }
0x27: {  	s1 =	sld [smem:$0x3F9E]  }
0x28: {  	s2 =	sld [smem:$0x3F9F]  }
0x29: {  	s4 =	sld [smem:$0x3FA1]  }
0x2a: {  	p0 =	seq.s32 s5, $0x0;
	s5 =	sld [smem:$0x3FA2]  }
0x2b: {  	s6 =	sld [smem:$0x3FA3]  }
0x2c: {  	s7 =	sld [smem:$0x3FA4]  }
0x2d: {  	s3 =	simm.s32 $0x108;
	s8 =	sld [smem:$0x3FA5]  }
0x2e: {  	s3 =	simm.s32 @!p0 $0x1082;
	s9 =	sld [smem:$0x3FA6]  }
0x2f: {  	lr =	sadd.s32 s0, s3;
	s0 =	sld [smem:$0x3F9D]  }
0x30: {  	s3 =	sld [smem:$0x3FA0]  }
0x31: {  	[smem:$0x3FA9] =	sst s10  }
0x32: {  	s10 =	sld [smem:$0x3FA7];
	_ =	sdelay $0x3  }
0x33: {  	p0 =	seq.s32 s10, $0x1;
	s10 =	sld [smem:$0x3FA9];
	_ =	sdelay $0x3  }
0x34: {  	[smem:$0x3FA9] =	sst s10  }
0x35: {  	s10 =	sld [smem:$0x3FA8];
	_ =	sdelay $0x3  }
0x36: {  	p1 =	seq.s32 s10, $0x1;
	s10 =	sld [smem:$0x3FA9];
	_ =	sdelay $0x3  }
0x37: {  	[smem:$0x3FA9] =	sst s10  }
0x38: {  	s10 =	sld [smem:$0x3FAA]  }
0x39: {  	_ = 	snop;
	(pc) =	sbr.ind lr, $3  }
0x3a: {  	_ = 	snop  }
0x3b: {  	_ = 	snop  }
0x3c: {  	p2 =	seq.s32 s10, $0x1;
	s10 =	sld [smem:$0x3FA9]  }
0x3d: {  	_ =	shalt  }
0x3e: {  	_ =	shalt  }
0x3f: {  	_ =	shalt  }
0x40: {  	_ =	shalt  }
0x41: {  	_ =	shalt  }
0x42: {  	_ =	shalt  }
0x43: {  	_ =	shalt  }
0x44: {  	_ =	shalt  }
0x45: {  	_ =	shalt  }
0x46: {  	_ =	shalt  }
0x47: {  	_ =	shalt  }
0x48: {  	_ =	shalt  }
0x49: {  	_ =	shalt  }
0x4a: {  	_ =	shalt  }
0x4b: {  	_ =	shalt  }
0x4c: {  	_ =	shalt  }
0x4d: {  	_ =	shalt  }
0x4e: {  	_ =	shalt  }
0x4f: {  	_ =	shalt  }
0x50: {  	_ =	shalt  }
0x51: {  	_ =	shalt  }
0x52: {  	_ =	shalt  }
0x53: {  	_ =	shalt  }
0x54: {  	_ =	shalt  }
0x55: {  	_ =	shalt  }
0x56: {  	_ =	shalt  }
0x57: {  	_ =	shalt  }
0x58: {  	_ =	shalt  }
0x59: {  	_ =	shalt  }
0x5a: {  	_ =	shalt  }
0x5b: {  	_ =	shalt  }
0x5c: {  	_ =	shalt  }
0x5d: {  	_ =	shalt  }
0x5e: {  	_ =	shalt  }
0x5f: {  	_ =	shalt  }
0x60: {  	_ =	shalt  }
0x61: {  	_ =	shalt  }
0x62: {  	_ =	shalt  }
0x63: {  	_ =	shalt  }
0x64: {  	_ =	shalt  }
0x65: {  	_ =	shalt  }
0x66: {  	_ =	shalt  }
0x67: {  	_ =	shalt  }
0x68: {  	_ =	shalt  }
0x69: {  	_ =	shalt  }
0x6a: {  	_ =	shalt  }
0x6b: {  	_ =	shalt  }
0x6c: {  	_ =	shalt  }
0x6d: {  	_ =	shalt  }
0x6e: {  	_ =	shalt  }
0x6f: {  	_ =	shalt  }
0x70: {  	_ =	shalt  }
0x71: {  	_ =	shalt  }
0x72: {  	_ =	shalt  }
0x73: {  	_ =	shalt  }
0x74: {  	_ =	shalt  }
0x75: {  	_ =	shalt  }
0x76: {  	_ =	shalt  }
0x77: {  	_ =	shalt  }
0x78: {  	_ =	shalt  }
0x79: {  	_ =	shalt  }
0x7a: {  	_ =	shalt  }
0x7b: {  	_ =	shalt  }
0x7c: {  	_ =	shalt  }
0x7d: {  	_ =	shalt  }
0x7e: {  	_ =	shalt  }
0x7f: {  	_ =	shalt  }
0x80: {  	_ =	shalt  }
0x81: {  	_ =	shalt  }
0x82: {  	_ =	shalt  }
0x83: {  	_ =	shalt  }
0x84: {  	_ =	shalt  }
0x85: {  	_ =	shalt  }
0x86: {  	_ =	shalt  }
0x87: {  	_ =	shalt  }
.Lfunc_end0:
.L_simem_size_0:
called_computation.1_lowered:
.L_overlay_start_0:
0x88: {  	s2 =	sld [smem:$0x3FD9]  }
0x89: {  	s3 =	sld [smem:$0x3FFE];
	_ =	sdelay $0x1  }
0x8a: {  	s1 =	srdreg.scid  }
0x8b: {  	s0 =	sand.u32 $0x1, s1  }
0x8c: {  	s16 =	sshll.u32 s0, $0xA;
	s2 =	sadd.s32 s3, s2  }
0x8d: {  	s2 =	sadd.s32 s2, s16  }
0x8e: {  	[smem:$0x3FB5] =	sst s2  }
0x8f: {  	_ = 	snop  }
0x90: {  	(tm) =	ssettm $0x1  }
0x91: {  	s17 =	sld [smem:$0x3FFB];
	_ =	sdelay $0x3  }
0x92: {  	_ =	strace s17  }
0x93: {  	s2 =	sld [smem:$0x3FFC];
	_ =	sdelay $0x3  }
0x94: {  	_ =	strace s2  }
0x95: {  	s2 =	sld [smem:$0x3FFD];
	_ =	sdelay $0x3  }
0x96: {  	_ =	strace s2  }
0x97: {  	_ =	strace $0x8FFFFFFF  }
0x98: {  	s18 =	sld [smem:$0x3FDB];
	_ =	sdelay $0x1  }
0x99: {  	s19 =	simm.s32 $_scs_section_size  }
0x9a: {  	s4 =	simm.s32 $_size__tile_overlayer_lowered;
	s5 =	simm.s32 $_tile_overlayer_lowered  }
0x9b: {  	s22 =	simm.s32 $0x1BFF;
	s21 =	sshll.u32 s5, $0x1;
	s2 =	sadd.s32 s19, s18  }
0x9c: {  	s6 =	simm.s32 $0x0;
	s20 =	sshll.u32 s4, $0x1;
	s4 =	sadd.s32 s21, s2  }
0x9d: {  	[timem:s6], [sflag:s22] =	dma.local [hbm:s4], s20  }
0x9e: {  	_ =	swait.ge [sflag:s22], s20  }
0x9f: {  	s3 =	ssub.s32 $0x0, s20;
	[sflag:s22] =	ssyncset.done $0x0  }
0xa0: {  	[sflag:s22] =	ssyncadd.s32 s3;
	_ =	sdelay $0x1  }
0xa1: {  	s23 =	simm.s32 $0x1B8B  }
0xa2: {  	_ =	swait.ge [sflag:s23], $0x1  }
0xa3: {  	[sflag:s23] =	ssyncset.done $0x0  }
0xa4: {  	s25 =	simm.s32 $0x1B8E;
	s24 =	sld [smem:$0x3FFE];
	[sflag:s23] =	ssyncadd.s32 $0xFFFFFFFF  }
0xa5: {  	s26 =	simm.s32 $execute0_lowered;
	[smem:$0x3FD2] =	sst s25  }
0xa6: {  	s4 =	sshll.u32 s26, $0x1;
	_ =	strace $0x80000049;
	[dreg:$0x1] =	wrdreg $0xFFFFFFFF  }
0xa7: {  	s28 =	simm.s32 $_size_execute0_lowered;
	s2 =	sadd.s32 s2, s4;
	[dreg:$0x0] =	wrdreg $0x0  }
0xa8: {  	s4 =	sshll.u32 s28, $0x1;
	[dreg:$0x2] =	wrdreg s2  }
0xa9: {  	[dreg:$0x3] =	wrdreg s4  }
0xaa: {  	[dreg:$0x4] =	wrdreg $0xC0  }
0xab: {  	_ =	task [dreg:s6], $0x5FFFF  }
0xac: {  	[dreg:$0x1] =	wrdreg $0xFFFFFFFF  }
0xad: {  	[dreg:$0x0] =	wrdreg $0x60  }
0xae: {  	[dreg:$0x2] =	wrdreg s24  }
0xaf: {  	[dreg:$0x3] =	wrdreg $0xA8000  }
0xb0: {  	[dreg:$0x4] =	wrdreg $0x9  }
0xb1: {  	_ =	task.clear_ibuf [dreg:s6], $0x5FFFF;
	_ =	strace $0x90000049  }
0xb2: {  	s29 =	simm.s32 $0x9;
	_ =	strace $0x8000004B  }
0xb3: {  	_ =	swait.ge [sflag:s29], $0x1  }
0xb4: {  	[sflag:s29] =	ssyncadd.s32 $0xFFFFFFFF  }
0xb5: {  	_ =	strace $0x9000004B  }
0xb6: {  	_ =	sfence  }
0xb7: {  	s30 =	sld [smem:$0x0];
	_ =	sdelay $0x2  }
0xb8: {  	s31 =	sshll.u32 s1, $0xD;
	s1 =	sshrl.u32 s1, $0x2  }
0xb9: {  	s3 =	sand.u32 $0x4000, s31;
	s1 =	sadd.s32 s1, s30  }
0xba: {  	s0 =	sor.u32 s3, s0;
	s1 =	sshll.u32 s1, $0x11  }
0xbb: {  	s0 =	sor.u32 s1, s0  }
0xbc: {  	s0 =	sadd.s32 $0x8F2B, s0  }
0xbd: {  	[sflag:s0] =	ssyncadd.remote.s32 $0x1  }
0xbe: {  	_ =	sfence.sel $0xFFFF  }
0xbf: {  	[dreg:$0x0] =	wrdreg $0xFFFFFFFF;
	(pc) =	sbr.abs _section_cstart, $3  }
0xc0: {  	[dreg:$0x1] =	wrdreg $0xFFFFFFFF  }
0xc1: {  	_ =	task.clear_ibuf [dreg:s6], $0x2FFFF;
	_ =	strace $0x9FFFFFFF  }
0xc2: {  	(tm) =	ssettm $0x7FFFFFFF  }
0xc3: {  	_ =	shalt  }
tec
execute0_lowered:
.L_overlay_start_1:
0x0: {  	(tag) =	ssettag $0x1  }
0x1: {  	s5 =	rddreg [dreg:$0x0]  }
0x2: {  	s1 =	rddreg [dreg:$0x1]  }
0x3: {  	s0 =	rddreg [dreg:$0x2];
	s3 =	simm.s32 $0x0;
	s4 =	srdreg.scid  }
0x4: {  	s2 =	stileid.u32;
	s14 =	simm.s32 $0x50;
	s15 =	simm.s32 $0x8000  }
0x5: {  	s16 =	simm.s32 $0x2;
	s17 =	simm.s32 $0x0;
	[smem:$0x7FF] =	sst s3  }
0x6: {  	s6 =	sand.u32 $0x1, s4;
	s7 =	sshll.u32 s2, $0xB;
	s8 =	smul.u32 $0x14000, s2  }
0x7: {  	s29 =	smul.u32 $0x50000, s2;
	s31 =	sshll.u32 s2, $0x6;
	s4 =	sshll.u32 s6, $0xF  }
0x8: {  	_ =	strace $0x8000004A;
	s9 =	smul.u32 $0x140000, s6;
	s6 =	ssub.s32 $0x2, s6  }
0x9: {  	s7 =	sor.u32 s7, s4;
	s4 =	sadd.s32 $0x3E200, s5;
	s28 =	sshrl.u32 s8, $0x3  }
0xa: {  	s11 =	sshrl.u32 s6, $0x1;
	s30 =	sshrl.u32 s29, $0x2;
	s10 =	sadd.s32 s7, s5  }
0xb: {  	s8 =	sadd.s32 s8, s9;
	s7 =	sadd.s32 s28, s5;
	s11 =	ssub.s32 s6, s11  }
0xc: {  	s13 =	sadd.s32 s30, s1;
	s6 =	sor.u32 $0x1C01, s31;
	s8 =	sshrl.u32 s8, $0x3  }
0xd: {  	s12 =	sadd.s32 s8, s5;
	s5 =	sadd.s32 $0x16200, s7;
	s7 =	sadd.s32 $0x8E800, s10  }
0xe: {  	s8 =	sadd.s32 $0x6200, s10;
	s10 =	smax.u32 s11, $0x1;
	s11 =	sshrl.u32 s13, $0x3  }
0xf: {  	s13 =	simm.s32 $0x4000;
	s9 =	sadd.s32 $0x9E800, s12;
	s12 =	simm.s32 $0x1  }
.LBB2_1:
0x10: {  	[spmem:s11], [sflag:s6] =	dma.local [hbm:s5], $0x2800  }
0x11: {  	_ =	swait.ge [sflag:s12], $0x2800  }
0x12: {  	[sflag:s12] =	ssyncset.done $0x0  }
0x13: {  	[sflag:s12] =	ssyncadd.s32 $0xFFFFD800  }
0x14: {  	[tilespmem:s3], [sflag:$0x1] =	stream.linear.gather [hbm4b:s7+s3], $0x3E80, $0x38;
	[tilespmem:$0x1E800] =	vst v63  }
0x15: {  	_ =	swait.ge [sflag:s12], $0x3E80  }
0x16: {  	[sflag:s12] =	ssyncset.done $0x0  }
0x17: {  	[sflag:s12] =	ssyncadd.s32 $0xFFFFC180  }
0x18: {  	[tilespmem:s13], [sflag:$0x1] =	stream.linear.gather [hbm4b:s8+s3], $0x3E80, $0x38;
	[tilespmem:$0x1E800] =	vst v63  }
0x19: {  	_ =	swait.ge [sflag:s12], $0x3E80  }
0x1a: {  	[sflag:s12] =	ssyncset.done $0x0  }
0x1b: {  	[sflag:s12] =	ssyncadd.s32 $0xFFFFC180  }
0x1c: {  	s18 =	simm.s32 $0x0;
	[bflag:$0x0] =	sbarrier.arrive $0xFFFF  }
0x1d: {  	[tilespmem:s15], [sflag:$0x1] =	stream.indirect.gather [hbm4b:s4+s14], $0x80, s18, s14, $0xb8;
	[tilespmem:$0x1E800] =	vst v63  }
0x1e: {  	_ =	swait.ge [sflag:s12], $0x2800  }
0x1f: {  	[sflag:s12] =	ssyncset.done $0x0  }
0x20: {  	s31 =	simm.s32 $0x4000;
	[sflag:s12] =	ssyncadd.s32 $0xFFFFD800  }
0x21: {  	[spmem:s1] =	stream.indirect.scatter.add.f32 [tilespmem:s15], [sflag:$0x2], $0x80, s31, s14, $0xb8;
	[tilespmem:$0x1E800] =	vst v63  }
0x22: {  	_ =	swait.ge [sflag:s16], $0x2800  }
0x23: {  	s19 =	simm.s32 $0x400;
	s18 =	simm.s32 $0x200;
	[sflag:s16] =	ssyncset.done $0x0  }
.LBB2_2:
0x24: {  	s20 =	sshra.s32 s18, $0x2  }
0x25: {  	[sflag:s16] =	ssyncadd.s32 $0xFFFFD800;
	s18 =	smov.u32 s19;
	s21 =	sadd.s32 $0x200, s19  }
0x26: {  	[tilespmem:s15], [sflag:$0x1] =	stream.indirect.gather [hbm4b:s4+s14], $0x80, s20, s14, $0xb8;
	[tilespmem:$0x1E800] =	vst v63  }
0x27: {  	p0 =	sne.s32 s19, $0xF800;
	_ =	swait.ge [sflag:s12], $0x2800  }
.Ltmp0:
0x28: {  	[sflag:s12] =	ssyncset.done $0x0;
	(pc) =	sbr.rel @p0 .LBB2_2-.Ltmp0, $4  }
0x29: {  	s19 =	sadd.s32 $0x4000, s20;
	[sflag:s12] =	ssyncadd.s32 $0xFFFFD800  }
0x2a: {  	[spmem:s1] =	stream.indirect.scatter.add.f32 [tilespmem:s15], [sflag:$0x2], $0x80, s19, s14, $0xb8;
	[tilespmem:$0x1E800] =	vst v63  }
0x2b: {  	_ =	swait.ge [sflag:s16], $0x2800  }
0x2c: {  	s19 =	smov.u32 s21;
	[sflag:s16] =	ssyncset.done $0x0  }
0x2d: {  	s18 =	sshra.s32 s18, $0x2;
	[sflag:s16] =	ssyncadd.s32 $0xFFFFD800  }
0x2e: {  	[tilespmem:s15], [sflag:$0x1] =	stream.indirect.gather [hbm4b:s4+s14], $0x80, s18, s14, $0xb8;
	[tilespmem:$0x1E800] =	vst v63  }
0x2f: {  	_ =	swait.ge [sflag:s12], $0x2800  }
0x30: {  	[sflag:s12] =	ssyncset.done $0x0  }
0x31: {  	s18 =	sadd.s32 $0x4000, s18;
	[sflag:s12] =	ssyncadd.s32 $0xFFFFD800  }
0x32: {  	[spmem:s1] =	stream.indirect.scatter.add.f32 [tilespmem:s15], [sflag:$0x2], $0x80, s18, s14, $0xb8;
	[tilespmem:$0x1E800] =	vst v63  }
0x33: {  	_ =	swait.ge [sflag:s16], $0x2800  }
0x34: {  	s17 =	sadd.s32 $0x1, s17;
	[sflag:s16] =	ssyncset.done $0x0  }
0x35: {  	p0 =	sne.s32 s17, s10;
	[sflag:s16] =	ssyncadd.s32 $0xFFFFD800  }
.Ltmp1:
0x36: {  	[bflag:$0x0] =	sbarrier.arrive $0xFFFF;
	(pc) =	sbr.rel @p0 .LBB2_1-.Ltmp1, $4  }
0x37: {  	[hbm:s9], [sflag:s6] =	dma.local [spmem:s11], $0x2800  }
0x38: {  	_ =	swait.ge [sflag:s12], $0x2800  }
0x39: {  	[sflag:s12] =	ssyncset.done $0x0  }
0x3a: {  	[sflag:s12] =	ssyncadd.s32 $0xFFFFD800  }
0x3b: {  	_ =	sfence.sel $0x180000  }
0x3c: {  	[bflag:$0x0] =	sbarrier.arrive $0xFFFF  }
0x3d: {  	p0 =	sne.s32 s2, $0x0;
	_ =	strace $0x9000004A  }
0x3e: {  	s0 =	sadd.s32 @!p0 $0x100000, s0;
	[bflag:$0x2] =	sbarrier.arrive $0xFFFF  }
0x3f: {  	[sflag:s0] =	ssyncadd.tile.s32 @!p0 $0x1;
	_ =	shalt  }
.Lfunc_end2:
_tile_overlayer_lowered:
.L_overlay_start_2:
0x40: {  	(tag) =	ssettag $0x2  }
0x41: {  	s0 =	rddreg [dreg:$0x0];
	s2 =	stileid.u32  }
0x42: {  	s1 =	rddreg [dreg:$0x1];
	p0 =	sne.s32 s2, $0x0  }
0x43: {  	s3 =	rddreg [dreg:$0x2];
	[bflag:$0x3] =	sbarrier.arrive $0xFFFF;
	s2 =	simm.s32 @!p0 $0x1C02  }
0x44: {  	[timem:s3], [sflag:s2] =	dma.local @!p0 [hbm:s0], s1  }
0x45: {  	s0 =	simm.s32 @!p0 $0x2  }
0x46: {  	_ =	swait.ge @!p0 [sflag:s0], s1  }
0x47: {  	s1 =	ssub.s32 @!p0 $0x0, s1;
	[sflag:s0] =	ssyncset.done @!p0 $0x0  }
0x48: {  	[sflag:s0] =	ssyncadd.s32 @!p0 s1  }
0x49: {  	[bflag:$0x3] =	sbarrier.arrive $0xFFFF  }
0x4a: {  	_ =	shalt  }

// kernel: kernel.21.cloned.1.call-start
scs
__scs_entry_jumppad:
0x0: {  	(pc) =	sbr.rel $0x88, $3  }
0x1: {  	(tag) =	ssettag $0x0;
	lr =	simm.s32 $0x1  }
0x2: {  	[smem:$0x3F8E] =	sst lr;
	_ =	strace $0xD0000000  }
0x3: {  	_ = 	snop  }
0x4: {  	_ = 	snop  }
0x5: {  	_ = 	snop  }
0x6: {  	_ = 	snop  }
0x7: {  	_ = 	snop  }
__scs_overlays_trampoline_lowered:
0x8: {  	[smem:$0x3F9D] =	sst s0  }
0x9: {  	[smem:$0x3F9E] =	sst s1  }
0xa: {  	[smem:$0x3F9F] =	sst s2  }
0xb: {  	[smem:$0x3FA0] =	sst s3  }
0xc: {  	[smem:$0x3FA1] =	sst s4  }
0xd: {  	[smem:$0x3FA2] =	sst s5  }
0xe: {  	[smem:$0x3FA3] =	sst s6  }
0xf: {  	[smem:$0x3FA4] =	sst s7  }
0x10: {  	[smem:$0x3FA5] =	sst s8  }
0x11: {  	[smem:$0x3FA6] =	sst s9;
	s0 =	simm.s32 @!p0 $0x0  }
0x12: {  	s1 =	sld [smem:$0x3F8C];
	s0 =	simm.s32 @p0 $0x1  }
0x13: {  	[smem:$0x3FA7] =	sst s0;
	s0 =	simm.s32 @!p1 $0x0  }
0x14: {  	s2 =	sld [smem:$0x3F8B];
	s0 =	simm.s32 @p1 $0x1  }
0x15: {  	[smem:$0x3FA8] =	sst s0;
	s0 =	simm.s32 @!p2 $0x0  }
0x16: {  	s3 =	sld [smem:$0x3FDB];
	s0 =	simm.s32 @p2 $0x1  }
0x17: {  	s4 =	simm.s32 $0x1BF5;
	[smem:$0x3FAA] =	sst s0  }
0x18: {  	s0 =	sld [smem:$0x3F8D];
	_ =	swait.ge [sflag:s4], $0x0  }
0x19: {  	s7 =	sld [smem:$0x3F8E]  }
0x1a: {  	s8 =	sadd.s32 $0xFFFFE003, lr  }
0x1b: {  	s9 =	sadd.s32 $0xFFFFFEF7, lr;
	s5 =	simm.s32 $0xFFFFFFFF;
	p2 =	slt.u32 s8, $0xFFFFF086  }
0x1c: {  	p1 =	slt.u32 s9, $0xF7A;
	s5 =	simm.s32 @!p2 $0x0  }
0x1d: {  	s5 =	simm.s32 @p1 $0x1;
	p0 =	seq.s32 s7, s2  }
0x1e: {  	s7 =	smul.u32 @!p0 $0xF7A, s2;
	p2 =	seq.s32 @!p0 s5, $0x0  }
0x1f: {  	s9 =	smul.u32 $0xF7A, s1;
	s8 =	simm.s32 @!p0 $0x1BF5;
	p2 =	por !p2, p0  }
0x20: {  	[sflag:s8] =	ssyncset.s32 @!p0 $0xFFFFF086;
	s6 =	sadd.s32 @!p0 s3, s7;
	s7 =	simm.s32 @!p0 $0x108  }
0x21: {  	s3 =	sadd.s32 s3, s9;
	s6 =	sadd.s32 @!p0 $0x88, s6;
	s7 =	simm.s32 @p2 $0x1082  }
0x22: {  	[simem:s7], [sflag:s8] =	dma.local @!p0 [hbm:s6], $0xF7A  }
0x23: {  	s9 =	sor.u32 $0xD0000000, s2;
	s6 =	simm.s32 $0x108;
	_ =	swait.ge @!p0 [sflag:s8], $0x0  }
0x24: {  	s3 =	sadd.s32 $0x88, s3;
	s6 =	simm.s32 @!p1 $0x1082;
	[sflag:s4] =	ssyncset.s32 $0xFFFFF086  }
0x25: {  	[simem:s6], [sflag:s4] =	dma.local [hbm:s3], $0xF7A  }
0x26: {  	[smem:$0x3F8E] =	sst s1;
	(tag) =	ssettag s2;
	_ =	strace s9  }
0x27: {  	s1 =	sld [smem:$0x3F9E]  }
0x28: {  	s2 =	sld [smem:$0x3F9F]  }
0x29: {  	s4 =	sld [smem:$0x3FA1]  }
0x2a: {  	p0 =	seq.s32 s5, $0x0;
	s5 =	sld [smem:$0x3FA2]  }
0x2b: {  	s6 =	sld [smem:$0x3FA3]  }
0x2c: {  	s7 =	sld [smem:$0x3FA4]  }
0x2d: {  	s3 =	simm.s32 $0x108;
	s8 =	sld [smem:$0x3FA5]  }
0x2e: {  	s3 =	simm.s32 @!p0 $0x1082;
	s9 =	sld [smem:$0x3FA6]  }
0x2f: {  	lr =	sadd.s32 s0, s3;
	s0 =	sld [smem:$0x3F9D]  }
0x30: {  	s3 =	sld [smem:$0x3FA0]  }
0x31: {  	[smem:$0x3FA9] =	sst s10  }
0x32: {  	s10 =	sld [smem:$0x3FA7];
	_ =	sdelay $0x3  }
0x33: {  	p0 =	seq.s32 s10, $0x1;
	s10 =	sld [smem:$0x3FA9];
	_ =	sdelay $0x3  }
0x34: {  	[smem:$0x3FA9] =	sst s10  }
0x35: {  	s10 =	sld [smem:$0x3FA8];
	_ =	sdelay $0x3  }
0x36: {  	p1 =	seq.s32 s10, $0x1;
	s10 =	sld [smem:$0x3FA9];
	_ =	sdelay $0x3  }
0x37: {  	[smem:$0x3FA9] =	sst s10  }
0x38: {  	s10 =	sld [smem:$0x3FAA]  }
0x39: {  	_ = 	snop;
	(pc) =	sbr.ind lr, $3  }
0x3a: {  	_ = 	snop  }
0x3b: {  	_ = 	snop  }
0x3c: {  	p2 =	seq.s32 s10, $0x1;
	s10 =	sld [smem:$0x3FA9]  }
0x3d: {  	_ =	shalt  }
0x3e: {  	_ =	shalt  }
0x3f: {  	_ =	shalt  }
0x40: {  	_ =	shalt  }
0x41: {  	_ =	shalt  }
0x42: {  	_ =	shalt  }
0x43: {  	_ =	shalt  }
0x44: {  	_ =	shalt  }
0x45: {  	_ =	shalt  }
0x46: {  	_ =	shalt  }
0x47: {  	_ =	shalt  }
0x48: {  	_ =	shalt  }
0x49: {  	_ =	shalt  }
0x4a: {  	_ =	shalt  }
0x4b: {  	_ =	shalt  }
0x4c: {  	_ =	shalt  }
0x4d: {  	_ =	shalt  }
0x4e: {  	_ =	shalt  }
0x4f: {  	_ =	shalt  }
0x50: {  	_ =	shalt  }
0x51: {  	_ =	shalt  }
0x52: {  	_ =	shalt  }
0x53: {  	_ =	shalt  }
0x54: {  	_ =	shalt  }
0x55: {  	_ =	shalt  }
0x56: {  	_ =	shalt  }
0x57: {  	_ =	shalt  }
0x58: {  	_ =	shalt  }
0x59: {  	_ =	shalt  }
0x5a: {  	_ =	shalt  }
0x5b: {  	_ =	shalt  }
0x5c: {  	_ =	shalt  }
0x5d: {  	_ =	shalt  }
0x5e: {  	_ =	shalt  }
0x5f: {  	_ =	shalt  }
0x60: {  	_ =	shalt  }
0x61: {  	_ =	shalt  }
0x62: {  	_ =	shalt  }
0x63: {  	_ =	shalt  }
0x64: {  	_ =	shalt  }
0x65: {  	_ =	shalt  }
0x66: {  	_ =	shalt  }
0x67: {  	_ =	shalt  }
0x68: {  	_ =	shalt  }
0x69: {  	_ =	shalt  }
0x6a: {  	_ =	shalt  }
0x6b: {  	_ =	shalt  }
0x6c: {  	_ =	shalt  }
0x6d: {  	_ =	shalt  }
0x6e: {  	_ =	shalt  }
0x6f: {  	_ =	shalt  }
0x70: {  	_ =	shalt  }
0x71: {  	_ =	shalt  }
0x72: {  	_ =	shalt  }
0x73: {  	_ =	shalt  }
0x74: {  	_ =	shalt  }
0x75: {  	_ =	shalt  }
0x76: {  	_ =	shalt  }
0x77: {  	_ =	shalt  }
0x78: {  	_ =	shalt  }
0x79: {  	_ =	shalt  }
0x7a: {  	_ =	shalt  }
0x7b: {  	_ =	shalt  }
0x7c: {  	_ =	shalt  }
0x7d: {  	_ =	shalt  }
0x7e: {  	_ =	shalt  }
0x7f: {  	_ =	shalt  }
0x80: {  	_ =	shalt  }
0x81: {  	_ =	shalt  }
0x82: {  	_ =	shalt  }
0x83: {  	_ =	shalt  }
0x84: {  	_ =	shalt  }
0x85: {  	_ =	shalt  }
0x86: {  	_ =	shalt  }
0x87: {  	_ =	shalt  }
.Lfunc_end0:
.L_simem_size_0:
called_computation.2_lowered:
.L_overlay_start_0:
0x88: {  	s2 =	sld [smem:$0x3FD9]  }
0x89: {  	s3 =	sld [smem:$0x3FFE];
	_ =	sdelay $0x1  }
0x8a: {  	s1 =	srdreg.scid  }
0x8b: {  	s0 =	sand.u32 $0x1, s1  }
0x8c: {  	s16 =	sshll.u32 s0, $0xA;
	s2 =	sadd.s32 s3, s2  }
0x8d: {  	s2 =	sadd.s32 s2, s16  }
0x8e: {  	[smem:$0x3FB5] =	sst s2  }
0x8f: {  	_ = 	snop  }
0x90: {  	(tm) =	ssettm $0x1  }
0x91: {  	s17 =	sld [smem:$0x3FFB];
	_ =	sdelay $0x3  }
0x92: {  	_ =	strace s17  }
0x93: {  	s2 =	sld [smem:$0x3FFC];
	_ =	sdelay $0x3  }
0x94: {  	_ =	strace s2  }
0x95: {  	s2 =	sld [smem:$0x3FFD];
	_ =	sdelay $0x3  }
0x96: {  	_ =	strace s2  }
0x97: {  	_ =	strace $0x8FFFFFFF  }
0x98: {  	s18 =	sld [smem:$0x3FDB];
	_ =	sdelay $0x1  }
0x99: {  	s19 =	simm.s32 $_scs_section_size  }
0x9a: {  	s4 =	simm.s32 $_size__tile_overlayer_lowered;
	s5 =	simm.s32 $_tile_overlayer_lowered  }
0x9b: {  	s22 =	simm.s32 $0x1BFF;
	s21 =	sshll.u32 s5, $0x1;
	s2 =	sadd.s32 s19, s18  }
0x9c: {  	s6 =	simm.s32 $0x0;
	s20 =	sshll.u32 s4, $0x1;
	s4 =	sadd.s32 s21, s2  }
0x9d: {  	[timem:s6], [sflag:s22] =	dma.local [hbm:s4], s20  }
0x9e: {  	_ =	swait.ge [sflag:s22], s20  }
0x9f: {  	s3 =	ssub.s32 $0x0, s20;
	[sflag:s22] =	ssyncset.done $0x0  }
0xa0: {  	[sflag:s22] =	ssyncadd.s32 s3;
	_ =	sdelay $0x1  }
0xa1: {  	s23 =	simm.s32 $0x1B8B  }
0xa2: {  	_ =	swait.ge [sflag:s23], $0x1  }
0xa3: {  	[sflag:s23] =	ssyncset.done $0x0  }
0xa4: {  	s25 =	simm.s32 $0x1B8E;
	s24 =	sld [smem:$0x3FFE];
	[sflag:s23] =	ssyncadd.s32 $0xFFFFFFFF  }
0xa5: {  	s26 =	simm.s32 $execute0_lowered;
	[smem:$0x3FD2] =	sst s25  }
0xa6: {  	s4 =	sshll.u32 s26, $0x1;
	_ =	strace $0x8000004C;
	[dreg:$0x1] =	wrdreg $0xFFFFFFFF  }
0xa7: {  	s28 =	simm.s32 $_size_execute0_lowered;
	s2 =	sadd.s32 s2, s4;
	[dreg:$0x0] =	wrdreg $0x0  }
0xa8: {  	s4 =	sshll.u32 s28, $0x1;
	[dreg:$0x2] =	wrdreg s2  }
0xa9: {  	[dreg:$0x3] =	wrdreg s4  }
0xaa: {  	[dreg:$0x4] =	wrdreg $0xC0  }
0xab: {  	_ =	task [dreg:s6], $0x5FFFF  }
0xac: {  	[dreg:$0x1] =	wrdreg $0xFFFFFFFF  }
0xad: {  	[dreg:$0x0] =	wrdreg $0x60  }
0xae: {  	[dreg:$0x2] =	wrdreg s24  }
0xaf: {  	[dreg:$0x3] =	wrdreg $0xA8000  }
0xb0: {  	[dreg:$0x4] =	wrdreg $0x9  }
0xb1: {  	_ =	task.clear_ibuf [dreg:s6], $0x5FFFF;
	_ =	strace $0x9000004C  }
0xb2: {  	s29 =	simm.s32 $0x9;
	_ =	strace $0x8000004E  }
0xb3: {  	_ =	swait.ge [sflag:s29], $0x1  }
0xb4: {  	[sflag:s29] =	ssyncadd.s32 $0xFFFFFFFF  }
0xb5: {  	_ =	strace $0x9000004E  }
0xb6: {  	_ =	sfence  }
0xb7: {  	s30 =	sld [smem:$0x0];
	_ =	sdelay $0x2  }
0xb8: {  	s31 =	sshll.u32 s1, $0xD;
	s1 =	sshrl.u32 s1, $0x2  }
0xb9: {  	s3 =	sand.u32 $0x4000, s31;
	s1 =	sadd.s32 s1, s30  }
0xba: {  	s0 =	sor.u32 s3, s0;
	s1 =	sshll.u32 s1, $0x11  }
0xbb: {  	s0 =	sor.u32 s1, s0  }
0xbc: {  	s0 =	sadd.s32 $0x8F2B, s0  }
0xbd: {  	[sflag:s0] =	ssyncadd.remote.s32 $0x1  }
0xbe: {  	_ =	sfence.sel $0xFFFF  }
0xbf: {  	[dreg:$0x0] =	wrdreg $0xFFFFFFFF;
	(pc) =	sbr.abs _section_cstart, $3  }
0xc0: {  	[dreg:$0x1] =	wrdreg $0xFFFFFFFF  }
0xc1: {  	_ =	task.clear_ibuf [dreg:s6], $0x2FFFF;
	_ =	strace $0x9FFFFFFF  }
0xc2: {  	(tm) =	ssettm $0x7FFFFFFF  }
0xc3: {  	_ =	shalt  }
tec
execute0_lowered:
.L_overlay_start_1:
0x0: {  	(tag) =	ssettag $0x1  }
0x1: {  	s5 =	rddreg [dreg:$0x0]  }
0x2: {  	s1 =	rddreg [dreg:$0x1]  }
0x3: {  	s0 =	rddreg [dreg:$0x2];
	s3 =	simm.s32 $0x0;
	s4 =	srdreg.scid  }
0x4: {  	s2 =	stileid.u32;
	s14 =	simm.s32 $0x50;
	s15 =	simm.s32 $0x8000  }
0x5: {  	s16 =	simm.s32 $0x2;
	s17 =	simm.s32 $0x0;
	[smem:$0x7FF] =	sst s3  }
0x6: {  	s6 =	sand.u32 $0x1, s4;
	s7 =	sshll.u32 s2, $0xB;
	s8 =	smul.u32 $0x14000, s2  }
0x7: {  	s29 =	smul.u32 $0x50000, s2;
	s31 =	sshll.u32 s2, $0x6;
	s4 =	sshll.u32 s6, $0xF  }
0x8: {  	_ =	strace $0x8000004D;
	s9 =	smul.u32 $0x140000, s6;
	s6 =	ssub.s32 $0x2, s6  }
0x9: {  	s7 =	sor.u32 s7, s4;
	s4 =	sadd.s32 $0x3E200, s5;
	s28 =	sshrl.u32 s8, $0x3  }
0xa: {  	s11 =	sshrl.u32 s6, $0x1;
	s30 =	sshrl.u32 s29, $0x2;
	s10 =	sadd.s32 s7, s5  }
0xb: {  	s8 =	sadd.s32 s8, s9;
	s7 =	sadd.s32 s28, s5;
	s11 =	ssub.s32 s6, s11  }
0xc: {  	s13 =	sadd.s32 s30, s1;
	s6 =	sor.u32 $0x1C01, s31;
	s8 =	sshrl.u32 s8, $0x3  }
0xd: {  	s12 =	sadd.s32 s8, s5;
	s5 =	sadd.s32 $0x16200, s7;
	s7 =	sadd.s32 $0x8E800, s10  }
0xe: {  	s8 =	sadd.s32 $0x6200, s10;
	s10 =	smax.u32 s11, $0x1;
	s11 =	sshrl.u32 s13, $0x3  }
0xf: {  	s13 =	simm.s32 $0x4000;
	s9 =	sadd.s32 $0x9E800, s12;
	s12 =	simm.s32 $0x1  }
.LBB2_1:
0x10: {  	[spmem:s11], [sflag:s6] =	dma.local [hbm:s5], $0x2800  }
0x11: {  	_ =	swait.ge [sflag:s12], $0x2800  }
0x12: {  	[sflag:s12] =	ssyncset.done $0x0  }
0x13: {  	[sflag:s12] =	ssyncadd.s32 $0xFFFFD800  }
0x14: {  	[tilespmem:s3], [sflag:$0x1] =	stream.linear.gather [hbm4b:s7+s3], $0x3E80, $0x38;
	[tilespmem:$0x1E800] =	vst v63  }
0x15: {  	_ =	swait.ge [sflag:s12], $0x3E80  }
0x16: {  	[sflag:s12] =	ssyncset.done $0x0  }
0x17: {  	[sflag:s12] =	ssyncadd.s32 $0xFFFFC180  }
0x18: {  	[tilespmem:s13], [sflag:$0x1] =	stream.linear.gather [hbm4b:s8+s3], $0x3E80, $0x38;
	[tilespmem:$0x1E800] =	vst v63  }
0x19: {  	_ =	swait.ge [sflag:s12], $0x3E80  }
0x1a: {  	[sflag:s12] =	ssyncset.done $0x0  }
0x1b: {  	[sflag:s12] =	ssyncadd.s32 $0xFFFFC180  }
0x1c: {  	s18 =	simm.s32 $0x0;
	[bflag:$0x0] =	sbarrier.arrive $0xFFFF  }
0x1d: {  	[tilespmem:s15], [sflag:$0x1] =	stream.indirect.gather [hbm4b:s4+s14], $0x80, s18, s14, $0xb8;
	[tilespmem:$0x1E800] =	vst v63  }
0x1e: {  	_ =	swait.ge [sflag:s12], $0x2800  }
0x1f: {  	[sflag:s12] =	ssyncset.done $0x0  }
0x20: {  	s31 =	simm.s32 $0x4000;
	[sflag:s12] =	ssyncadd.s32 $0xFFFFD800  }
0x21: {  	[spmem:s1] =	stream.indirect.scatter.add.f32 [tilespmem:s15], [sflag:$0x2], $0x80, s31, s14, $0xb8;
	[tilespmem:$0x1E800] =	vst v63  }
0x22: {  	_ =	swait.ge [sflag:s16], $0x2800  }
0x23: {  	s19 =	simm.s32 $0x400;
	s18 =	simm.s32 $0x200;
	[sflag:s16] =	ssyncset.done $0x0  }
.LBB2_2:
0x24: {  	s20 =	sshra.s32 s18, $0x2  }
0x25: {  	[sflag:s16] =	ssyncadd.s32 $0xFFFFD800;
	s18 =	smov.u32 s19;
	s21 =	sadd.s32 $0x200, s19  }
0x26: {  	[tilespmem:s15], [sflag:$0x1] =	stream.indirect.gather [hbm4b:s4+s14], $0x80, s20, s14, $0xb8;
	[tilespmem:$0x1E800] =	vst v63  }
0x27: {  	p0 =	sne.s32 s19, $0xF800;
	_ =	swait.ge [sflag:s12], $0x2800  }
.Ltmp0:
0x28: {  	[sflag:s12] =	ssyncset.done $0x0;
	(pc) =	sbr.rel @p0 .LBB2_2-.Ltmp0, $4  }
0x29: {  	s19 =	sadd.s32 $0x4000, s20;
	[sflag:s12] =	ssyncadd.s32 $0xFFFFD800  }
0x2a: {  	[spmem:s1] =	stream.indirect.scatter.add.f32 [tilespmem:s15], [sflag:$0x2], $0x80, s19, s14, $0xb8;
	[tilespmem:$0x1E800] =	vst v63  }
0x2b: {  	_ =	swait.ge [sflag:s16], $0x2800  }
0x2c: {  	s19 =	smov.u32 s21;
	[sflag:s16] =	ssyncset.done $0x0  }
0x2d: {  	s18 =	sshra.s32 s18, $0x2;
	[sflag:s16] =	ssyncadd.s32 $0xFFFFD800  }
0x2e: {  	[tilespmem:s15], [sflag:$0x1] =	stream.indirect.gather [hbm4b:s4+s14], $0x80, s18, s14, $0xb8;
	[tilespmem:$0x1E800] =	vst v63  }
0x2f: {  	_ =	swait.ge [sflag:s12], $0x2800  }
0x30: {  	[sflag:s12] =	ssyncset.done $0x0  }
0x31: {  	s18 =	sadd.s32 $0x4000, s18;
	[sflag:s12] =	ssyncadd.s32 $0xFFFFD800  }
0x32: {  	[spmem:s1] =	stream.indirect.scatter.add.f32 [tilespmem:s15], [sflag:$0x2], $0x80, s18, s14, $0xb8;
	[tilespmem:$0x1E800] =	vst v63  }
0x33: {  	_ =	swait.ge [sflag:s16], $0x2800  }
0x34: {  	s17 =	sadd.s32 $0x1, s17;
	[sflag:s16] =	ssyncset.done $0x0  }
0x35: {  	p0 =	sne.s32 s17, s10;
	[sflag:s16] =	ssyncadd.s32 $0xFFFFD800  }
.Ltmp1:
0x36: {  	[bflag:$0x0] =	sbarrier.arrive $0xFFFF;
	(pc) =	sbr.rel @p0 .LBB2_1-.Ltmp1, $4  }
0x37: {  	[hbm:s9], [sflag:s6] =	dma.local [spmem:s11], $0x2800  }
0x38: {  	_ =	swait.ge [sflag:s12], $0x2800  }
0x39: {  	[sflag:s12] =	ssyncset.done $0x0  }
0x3a: {  	[sflag:s12] =	ssyncadd.s32 $0xFFFFD800  }
0x3b: {  	_ =	sfence.sel $0x180000  }
0x3c: {  	[bflag:$0x0] =	sbarrier.arrive $0xFFFF  }
0x3d: {  	p0 =	sne.s32 s2, $0x0;
	_ =	strace $0x9000004D  }
0x3e: {  	s0 =	sadd.s32 @!p0 $0x100000, s0;
	[bflag:$0x2] =	sbarrier.arrive $0xFFFF  }
0x3f: {  	[sflag:s0] =	ssyncadd.tile.s32 @!p0 $0x1;
	_ =	shalt  }
.Lfunc_end2:
_tile_overlayer_lowered:
.L_overlay_start_2:
0x40: {  	(tag) =	ssettag $0x2  }
0x41: {  	s0 =	rddreg [dreg:$0x0];
	s2 =	stileid.u32  }
0x42: {  	s1 =	rddreg [dreg:$0x1];
	p0 =	sne.s32 s2, $0x0  }
0x43: {  	s3 =	rddreg [dreg:$0x2];
	[bflag:$0x3] =	sbarrier.arrive $0xFFFF;
	s2 =	simm.s32 @!p0 $0x1C02  }
0x44: {  	[timem:s3], [sflag:s2] =	dma.local @!p0 [hbm:s0], s1  }
0x45: {  	s0 =	simm.s32 @!p0 $0x2  }
0x46: {  	_ =	swait.ge @!p0 [sflag:s0], s1  }
0x47: {  	s1 =	ssub.s32 @!p0 $0x0, s1;
	[sflag:s0] =	ssyncset.done @!p0 $0x0  }
0x48: {  	[sflag:s0] =	ssyncadd.s32 @!p0 s1  }
0x49: {  	[bflag:$0x3] =	sbarrier.arrive $0xFFFF  }
0x4a: {  	_ =	shalt  }

// kernel: kernel.24.cloned.1.call-start
scs
__scs_entry_jumppad:
0x0: {  	(pc) =	sbr.rel $0x88, $3  }
0x1: {  	(tag) =	ssettag $0x0;
	lr =	simm.s32 $0x1  }
0x2: {  	[smem:$0x3F8E] =	sst lr;
	_ =	strace $0xD0000000  }
0x3: {  	_ = 	snop  }
0x4: {  	_ = 	snop  }
0x5: {  	_ = 	snop  }
0x6: {  	_ = 	snop  }
0x7: {  	_ = 	snop  }
__scs_overlays_trampoline_lowered:
0x8: {  	[smem:$0x3F9D] =	sst s0  }
0x9: {  	[smem:$0x3F9E] =	sst s1  }
0xa: {  	[smem:$0x3F9F] =	sst s2  }
0xb: {  	[smem:$0x3FA0] =	sst s3  }
0xc: {  	[smem:$0x3FA1] =	sst s4  }
0xd: {  	[smem:$0x3FA2] =	sst s5  }
0xe: {  	[smem:$0x3FA3] =	sst s6  }
0xf: {  	[smem:$0x3FA4] =	sst s7  }
0x10: {  	[smem:$0x3FA5] =	sst s8  }
0x11: {  	[smem:$0x3FA6] =	sst s9;
	s0 =	simm.s32 @!p0 $0x0  }
0x12: {  	s1 =	sld [smem:$0x3F8C];
	s0 =	simm.s32 @p0 $0x1  }
0x13: {  	[smem:$0x3FA7] =	sst s0;
	s0 =	simm.s32 @!p1 $0x0  }
0x14: {  	s2 =	sld [smem:$0x3F8B];
	s0 =	simm.s32 @p1 $0x1  }
0x15: {  	[smem:$0x3FA8] =	sst s0;
	s0 =	simm.s32 @!p2 $0x0  }
0x16: {  	s3 =	sld [smem:$0x3FDB];
	s0 =	simm.s32 @p2 $0x1  }
0x17: {  	s4 =	simm.s32 $0x1BF5;
	[smem:$0x3FAA] =	sst s0  }
0x18: {  	s0 =	sld [smem:$0x3F8D];
	_ =	swait.ge [sflag:s4], $0x0  }
0x19: {  	s7 =	sld [smem:$0x3F8E]  }
0x1a: {  	s8 =	sadd.s32 $0xFFFFE003, lr  }
0x1b: {  	s9 =	sadd.s32 $0xFFFFFEF7, lr;
	s5 =	simm.s32 $0xFFFFFFFF;
	p2 =	slt.u32 s8, $0xFFFFF086  }
0x1c: {  	p1 =	slt.u32 s9, $0xF7A;
	s5 =	simm.s32 @!p2 $0x0  }
0x1d: {  	s5 =	simm.s32 @p1 $0x1;
	p0 =	seq.s32 s7, s2  }
0x1e: {  	s7 =	smul.u32 @!p0 $0xF7A, s2;
	p2 =	seq.s32 @!p0 s5, $0x0  }
0x1f: {  	s9 =	smul.u32 $0xF7A, s1;
	s8 =	simm.s32 @!p0 $0x1BF5;
	p2 =	por !p2, p0  }
0x20: {  	[sflag:s8] =	ssyncset.s32 @!p0 $0xFFFFF086;
	s6 =	sadd.s32 @!p0 s3, s7;
	s7 =	simm.s32 @!p0 $0x108  }
0x21: {  	s3 =	sadd.s32 s3, s9;
	s6 =	sadd.s32 @!p0 $0x88, s6;
	s7 =	simm.s32 @p2 $0x1082  }
0x22: {  	[simem:s7], [sflag:s8] =	dma.local @!p0 [hbm:s6], $0xF7A  }
0x23: {  	s9 =	sor.u32 $0xD0000000, s2;
	s6 =	simm.s32 $0x108;
	_ =	swait.ge @!p0 [sflag:s8], $0x0  }
0x24: {  	s3 =	sadd.s32 $0x88, s3;
	s6 =	simm.s32 @!p1 $0x1082;
	[sflag:s4] =	ssyncset.s32 $0xFFFFF086  }
0x25: {  	[simem:s6], [sflag:s4] =	dma.local [hbm:s3], $0xF7A  }
0x26: {  	[smem:$0x3F8E] =	sst s1;
	(tag) =	ssettag s2;
	_ =	strace s9  }
0x27: {  	s1 =	sld [smem:$0x3F9E]  }
0x28: {  	s2 =	sld [smem:$0x3F9F]  }
0x29: {  	s4 =	sld [smem:$0x3FA1]  }
0x2a: {  	p0 =	seq.s32 s5, $0x0;
	s5 =	sld [smem:$0x3FA2]  }
0x2b: {  	s6 =	sld [smem:$0x3FA3]  }
0x2c: {  	s7 =	sld [smem:$0x3FA4]  }
0x2d: {  	s3 =	simm.s32 $0x108;
	s8 =	sld [smem:$0x3FA5]  }
0x2e: {  	s3 =	simm.s32 @!p0 $0x1082;
	s9 =	sld [smem:$0x3FA6]  }
0x2f: {  	lr =	sadd.s32 s0, s3;
	s0 =	sld [smem:$0x3F9D]  }
0x30: {  	s3 =	sld [smem:$0x3FA0]  }
0x31: {  	[smem:$0x3FA9] =	sst s10  }
0x32: {  	s10 =	sld [smem:$0x3FA7];
	_ =	sdelay $0x3  }
0x33: {  	p0 =	seq.s32 s10, $0x1;
	s10 =	sld [smem:$0x3FA9];
	_ =	sdelay $0x3  }
0x34: {  	[smem:$0x3FA9] =	sst s10  }
0x35: {  	s10 =	sld [smem:$0x3FA8];
	_ =	sdelay $0x3  }
0x36: {  	p1 =	seq.s32 s10, $0x1;
	s10 =	sld [smem:$0x3FA9];
	_ =	sdelay $0x3  }
0x37: {  	[smem:$0x3FA9] =	sst s10  }
0x38: {  	s10 =	sld [smem:$0x3FAA]  }
0x39: {  	_ = 	snop;
	(pc) =	sbr.ind lr, $3  }
0x3a: {  	_ = 	snop  }
0x3b: {  	_ = 	snop  }
0x3c: {  	p2 =	seq.s32 s10, $0x1;
	s10 =	sld [smem:$0x3FA9]  }
0x3d: {  	_ =	shalt  }
0x3e: {  	_ =	shalt  }
0x3f: {  	_ =	shalt  }
0x40: {  	_ =	shalt  }
0x41: {  	_ =	shalt  }
0x42: {  	_ =	shalt  }
0x43: {  	_ =	shalt  }
0x44: {  	_ =	shalt  }
0x45: {  	_ =	shalt  }
0x46: {  	_ =	shalt  }
0x47: {  	_ =	shalt  }
0x48: {  	_ =	shalt  }
0x49: {  	_ =	shalt  }
0x4a: {  	_ =	shalt  }
0x4b: {  	_ =	shalt  }
0x4c: {  	_ =	shalt  }
0x4d: {  	_ =	shalt  }
0x4e: {  	_ =	shalt  }
0x4f: {  	_ =	shalt  }
0x50: {  	_ =	shalt  }
0x51: {  	_ =	shalt  }
0x52: {  	_ =	shalt  }
0x53: {  	_ =	shalt  }
0x54: {  	_ =	shalt  }
0x55: {  	_ =	shalt  }
0x56: {  	_ =	shalt  }
0x57: {  	_ =	shalt  }
0x58: {  	_ =	shalt  }
0x59: {  	_ =	shalt  }
0x5a: {  	_ =	shalt  }
0x5b: {  	_ =	shalt  }
0x5c: {  	_ =	shalt  }
0x5d: {  	_ =	shalt  }
0x5e: {  	_ =	shalt  }
0x5f: {  	_ =	shalt  }
0x60: {  	_ =	shalt  }
0x61: {  	_ =	shalt  }
0x62: {  	_ =	shalt  }
0x63: {  	_ =	shalt  }
0x64: {  	_ =	shalt  }
0x65: {  	_ =	shalt  }
0x66: {  	_ =	shalt  }
0x67: {  	_ =	shalt  }
0x68: {  	_ =	shalt  }
0x69: {  	_ =	shalt  }
0x6a: {  	_ =	shalt  }
0x6b: {  	_ =	shalt  }
0x6c: {  	_ =	shalt  }
0x6d: {  	_ =	shalt  }
0x6e: {  	_ =	shalt  }
0x6f: {  	_ =	shalt  }
0x70: {  	_ =	shalt  }
0x71: {  	_ =	shalt  }
0x72: {  	_ =	shalt  }
0x73: {  	_ =	shalt  }
0x74: {  	_ =	shalt  }
0x75: {  	_ =	shalt  }
0x76: {  	_ =	shalt  }
0x77: {  	_ =	shalt  }
0x78: {  	_ =	shalt  }
0x79: {  	_ =	shalt  }
0x7a: {  	_ =	shalt  }
0x7b: {  	_ =	shalt  }
0x7c: {  	_ =	shalt  }
0x7d: {  	_ =	shalt  }
0x7e: {  	_ =	shalt  }
0x7f: {  	_ =	shalt  }
0x80: {  	_ =	shalt  }
0x81: {  	_ =	shalt  }
0x82: {  	_ =	shalt  }
0x83: {  	_ =	shalt  }
0x84: {  	_ =	shalt  }
0x85: {  	_ =	shalt  }
0x86: {  	_ =	shalt  }
0x87: {  	_ =	shalt  }
.Lfunc_end0:
.L_simem_size_0:
called_computation.3_lowered:
.L_overlay_start_0:
0x88: {  	s2 =	sld [smem:$0x3FD9]  }
0x89: {  	s3 =	sld [smem:$0x3FFE];
	_ =	sdelay $0x1  }
0x8a: {  	s1 =	srdreg.scid  }
0x8b: {  	s0 =	sand.u32 $0x1, s1  }
0x8c: {  	s16 =	sshll.u32 s0, $0xA;
	s2 =	sadd.s32 s3, s2  }
0x8d: {  	s2 =	sadd.s32 s2, s16  }
0x8e: {  	[smem:$0x3FB5] =	sst s2  }
0x8f: {  	_ = 	snop  }
0x90: {  	(tm) =	ssettm $0x1  }
0x91: {  	s17 =	sld [smem:$0x3FFB];
	_ =	sdelay $0x3  }
0x92: {  	_ =	strace s17  }
0x93: {  	s2 =	sld [smem:$0x3FFC];
	_ =	sdelay $0x3  }
0x94: {  	_ =	strace s2  }
0x95: {  	s2 =	sld [smem:$0x3FFD];
	_ =	sdelay $0x3  }
0x96: {  	_ =	strace s2  }
0x97: {  	_ =	strace $0x8FFFFFFF  }
0x98: {  	s18 =	sld [smem:$0x3FDB];
	_ =	sdelay $0x1  }
0x99: {  	s19 =	simm.s32 $_scs_section_size  }
0x9a: {  	s4 =	simm.s32 $_size__tile_overlayer_lowered;
	s5 =	simm.s32 $_tile_overlayer_lowered  }
0x9b: {  	s22 =	simm.s32 $0x1BFF;
	s21 =	sshll.u32 s5, $0x1;
	s2 =	sadd.s32 s19, s18  }
0x9c: {  	s6 =	simm.s32 $0x0;
	s20 =	sshll.u32 s4, $0x1;
	s4 =	sadd.s32 s21, s2  }
0x9d: {  	[timem:s6], [sflag:s22] =	dma.local [hbm:s4], s20  }
0x9e: {  	_ =	swait.ge [sflag:s22], s20  }
0x9f: {  	s3 =	ssub.s32 $0x0, s20;
	[sflag:s22] =	ssyncset.done $0x0  }
0xa0: {  	[sflag:s22] =	ssyncadd.s32 s3;
	_ =	sdelay $0x1  }
0xa1: {  	s23 =	simm.s32 $0x1B8B  }
0xa2: {  	_ =	swait.ge [sflag:s23], $0x1  }
0xa3: {  	[sflag:s23] =	ssyncset.done $0x0  }
0xa4: {  	s25 =	simm.s32 $0x1B8E;
	s24 =	sld [smem:$0x3FFE];
	[sflag:s23] =	ssyncadd.s32 $0xFFFFFFFF  }
0xa5: {  	s26 =	simm.s32 $execute0_lowered;
	[smem:$0x3FD2] =	sst s25  }
0xa6: {  	s4 =	sshll.u32 s26, $0x1;
	_ =	strace $0x8000004F;
	[dreg:$0x1] =	wrdreg $0xFFFFFFFF  }
0xa7: {  	s28 =	simm.s32 $_size_execute0_lowered;
	s2 =	sadd.s32 s2, s4;
	[dreg:$0x0] =	wrdreg $0x0  }
0xa8: {  	s4 =	sshll.u32 s28, $0x1;
	[dreg:$0x2] =	wrdreg s2  }
0xa9: {  	[dreg:$0x3] =	wrdreg s4  }
0xaa: {  	[dreg:$0x4] =	wrdreg $0xC0  }
0xab: {  	_ =	task [dreg:s6], $0x5FFFF  }
0xac: {  	[dreg:$0x1] =	wrdreg $0xFFFFFFFF  }
0xad: {  	[dreg:$0x0] =	wrdreg $0x60  }
0xae: {  	[dreg:$0x2] =	wrdreg s24  }
0xaf: {  	[dreg:$0x3] =	wrdreg $0xA8000  }
0xb0: {  	[dreg:$0x4] =	wrdreg $0x9  }
0xb1: {  	_ =	task.clear_ibuf [dreg:s6], $0x5FFFF;
	_ =	strace $0x9000004F  }
0xb2: {  	s29 =	simm.s32 $0x9;
	_ =	strace $0x80000051  }
0xb3: {  	_ =	swait.ge [sflag:s29], $0x1  }
0xb4: {  	[sflag:s29] =	ssyncadd.s32 $0xFFFFFFFF  }
0xb5: {  	_ =	strace $0x90000051  }
0xb6: {  	_ =	sfence  }
0xb7: {  	s30 =	sld [smem:$0x0];
	_ =	sdelay $0x2  }
0xb8: {  	s31 =	sshll.u32 s1, $0xD;
	s1 =	sshrl.u32 s1, $0x2  }
0xb9: {  	s3 =	sand.u32 $0x4000, s31;
	s1 =	sadd.s32 s1, s30  }
0xba: {  	s0 =	sor.u32 s3, s0;
	s1 =	sshll.u32 s1, $0x11  }
0xbb: {  	s0 =	sor.u32 s1, s0  }
0xbc: {  	s0 =	sadd.s32 $0x8F2B, s0  }
0xbd: {  	[sflag:s0] =	ssyncadd.remote.s32 $0x1  }
0xbe: {  	_ =	sfence.sel $0xFFFF  }
0xbf: {  	[dreg:$0x0] =	wrdreg $0xFFFFFFFF;
	(pc) =	sbr.abs _section_cstart, $3  }
0xc0: {  	[dreg:$0x1] =	wrdreg $0xFFFFFFFF  }
0xc1: {  	_ =	task.clear_ibuf [dreg:s6], $0x2FFFF;
	_ =	strace $0x9FFFFFFF  }
0xc2: {  	(tm) =	ssettm $0x7FFFFFFF  }
0xc3: {  	_ =	shalt  }
tec
execute0_lowered:
.L_overlay_start_1:
0x0: {  	(tag) =	ssettag $0x1  }
0x1: {  	s5 =	rddreg [dreg:$0x0]  }
0x2: {  	s1 =	rddreg [dreg:$0x1]  }
0x3: {  	s0 =	rddreg [dreg:$0x2];
	s3 =	simm.s32 $0x0;
	s4 =	srdreg.scid  }
0x4: {  	s2 =	stileid.u32;
	s14 =	simm.s32 $0x50;
	s15 =	simm.s32 $0x8000  }
0x5: {  	s16 =	simm.s32 $0x2;
	s17 =	simm.s32 $0x0;
	[smem:$0x7FF] =	sst s3  }
0x6: {  	s6 =	sand.u32 $0x1, s4;
	s7 =	sshll.u32 s2, $0xB;
	s8 =	smul.u32 $0x14000, s2  }
0x7: {  	s29 =	smul.u32 $0x50000, s2;
	s31 =	sshll.u32 s2, $0x6;
	s4 =	sshll.u32 s6, $0xF  }
0x8: {  	_ =	strace $0x80000050;
	s9 =	smul.u32 $0x140000, s6;
	s6 =	ssub.s32 $0x2, s6  }
0x9: {  	s7 =	sor.u32 s7, s4;
	s4 =	sadd.s32 $0x3E200, s5;
	s28 =	sshrl.u32 s8, $0x3  }
0xa: {  	s11 =	sshrl.u32 s6, $0x1;
	s30 =	sshrl.u32 s29, $0x2;
	s10 =	sadd.s32 s7, s5  }
0xb: {  	s8 =	sadd.s32 s8, s9;
	s7 =	sadd.s32 s28, s5;
	s11 =	ssub.s32 s6, s11  }
0xc: {  	s13 =	sadd.s32 s30, s1;
	s6 =	sor.u32 $0x1C01, s31;
	s8 =	sshrl.u32 s8, $0x3  }
0xd: {  	s12 =	sadd.s32 s8, s5;
	s5 =	sadd.s32 $0x16200, s7;
	s7 =	sadd.s32 $0x8E800, s10  }
0xe: {  	s8 =	sadd.s32 $0x6200, s10;
	s10 =	smax.u32 s11, $0x1;
	s11 =	sshrl.u32 s13, $0x3  }
0xf: {  	s13 =	simm.s32 $0x4000;
	s9 =	sadd.s32 $0xC5A00, s12;
	s12 =	simm.s32 $0x1  }
.LBB2_1:
0x10: {  	[spmem:s11], [sflag:s6] =	dma.local [hbm:s5], $0x2800  }
0x11: {  	_ =	swait.ge [sflag:s12], $0x2800  }
0x12: {  	[sflag:s12] =	ssyncset.done $0x0  }
0x13: {  	[sflag:s12] =	ssyncadd.s32 $0xFFFFD800  }
0x14: {  	[tilespmem:s3], [sflag:$0x1] =	stream.linear.gather [hbm4b:s7+s3], $0x3E80, $0x38;
	[tilespmem:$0x1E800] =	vst v63  }
0x15: {  	_ =	swait.ge [sflag:s12], $0x3E80  }
0x16: {  	[sflag:s12] =	ssyncset.done $0x0  }
0x17: {  	[sflag:s12] =	ssyncadd.s32 $0xFFFFC180  }
0x18: {  	[tilespmem:s13], [sflag:$0x1] =	stream.linear.gather [hbm4b:s8+s3], $0x3E80, $0x38;
	[tilespmem:$0x1E800] =	vst v63  }
0x19: {  	_ =	swait.ge [sflag:s12], $0x3E80  }
0x1a: {  	[sflag:s12] =	ssyncset.done $0x0  }
0x1b: {  	[sflag:s12] =	ssyncadd.s32 $0xFFFFC180  }
0x1c: {  	s18 =	simm.s32 $0x0;
	[bflag:$0x0] =	sbarrier.arrive $0xFFFF  }
0x1d: {  	[tilespmem:s15], [sflag:$0x1] =	stream.indirect.gather [hbm4b:s4+s14], $0x80, s18, s14, $0xb8;
	[tilespmem:$0x1E800] =	vst v63  }
0x1e: {  	_ =	swait.ge [sflag:s12], $0x2800  }
0x1f: {  	[sflag:s12] =	ssyncset.done $0x0  }
0x20: {  	s31 =	simm.s32 $0x4000;
	[sflag:s12] =	ssyncadd.s32 $0xFFFFD800  }
0x21: {  	[spmem:s1] =	stream.indirect.scatter.add.f32 [tilespmem:s15], [sflag:$0x2], $0x80, s31, s14, $0xb8;
	[tilespmem:$0x1E800] =	vst v63  }
0x22: {  	_ =	swait.ge [sflag:s16], $0x2800  }
0x23: {  	s19 =	simm.s32 $0x400;
	s18 =	simm.s32 $0x200;
	[sflag:s16] =	ssyncset.done $0x0  }
.LBB2_2:
0x24: {  	s20 =	sshra.s32 s18, $0x2  }
0x25: {  	[sflag:s16] =	ssyncadd.s32 $0xFFFFD800;
	s18 =	smov.u32 s19;
	s21 =	sadd.s32 $0x200, s19  }
0x26: {  	[tilespmem:s15], [sflag:$0x1] =	stream.indirect.gather [hbm4b:s4+s14], $0x80, s20, s14, $0xb8;
	[tilespmem:$0x1E800] =	vst v63  }
0x27: {  	p0 =	sne.s32 s19, $0xF800;
	_ =	swait.ge [sflag:s12], $0x2800  }
.Ltmp0:
0x28: {  	[sflag:s12] =	ssyncset.done $0x0;
	(pc) =	sbr.rel @p0 .LBB2_2-.Ltmp0, $4  }
0x29: {  	s19 =	sadd.s32 $0x4000, s20;
	[sflag:s12] =	ssyncadd.s32 $0xFFFFD800  }
0x2a: {  	[spmem:s1] =	stream.indirect.scatter.add.f32 [tilespmem:s15], [sflag:$0x2], $0x80, s19, s14, $0xb8;
	[tilespmem:$0x1E800] =	vst v63  }
0x2b: {  	_ =	swait.ge [sflag:s16], $0x2800  }
0x2c: {  	s19 =	smov.u32 s21;
	[sflag:s16] =	ssyncset.done $0x0  }
0x2d: {  	s18 =	sshra.s32 s18, $0x2;
	[sflag:s16] =	ssyncadd.s32 $0xFFFFD800  }
0x2e: {  	[tilespmem:s15], [sflag:$0x1] =	stream.indirect.gather [hbm4b:s4+s14], $0x80, s18, s14, $0xb8;
	[tilespmem:$0x1E800] =	vst v63  }
0x2f: {  	_ =	swait.ge [sflag:s12], $0x2800  }
0x30: {  	[sflag:s12] =	ssyncset.done $0x0  }
0x31: {  	s18 =	sadd.s32 $0x4000, s18;
	[sflag:s12] =	ssyncadd.s32 $0xFFFFD800  }
0x32: {  	[spmem:s1] =	stream.indirect.scatter.add.f32 [tilespmem:s15], [sflag:$0x2], $0x80, s18, s14, $0xb8;
	[tilespmem:$0x1E800] =	vst v63  }
0x33: {  	_ =	swait.ge [sflag:s16], $0x2800  }
0x34: {  	s17 =	sadd.s32 $0x1, s17;
	[sflag:s16] =	ssyncset.done $0x0  }
0x35: {  	p0 =	sne.s32 s17, s10;
	[sflag:s16] =	ssyncadd.s32 $0xFFFFD800  }
.Ltmp1:
0x36: {  	[bflag:$0x0] =	sbarrier.arrive $0xFFFF;
	(pc) =	sbr.rel @p0 .LBB2_1-.Ltmp1, $4  }
0x37: {  	[hbm:s9], [sflag:s6] =	dma.local [spmem:s11], $0x2800  }
0x38: {  	_ =	swait.ge [sflag:s12], $0x2800  }
0x39: {  	[sflag:s12] =	ssyncset.done $0x0  }
0x3a: {  	[sflag:s12] =	ssyncadd.s32 $0xFFFFD800  }
0x3b: {  	_ =	sfence.sel $0x180000  }
0x3c: {  	[bflag:$0x0] =	sbarrier.arrive $0xFFFF  }
0x3d: {  	p0 =	sne.s32 s2, $0x0;
	_ =	strace $0x90000050  }
0x3e: {  	s0 =	sadd.s32 @!p0 $0x100000, s0;
	[bflag:$0x2] =	sbarrier.arrive $0xFFFF  }
0x3f: {  	[sflag:s0] =	ssyncadd.tile.s32 @!p0 $0x1;
	_ =	shalt  }
.Lfunc_end2:
_tile_overlayer_lowered:
.L_overlay_start_2:
0x40: {  	(tag) =	ssettag $0x2  }
0x41: {  	s0 =	rddreg [dreg:$0x0];
	s2 =	stileid.u32  }
0x42: {  	s1 =	rddreg [dreg:$0x1];
	p0 =	sne.s32 s2, $0x0  }
0x43: {  	s3 =	rddreg [dreg:$0x2];
	[bflag:$0x3] =	sbarrier.arrive $0xFFFF;
	s2 =	simm.s32 @!p0 $0x1C02  }
0x44: {  	[timem:s3], [sflag:s2] =	dma.local @!p0 [hbm:s0], s1  }
0x45: {  	s0 =	simm.s32 @!p0 $0x2  }
0x46: {  	_ =	swait.ge @!p0 [sflag:s0], s1  }
0x47: {  	s1 =	ssub.s32 @!p0 $0x0, s1;
	[sflag:s0] =	ssyncset.done @!p0 $0x0  }
0x48: {  	[sflag:s0] =	ssyncadd.s32 @!p0 s1  }
0x49: {  	[bflag:$0x3] =	sbarrier.arrive $0xFFFF  }
0x4a: {  	_ =	shalt  }

// kernel: kernel.27.cloned.1.call-start
scs
__scs_entry_jumppad:
0x0: {  	(pc) =	sbr.rel $0x88, $3  }
0x1: {  	(tag) =	ssettag $0x0;
	lr =	simm.s32 $0x1  }
0x2: {  	[smem:$0x3F8E] =	sst lr;
	_ =	strace $0xD0000000  }
0x3: {  	_ = 	snop  }
0x4: {  	_ = 	snop  }
0x5: {  	_ = 	snop  }
0x6: {  	_ = 	snop  }
0x7: {  	_ = 	snop  }
__scs_overlays_trampoline_lowered:
0x8: {  	[smem:$0x3F9D] =	sst s0  }
0x9: {  	[smem:$0x3F9E] =	sst s1  }
0xa: {  	[smem:$0x3F9F] =	sst s2  }
0xb: {  	[smem:$0x3FA0] =	sst s3  }
0xc: {  	[smem:$0x3FA1] =	sst s4  }
0xd: {  	[smem:$0x3FA2] =	sst s5  }
0xe: {  	[smem:$0x3FA3] =	sst s6  }
0xf: {  	[smem:$0x3FA4] =	sst s7  }
0x10: {  	[smem:$0x3FA5] =	sst s8  }
0x11: {  	[smem:$0x3FA6] =	sst s9;
	s0 =	simm.s32 @!p0 $0x0  }
0x12: {  	s1 =	sld [smem:$0x3F8C];
	s0 =	simm.s32 @p0 $0x1  }
0x13: {  	[smem:$0x3FA7] =	sst s0;
	s0 =	simm.s32 @!p1 $0x0  }
0x14: {  	s2 =	sld [smem:$0x3F8B];
	s0 =	simm.s32 @p1 $0x1  }
0x15: {  	[smem:$0x3FA8] =	sst s0;
	s0 =	simm.s32 @!p2 $0x0  }
0x16: {  	s3 =	sld [smem:$0x3FDB];
	s0 =	simm.s32 @p2 $0x1  }
0x17: {  	s4 =	simm.s32 $0x1BF5;
	[smem:$0x3FAA] =	sst s0  }
0x18: {  	s0 =	sld [smem:$0x3F8D];
	_ =	swait.ge [sflag:s4], $0x0  }
0x19: {  	s7 =	sld [smem:$0x3F8E]  }
0x1a: {  	s8 =	sadd.s32 $0xFFFFE003, lr  }
0x1b: {  	s9 =	sadd.s32 $0xFFFFFEF7, lr;
	s5 =	simm.s32 $0xFFFFFFFF;
	p2 =	slt.u32 s8, $0xFFFFF086  }
0x1c: {  	p1 =	slt.u32 s9, $0xF7A;
	s5 =	simm.s32 @!p2 $0x0  }
0x1d: {  	s5 =	simm.s32 @p1 $0x1;
	p0 =	seq.s32 s7, s2  }
0x1e: {  	s7 =	smul.u32 @!p0 $0xF7A, s2;
	p2 =	seq.s32 @!p0 s5, $0x0  }
0x1f: {  	s9 =	smul.u32 $0xF7A, s1;
	s8 =	simm.s32 @!p0 $0x1BF5;
	p2 =	por !p2, p0  }
0x20: {  	[sflag:s8] =	ssyncset.s32 @!p0 $0xFFFFF086;
	s6 =	sadd.s32 @!p0 s3, s7;
	s7 =	simm.s32 @!p0 $0x108  }
0x21: {  	s3 =	sadd.s32 s3, s9;
	s6 =	sadd.s32 @!p0 $0x88, s6;
	s7 =	simm.s32 @p2 $0x1082  }
0x22: {  	[simem:s7], [sflag:s8] =	dma.local @!p0 [hbm:s6], $0xF7A  }
0x23: {  	s9 =	sor.u32 $0xD0000000, s2;
	s6 =	simm.s32 $0x108;
	_ =	swait.ge @!p0 [sflag:s8], $0x0  }
0x24: {  	s3 =	sadd.s32 $0x88, s3;
	s6 =	simm.s32 @!p1 $0x1082;
	[sflag:s4] =	ssyncset.s32 $0xFFFFF086  }
0x25: {  	[simem:s6], [sflag:s4] =	dma.local [hbm:s3], $0xF7A  }
0x26: {  	[smem:$0x3F8E] =	sst s1;
	(tag) =	ssettag s2;
	_ =	strace s9  }
0x27: {  	s1 =	sld [smem:$0x3F9E]  }
0x28: {  	s2 =	sld [smem:$0x3F9F]  }
0x29: {  	s4 =	sld [smem:$0x3FA1]  }
0x2a: {  	p0 =	seq.s32 s5, $0x0;
	s5 =	sld [smem:$0x3FA2]  }
0x2b: {  	s6 =	sld [smem:$0x3FA3]  }
0x2c: {  	s7 =	sld [smem:$0x3FA4]  }
0x2d: {  	s3 =	simm.s32 $0x108;
	s8 =	sld [smem:$0x3FA5]  }
0x2e: {  	s3 =	simm.s32 @!p0 $0x1082;
	s9 =	sld [smem:$0x3FA6]  }
0x2f: {  	lr =	sadd.s32 s0, s3;
	s0 =	sld [smem:$0x3F9D]  }
0x30: {  	s3 =	sld [smem:$0x3FA0]  }
0x31: {  	[smem:$0x3FA9] =	sst s10  }
0x32: {  	s10 =	sld [smem:$0x3FA7];
	_ =	sdelay $0x3  }
0x33: {  	p0 =	seq.s32 s10, $0x1;
	s10 =	sld [smem:$0x3FA9];
	_ =	sdelay $0x3  }
0x34: {  	[smem:$0x3FA9] =	sst s10  }
0x35: {  	s10 =	sld [smem:$0x3FA8];
	_ =	sdelay $0x3  }
0x36: {  	p1 =	seq.s32 s10, $0x1;
	s10 =	sld [smem:$0x3FA9];
	_ =	sdelay $0x3  }
0x37: {  	[smem:$0x3FA9] =	sst s10  }
0x38: {  	s10 =	sld [smem:$0x3FAA]  }
0x39: {  	_ = 	snop;
	(pc) =	sbr.ind lr, $3  }
0x3a: {  	_ = 	snop  }
0x3b: {  	_ = 	snop  }
0x3c: {  	p2 =	seq.s32 s10, $0x1;
	s10 =	sld [smem:$0x3FA9]  }
0x3d: {  	_ =	shalt  }
0x3e: {  	_ =	shalt  }
0x3f: {  	_ =	shalt  }
0x40: {  	_ =	shalt  }
0x41: {  	_ =	shalt  }
0x42: {  	_ =	shalt  }
0x43: {  	_ =	shalt  }
0x44: {  	_ =	shalt  }
0x45: {  	_ =	shalt  }
0x46: {  	_ =	shalt  }
0x47: {  	_ =	shalt  }
0x48: {  	_ =	shalt  }
0x49: {  	_ =	shalt  }
0x4a: {  	_ =	shalt  }
0x4b: {  	_ =	shalt  }
0x4c: {  	_ =	shalt  }
0x4d: {  	_ =	shalt  }
0x4e: {  	_ =	shalt  }
0x4f: {  	_ =	shalt  }
0x50: {  	_ =	shalt  }
0x51: {  	_ =	shalt  }
0x52: {  	_ =	shalt  }
0x53: {  	_ =	shalt  }
0x54: {  	_ =	shalt  }
0x55: {  	_ =	shalt  }
0x56: {  	_ =	shalt  }
0x57: {  	_ =	shalt  }
0x58: {  	_ =	shalt  }
0x59: {  	_ =	shalt  }
0x5a: {  	_ =	shalt  }
0x5b: {  	_ =	shalt  }
0x5c: {  	_ =	shalt  }
0x5d: {  	_ =	shalt  }
0x5e: {  	_ =	shalt  }
0x5f: {  	_ =	shalt  }
0x60: {  	_ =	shalt  }
0x61: {  	_ =	shalt  }
0x62: {  	_ =	shalt  }
0x63: {  	_ =	shalt  }
0x64: {  	_ =	shalt  }
0x65: {  	_ =	shalt  }
0x66: {  	_ =	shalt  }
0x67: {  	_ =	shalt  }
0x68: {  	_ =	shalt  }
0x69: {  	_ =	shalt  }
0x6a: {  	_ =	shalt  }
0x6b: {  	_ =	shalt  }
0x6c: {  	_ =	shalt  }
0x6d: {  	_ =	shalt  }
0x6e: {  	_ =	shalt  }
0x6f: {  	_ =	shalt  }
0x70: {  	_ =	shalt  }
0x71: {  	_ =	shalt  }
0x72: {  	_ =	shalt  }
0x73: {  	_ =	shalt  }
0x74: {  	_ =	shalt  }
0x75: {  	_ =	shalt  }
0x76: {  	_ =	shalt  }
0x77: {  	_ =	shalt  }
0x78: {  	_ =	shalt  }
0x79: {  	_ =	shalt  }
0x7a: {  	_ =	shalt  }
0x7b: {  	_ =	shalt  }
0x7c: {  	_ =	shalt  }
0x7d: {  	_ =	shalt  }
0x7e: {  	_ =	shalt  }
0x7f: {  	_ =	shalt  }
0x80: {  	_ =	shalt  }
0x81: {  	_ =	shalt  }
0x82: {  	_ =	shalt  }
0x83: {  	_ =	shalt  }
0x84: {  	_ =	shalt  }
0x85: {  	_ =	shalt  }
0x86: {  	_ =	shalt  }
0x87: {  	_ =	shalt  }
.Lfunc_end0:
.L_simem_size_0:
called_computation.4_lowered:
.L_overlay_start_0:
0x88: {  	s2 =	sld [smem:$0x3FD9]  }
0x89: {  	s3 =	sld [smem:$0x3FFE];
	_ =	sdelay $0x1  }
0x8a: {  	s1 =	srdreg.scid  }
0x8b: {  	s0 =	sand.u32 $0x1, s1  }
0x8c: {  	s16 =	sshll.u32 s0, $0xA;
	s2 =	sadd.s32 s3, s2  }
0x8d: {  	s2 =	sadd.s32 s2, s16  }
0x8e: {  	[smem:$0x3FB5] =	sst s2  }
0x8f: {  	_ = 	snop  }
0x90: {  	(tm) =	ssettm $0x1  }
0x91: {  	s17 =	sld [smem:$0x3FFB];
	_ =	sdelay $0x3  }
0x92: {  	_ =	strace s17  }
0x93: {  	s2 =	sld [smem:$0x3FFC];
	_ =	sdelay $0x3  }
0x94: {  	_ =	strace s2  }
0x95: {  	s2 =	sld [smem:$0x3FFD];
	_ =	sdelay $0x3  }
0x96: {  	_ =	strace s2  }
0x97: {  	_ =	strace $0x8FFFFFFF  }
0x98: {  	s18 =	sld [smem:$0x3FDB];
	_ =	sdelay $0x1  }
0x99: {  	s19 =	simm.s32 $_scs_section_size  }
0x9a: {  	s4 =	simm.s32 $_size__tile_overlayer_lowered;
	s5 =	simm.s32 $_tile_overlayer_lowered  }
0x9b: {  	s22 =	simm.s32 $0x1BFF;
	s21 =	sshll.u32 s5, $0x1;
	s2 =	sadd.s32 s19, s18  }
0x9c: {  	s6 =	simm.s32 $0x0;
	s20 =	sshll.u32 s4, $0x1;
	s4 =	sadd.s32 s21, s2  }
0x9d: {  	[timem:s6], [sflag:s22] =	dma.local [hbm:s4], s20  }
0x9e: {  	_ =	swait.ge [sflag:s22], s20  }
0x9f: {  	s3 =	ssub.s32 $0x0, s20;
	[sflag:s22] =	ssyncset.done $0x0  }
0xa0: {  	[sflag:s22] =	ssyncadd.s32 s3;
	_ =	sdelay $0x1  }
0xa1: {  	s23 =	simm.s32 $0x1B8B  }
0xa2: {  	_ =	swait.ge [sflag:s23], $0x1  }
0xa3: {  	[sflag:s23] =	ssyncset.done $0x0  }
0xa4: {  	s25 =	simm.s32 $0x1B8E;
	s24 =	sld [smem:$0x3FFE];
	[sflag:s23] =	ssyncadd.s32 $0xFFFFFFFF  }
0xa5: {  	s26 =	simm.s32 $execute0_lowered;
	[smem:$0x3FD2] =	sst s25  }
0xa6: {  	s4 =	sshll.u32 s26, $0x1;
	_ =	strace $0x80000052;
	[dreg:$0x1] =	wrdreg $0xFFFFFFFF  }
0xa7: {  	s28 =	simm.s32 $_size_execute0_lowered;
	s2 =	sadd.s32 s2, s4;
	[dreg:$0x0] =	wrdreg $0x0  }
0xa8: {  	s4 =	sshll.u32 s28, $0x1;
	[dreg:$0x2] =	wrdreg s2  }
0xa9: {  	[dreg:$0x3] =	wrdreg s4  }
0xaa: {  	[dreg:$0x4] =	wrdreg $0xC0  }
0xab: {  	_ =	task [dreg:s6], $0x5FFFF  }
0xac: {  	[dreg:$0x1] =	wrdreg $0xFFFFFFFF  }
0xad: {  	[dreg:$0x0] =	wrdreg $0x60  }
0xae: {  	[dreg:$0x2] =	wrdreg s24  }
0xaf: {  	[dreg:$0x3] =	wrdreg $0xA8000  }
0xb0: {  	[dreg:$0x4] =	wrdreg $0x9  }
0xb1: {  	_ =	task.clear_ibuf [dreg:s6], $0x5FFFF;
	_ =	strace $0x90000052  }
0xb2: {  	s29 =	simm.s32 $0x9;
	_ =	strace $0x80000054  }
0xb3: {  	_ =	swait.ge [sflag:s29], $0x1  }
0xb4: {  	[sflag:s29] =	ssyncadd.s32 $0xFFFFFFFF  }
0xb5: {  	_ =	strace $0x90000054  }
0xb6: {  	_ =	sfence  }
0xb7: {  	s30 =	sld [smem:$0x0];
	_ =	sdelay $0x2  }
0xb8: {  	s31 =	sshll.u32 s1, $0xD;
	s1 =	sshrl.u32 s1, $0x2  }
0xb9: {  	s3 =	sand.u32 $0x4000, s31;
	s1 =	sadd.s32 s1, s30  }
0xba: {  	s0 =	sor.u32 s3, s0;
	s1 =	sshll.u32 s1, $0x11  }
0xbb: {  	s0 =	sor.u32 s1, s0  }
0xbc: {  	s0 =	sadd.s32 $0x8F2B, s0  }
0xbd: {  	[sflag:s0] =	ssyncadd.remote.s32 $0x1  }
0xbe: {  	_ =	sfence.sel $0xFFFF  }
0xbf: {  	[dreg:$0x0] =	wrdreg $0xFFFFFFFF;
	(pc) =	sbr.abs _section_cstart, $3  }
0xc0: {  	[dreg:$0x1] =	wrdreg $0xFFFFFFFF  }
0xc1: {  	_ =	task.clear_ibuf [dreg:s6], $0x2FFFF;
	_ =	strace $0x9FFFFFFF  }
0xc2: {  	(tm) =	ssettm $0x7FFFFFFF  }
0xc3: {  	_ =	shalt  }
tec
execute0_lowered:
.L_overlay_start_1:
0x0: {  	(tag) =	ssettag $0x1  }
0x1: {  	s5 =	rddreg [dreg:$0x0]  }
0x2: {  	s1 =	rddreg [dreg:$0x1]  }
0x3: {  	s0 =	rddreg [dreg:$0x2];
	s3 =	simm.s32 $0x0;
	s4 =	srdreg.scid  }
0x4: {  	s2 =	stileid.u32;
	s14 =	simm.s32 $0x50;
	s15 =	simm.s32 $0x8000  }
0x5: {  	s16 =	simm.s32 $0x2;
	s17 =	simm.s32 $0x0;
	[smem:$0x7FF] =	sst s3  }
0x6: {  	s6 =	sand.u32 $0x1, s4;
	s7 =	sshll.u32 s2, $0xB;
	s8 =	smul.u32 $0x14000, s2  }
0x7: {  	s29 =	smul.u32 $0x50000, s2;
	s31 =	sshll.u32 s2, $0x6;
	s4 =	sshll.u32 s6, $0xF  }
0x8: {  	_ =	strace $0x80000053;
	s9 =	smul.u32 $0x140000, s6;
	s6 =	ssub.s32 $0x2, s6  }
0x9: {  	s7 =	sor.u32 s7, s4;
	s4 =	sadd.s32 $0x3E200, s5;
	s28 =	sshrl.u32 s8, $0x3  }
0xa: {  	s11 =	sshrl.u32 s6, $0x1;
	s30 =	sshrl.u32 s29, $0x2;
	s10 =	sadd.s32 s7, s5  }
0xb: {  	s8 =	sadd.s32 s8, s9;
	s7 =	sadd.s32 s28, s5;
	s11 =	ssub.s32 s6, s11  }
0xc: {  	s13 =	sadd.s32 s30, s1;
	s6 =	sor.u32 $0x1C01, s31;
	s8 =	sshrl.u32 s8, $0x3  }
0xd: {  	s12 =	sadd.s32 s8, s5;
	s5 =	sadd.s32 $0x16200, s7;
	s7 =	sadd.s32 $0x8E800, s10  }
0xe: {  	s8 =	sadd.s32 $0x6200, s10;
	s10 =	smax.u32 s11, $0x1;
	s11 =	sshrl.u32 s13, $0x3  }
0xf: {  	s13 =	simm.s32 $0x4000;
	s9 =	sadd.s32 $0xC5A00, s12;
	s12 =	simm.s32 $0x1  }
.LBB2_1:
0x10: {  	[spmem:s11], [sflag:s6] =	dma.local [hbm:s5], $0x2800  }
0x11: {  	_ =	swait.ge [sflag:s12], $0x2800  }
0x12: {  	[sflag:s12] =	ssyncset.done $0x0  }
0x13: {  	[sflag:s12] =	ssyncadd.s32 $0xFFFFD800  }
0x14: {  	[tilespmem:s3], [sflag:$0x1] =	stream.linear.gather [hbm4b:s7+s3], $0x3E80, $0x38;
	[tilespmem:$0x1E800] =	vst v63  }
0x15: {  	_ =	swait.ge [sflag:s12], $0x3E80  }
0x16: {  	[sflag:s12] =	ssyncset.done $0x0  }
0x17: {  	[sflag:s12] =	ssyncadd.s32 $0xFFFFC180  }
0x18: {  	[tilespmem:s13], [sflag:$0x1] =	stream.linear.gather [hbm4b:s8+s3], $0x3E80, $0x38;
	[tilespmem:$0x1E800] =	vst v63  }
0x19: {  	_ =	swait.ge [sflag:s12], $0x3E80  }
0x1a: {  	[sflag:s12] =	ssyncset.done $0x0  }
0x1b: {  	[sflag:s12] =	ssyncadd.s32 $0xFFFFC180  }
0x1c: {  	s18 =	simm.s32 $0x0;
	[bflag:$0x0] =	sbarrier.arrive $0xFFFF  }
0x1d: {  	[tilespmem:s15], [sflag:$0x1] =	stream.indirect.gather [hbm4b:s4+s14], $0x80, s18, s14, $0xb8;
	[tilespmem:$0x1E800] =	vst v63  }
0x1e: {  	_ =	swait.ge [sflag:s12], $0x2800  }
0x1f: {  	[sflag:s12] =	ssyncset.done $0x0  }
0x20: {  	s31 =	simm.s32 $0x4000;
	[sflag:s12] =	ssyncadd.s32 $0xFFFFD800  }
0x21: {  	[spmem:s1] =	stream.indirect.scatter.add.f32 [tilespmem:s15], [sflag:$0x2], $0x80, s31, s14, $0xb8;
	[tilespmem:$0x1E800] =	vst v63  }
0x22: {  	_ =	swait.ge [sflag:s16], $0x2800  }
0x23: {  	s19 =	simm.s32 $0x400;
	s18 =	simm.s32 $0x200;
	[sflag:s16] =	ssyncset.done $0x0  }
.LBB2_2:
0x24: {  	s20 =	sshra.s32 s18, $0x2  }
0x25: {  	[sflag:s16] =	ssyncadd.s32 $0xFFFFD800;
	s18 =	smov.u32 s19;
	s21 =	sadd.s32 $0x200, s19  }
0x26: {  	[tilespmem:s15], [sflag:$0x1] =	stream.indirect.gather [hbm4b:s4+s14], $0x80, s20, s14, $0xb8;
	[tilespmem:$0x1E800] =	vst v63  }
0x27: {  	p0 =	sne.s32 s19, $0xF800;
	_ =	swait.ge [sflag:s12], $0x2800  }
.Ltmp0:
0x28: {  	[sflag:s12] =	ssyncset.done $0x0;
	(pc) =	sbr.rel @p0 .LBB2_2-.Ltmp0, $4  }
0x29: {  	s19 =	sadd.s32 $0x4000, s20;
	[sflag:s12] =	ssyncadd.s32 $0xFFFFD800  }
0x2a: {  	[spmem:s1] =	stream.indirect.scatter.add.f32 [tilespmem:s15], [sflag:$0x2], $0x80, s19, s14, $0xb8;
	[tilespmem:$0x1E800] =	vst v63  }
0x2b: {  	_ =	swait.ge [sflag:s16], $0x2800  }
0x2c: {  	s19 =	smov.u32 s21;
	[sflag:s16] =	ssyncset.done $0x0  }
0x2d: {  	s18 =	sshra.s32 s18, $0x2;
	[sflag:s16] =	ssyncadd.s32 $0xFFFFD800  }
0x2e: {  	[tilespmem:s15], [sflag:$0x1] =	stream.indirect.gather [hbm4b:s4+s14], $0x80, s18, s14, $0xb8;
	[tilespmem:$0x1E800] =	vst v63  }
0x2f: {  	_ =	swait.ge [sflag:s12], $0x2800  }
0x30: {  	[sflag:s12] =	ssyncset.done $0x0  }
0x31: {  	s18 =	sadd.s32 $0x4000, s18;
	[sflag:s12] =	ssyncadd.s32 $0xFFFFD800  }
0x32: {  	[spmem:s1] =	stream.indirect.scatter.add.f32 [tilespmem:s15], [sflag:$0x2], $0x80, s18, s14, $0xb8;
	[tilespmem:$0x1E800] =	vst v63  }
0x33: {  	_ =	swait.ge [sflag:s16], $0x2800  }
0x34: {  	s17 =	sadd.s32 $0x1, s17;
	[sflag:s16] =	ssyncset.done $0x0  }
0x35: {  	p0 =	sne.s32 s17, s10;
	[sflag:s16] =	ssyncadd.s32 $0xFFFFD800  }
.Ltmp1:
0x36: {  	[bflag:$0x0] =	sbarrier.arrive $0xFFFF;
	(pc) =	sbr.rel @p0 .LBB2_1-.Ltmp1, $4  }
0x37: {  	[hbm:s9], [sflag:s6] =	dma.local [spmem:s11], $0x2800  }
0x38: {  	_ =	swait.ge [sflag:s12], $0x2800  }
0x39: {  	[sflag:s12] =	ssyncset.done $0x0  }
0x3a: {  	[sflag:s12] =	ssyncadd.s32 $0xFFFFD800  }
0x3b: {  	_ =	sfence.sel $0x180000  }
0x3c: {  	[bflag:$0x0] =	sbarrier.arrive $0xFFFF  }
0x3d: {  	p0 =	sne.s32 s2, $0x0;
	_ =	strace $0x90000053  }
0x3e: {  	s0 =	sadd.s32 @!p0 $0x100000, s0;
	[bflag:$0x2] =	sbarrier.arrive $0xFFFF  }
0x3f: {  	[sflag:s0] =	ssyncadd.tile.s32 @!p0 $0x1;
	_ =	shalt  }
.Lfunc_end2:
_tile_overlayer_lowered:
.L_overlay_start_2:
0x40: {  	(tag) =	ssettag $0x2  }
0x41: {  	s0 =	rddreg [dreg:$0x0];
	s2 =	stileid.u32  }
0x42: {  	s1 =	rddreg [dreg:$0x1];
	p0 =	sne.s32 s2, $0x0  }
0x43: {  	s3 =	rddreg [dreg:$0x2];
	[bflag:$0x3] =	sbarrier.arrive $0xFFFF;
	s2 =	simm.s32 @!p0 $0x1C02  }
0x44: {  	[timem:s3], [sflag:s2] =	dma.local @!p0 [hbm:s0], s1  }
0x45: {  	s0 =	simm.s32 @!p0 $0x2  }
0x46: {  	_ =	swait.ge @!p0 [sflag:s0], s1  }
0x47: {  	s1 =	ssub.s32 @!p0 $0x0, s1;
	[sflag:s0] =	ssyncset.done @!p0 $0x0  }
0x48: {  	[sflag:s0] =	ssyncadd.s32 @!p0 s1  }
0x49: {  	[bflag:$0x3] =	sbarrier.arrive $0xFFFF  }
0x4a: {  	_ =	shalt  }

// kernel: kernel.30.cloned.1.call-start
scs
__scs_entry_jumppad:
0x0: {  	(pc) =	sbr.rel $0x88, $3  }
0x1: {  	(tag) =	ssettag $0x0;
	lr =	simm.s32 $0x1  }
0x2: {  	[smem:$0x3F8E] =	sst lr;
	_ =	strace $0xD0000000  }
0x3: {  	_ = 	snop  }
0x4: {  	_ = 	snop  }
0x5: {  	_ = 	snop  }
0x6: {  	_ = 	snop  }
0x7: {  	_ = 	snop  }
__scs_overlays_trampoline_lowered:
0x8: {  	[smem:$0x3F9D] =	sst s0  }
0x9: {  	[smem:$0x3F9E] =	sst s1  }
0xa: {  	[smem:$0x3F9F] =	sst s2  }
0xb: {  	[smem:$0x3FA0] =	sst s3  }
0xc: {  	[smem:$0x3FA1] =	sst s4  }
0xd: {  	[smem:$0x3FA2] =	sst s5  }
0xe: {  	[smem:$0x3FA3] =	sst s6  }
0xf: {  	[smem:$0x3FA4] =	sst s7  }
0x10: {  	[smem:$0x3FA5] =	sst s8  }
0x11: {  	[smem:$0x3FA6] =	sst s9;
	s0 =	simm.s32 @!p0 $0x0  }
0x12: {  	s1 =	sld [smem:$0x3F8C];
	s0 =	simm.s32 @p0 $0x1  }
0x13: {  	[smem:$0x3FA7] =	sst s0;
	s0 =	simm.s32 @!p1 $0x0  }
0x14: {  	s2 =	sld [smem:$0x3F8B];
	s0 =	simm.s32 @p1 $0x1  }
0x15: {  	[smem:$0x3FA8] =	sst s0;
	s0 =	simm.s32 @!p2 $0x0  }
0x16: {  	s3 =	sld [smem:$0x3FDB];
	s0 =	simm.s32 @p2 $0x1  }
0x17: {  	s4 =	simm.s32 $0x1BF5;
	[smem:$0x3FAA] =	sst s0  }
0x18: {  	s0 =	sld [smem:$0x3F8D];
	_ =	swait.ge [sflag:s4], $0x0  }
0x19: {  	s7 =	sld [smem:$0x3F8E]  }
0x1a: {  	s8 =	sadd.s32 $0xFFFFE003, lr  }
0x1b: {  	s9 =	sadd.s32 $0xFFFFFEF7, lr;
	s5 =	simm.s32 $0xFFFFFFFF;
	p2 =	slt.u32 s8, $0xFFFFF086  }
0x1c: {  	p1 =	slt.u32 s9, $0xF7A;
	s5 =	simm.s32 @!p2 $0x0  }
0x1d: {  	s5 =	simm.s32 @p1 $0x1;
	p0 =	seq.s32 s7, s2  }
0x1e: {  	s7 =	smul.u32 @!p0 $0xF7A, s2;
	p2 =	seq.s32 @!p0 s5, $0x0  }
0x1f: {  	s9 =	smul.u32 $0xF7A, s1;
	s8 =	simm.s32 @!p0 $0x1BF5;
	p2 =	por !p2, p0  }
0x20: {  	[sflag:s8] =	ssyncset.s32 @!p0 $0xFFFFF086;
	s6 =	sadd.s32 @!p0 s3, s7;
	s7 =	simm.s32 @!p0 $0x108  }
0x21: {  	s3 =	sadd.s32 s3, s9;
	s6 =	sadd.s32 @!p0 $0x88, s6;
	s7 =	simm.s32 @p2 $0x1082  }
0x22: {  	[simem:s7], [sflag:s8] =	dma.local @!p0 [hbm:s6], $0xF7A  }
0x23: {  	s9 =	sor.u32 $0xD0000000, s2;
	s6 =	simm.s32 $0x108;
	_ =	swait.ge @!p0 [sflag:s8], $0x0  }
0x24: {  	s3 =	sadd.s32 $0x88, s3;
	s6 =	simm.s32 @!p1 $0x1082;
	[sflag:s4] =	ssyncset.s32 $0xFFFFF086  }
0x25: {  	[simem:s6], [sflag:s4] =	dma.local [hbm:s3], $0xF7A  }
0x26: {  	[smem:$0x3F8E] =	sst s1;
	(tag) =	ssettag s2;
	_ =	strace s9  }
0x27: {  	s1 =	sld [smem:$0x3F9E]  }
0x28: {  	s2 =	sld [smem:$0x3F9F]  }
0x29: {  	s4 =	sld [smem:$0x3FA1]  }
0x2a: {  	p0 =	seq.s32 s5, $0x0;
	s5 =	sld [smem:$0x3FA2]  }
0x2b: {  	s6 =	sld [smem:$0x3FA3]  }
0x2c: {  	s7 =	sld [smem:$0x3FA4]  }
0x2d: {  	s3 =	simm.s32 $0x108;
	s8 =	sld [smem:$0x3FA5]  }
0x2e: {  	s3 =	simm.s32 @!p0 $0x1082;
	s9 =	sld [smem:$0x3FA6]  }
0x2f: {  	lr =	sadd.s32 s0, s3;
	s0 =	sld [smem:$0x3F9D]  }
0x30: {  	s3 =	sld [smem:$0x3FA0]  }
0x31: {  	[smem:$0x3FA9] =	sst s10  }
0x32: {  	s10 =	sld [smem:$0x3FA7];
	_ =	sdelay $0x3  }
0x33: {  	p0 =	seq.s32 s10, $0x1;
	s10 =	sld [smem:$0x3FA9];
	_ =	sdelay $0x3  }
0x34: {  	[smem:$0x3FA9] =	sst s10  }
0x35: {  	s10 =	sld [smem:$0x3FA8];
	_ =	sdelay $0x3  }
0x36: {  	p1 =	seq.s32 s10, $0x1;
	s10 =	sld [smem:$0x3FA9];
	_ =	sdelay $0x3  }
0x37: {  	[smem:$0x3FA9] =	sst s10  }
0x38: {  	s10 =	sld [smem:$0x3FAA]  }
0x39: {  	_ = 	snop;
	(pc) =	sbr.ind lr, $3  }
0x3a: {  	_ = 	snop  }
0x3b: {  	_ = 	snop  }
0x3c: {  	p2 =	seq.s32 s10, $0x1;
	s10 =	sld [smem:$0x3FA9]  }
0x3d: {  	_ =	shalt  }
0x3e: {  	_ =	shalt  }
0x3f: {  	_ =	shalt  }
0x40: {  	_ =	shalt  }
0x41: {  	_ =	shalt  }
0x42: {  	_ =	shalt  }
0x43: {  	_ =	shalt  }
0x44: {  	_ =	shalt  }
0x45: {  	_ =	shalt  }
0x46: {  	_ =	shalt  }
0x47: {  	_ =	shalt  }
0x48: {  	_ =	shalt  }
0x49: {  	_ =	shalt  }
0x4a: {  	_ =	shalt  }
0x4b: {  	_ =	shalt  }
0x4c: {  	_ =	shalt  }
0x4d: {  	_ =	shalt  }
0x4e: {  	_ =	shalt  }
0x4f: {  	_ =	shalt  }
0x50: {  	_ =	shalt  }
0x51: {  	_ =	shalt  }
0x52: {  	_ =	shalt  }
0x53: {  	_ =	shalt  }
0x54: {  	_ =	shalt  }
0x55: {  	_ =	shalt  }
0x56: {  	_ =	shalt  }
0x57: {  	_ =	shalt  }
0x58: {  	_ =	shalt  }
0x59: {  	_ =	shalt  }
0x5a: {  	_ =	shalt  }
0x5b: {  	_ =	shalt  }
0x5c: {  	_ =	shalt  }
0x5d: {  	_ =	shalt  }
0x5e: {  	_ =	shalt  }
0x5f: {  	_ =	shalt  }
0x60: {  	_ =	shalt  }
0x61: {  	_ =	shalt  }
0x62: {  	_ =	shalt  }
0x63: {  	_ =	shalt  }
0x64: {  	_ =	shalt  }
0x65: {  	_ =	shalt  }
0x66: {  	_ =	shalt  }
0x67: {  	_ =	shalt  }
0x68: {  	_ =	shalt  }
0x69: {  	_ =	shalt  }
0x6a: {  	_ =	shalt  }
0x6b: {  	_ =	shalt  }
0x6c: {  	_ =	shalt  }
0x6d: {  	_ =	shalt  }
0x6e: {  	_ =	shalt  }
0x6f: {  	_ =	shalt  }
0x70: {  	_ =	shalt  }
0x71: {  	_ =	shalt  }
0x72: {  	_ =	shalt  }
0x73: {  	_ =	shalt  }
0x74: {  	_ =	shalt  }
0x75: {  	_ =	shalt  }
0x76: {  	_ =	shalt  }
0x77: {  	_ =	shalt  }
0x78: {  	_ =	shalt  }
0x79: {  	_ =	shalt  }
0x7a: {  	_ =	shalt  }
0x7b: {  	_ =	shalt  }
0x7c: {  	_ =	shalt  }
0x7d: {  	_ =	shalt  }
0x7e: {  	_ =	shalt  }
0x7f: {  	_ =	shalt  }
0x80: {  	_ =	shalt  }
0x81: {  	_ =	shalt  }
0x82: {  	_ =	shalt  }
0x83: {  	_ =	shalt  }
0x84: {  	_ =	shalt  }
0x85: {  	_ =	shalt  }
0x86: {  	_ =	shalt  }
0x87: {  	_ =	shalt  }
.Lfunc_end0:
.L_simem_size_0:
called_computation.5_lowered:
.L_overlay_start_0:
0x88: {  	s2 =	sld [smem:$0x3FD9]  }
0x89: {  	s3 =	sld [smem:$0x3FFE];
	_ =	sdelay $0x1  }
0x8a: {  	s1 =	srdreg.scid  }
0x8b: {  	s0 =	sand.u32 $0x1, s1  }
0x8c: {  	s16 =	sshll.u32 s0, $0xA;
	s2 =	sadd.s32 s3, s2  }
0x8d: {  	s2 =	sadd.s32 s2, s16  }
0x8e: {  	[smem:$0x3FB5] =	sst s2  }
0x8f: {  	_ = 	snop  }
0x90: {  	(tm) =	ssettm $0x1  }
0x91: {  	s17 =	sld [smem:$0x3FFB];
	_ =	sdelay $0x3  }
0x92: {  	_ =	strace s17  }
0x93: {  	s2 =	sld [smem:$0x3FFC];
	_ =	sdelay $0x3  }
0x94: {  	_ =	strace s2  }
0x95: {  	s2 =	sld [smem:$0x3FFD];
	_ =	sdelay $0x3  }
0x96: {  	_ =	strace s2  }
0x97: {  	_ =	strace $0x8FFFFFFF  }
0x98: {  	s18 =	sld [smem:$0x3FDB];
	_ =	sdelay $0x1  }
0x99: {  	s19 =	simm.s32 $_scs_section_size  }
0x9a: {  	s4 =	simm.s32 $_size__tile_overlayer_lowered;
	s5 =	simm.s32 $_tile_overlayer_lowered  }
0x9b: {  	s22 =	simm.s32 $0x1BFF;
	s21 =	sshll.u32 s5, $0x1;
	s2 =	sadd.s32 s19, s18  }
0x9c: {  	s6 =	simm.s32 $0x0;
	s20 =	sshll.u32 s4, $0x1;
	s4 =	sadd.s32 s21, s2  }
0x9d: {  	[timem:s6], [sflag:s22] =	dma.local [hbm:s4], s20  }
0x9e: {  	_ =	swait.ge [sflag:s22], s20  }
0x9f: {  	s3 =	ssub.s32 $0x0, s20;
	[sflag:s22] =	ssyncset.done $0x0  }
0xa0: {  	[sflag:s22] =	ssyncadd.s32 s3;
	_ =	sdelay $0x1  }
0xa1: {  	s23 =	simm.s32 $0x1B8B  }
0xa2: {  	_ =	swait.ge [sflag:s23], $0x1  }
0xa3: {  	[sflag:s23] =	ssyncset.done $0x0  }
0xa4: {  	s25 =	simm.s32 $0x1B8E;
	s24 =	sld [smem:$0x3FFE];
	[sflag:s23] =	ssyncadd.s32 $0xFFFFFFFF  }
0xa5: {  	s26 =	simm.s32 $execute0_lowered;
	[smem:$0x3FD2] =	sst s25  }
0xa6: {  	s4 =	sshll.u32 s26, $0x1;
	_ =	strace $0x80000055;
	[dreg:$0x1] =	wrdreg $0xFFFFFFFF  }
0xa7: {  	s28 =	simm.s32 $_size_execute0_lowered;
	s2 =	sadd.s32 s2, s4;
	[dreg:$0x0] =	wrdreg $0x0  }
0xa8: {  	s4 =	sshll.u32 s28, $0x1;
	[dreg:$0x2] =	wrdreg s2  }
0xa9: {  	[dreg:$0x3] =	wrdreg s4  }
0xaa: {  	[dreg:$0x4] =	wrdreg $0xC0  }
0xab: {  	_ =	task [dreg:s6], $0x5FFFF  }
0xac: {  	[dreg:$0x1] =	wrdreg $0xFFFFFFFF  }
0xad: {  	[dreg:$0x0] =	wrdreg $0x60  }
0xae: {  	[dreg:$0x2] =	wrdreg s24  }
0xaf: {  	[dreg:$0x3] =	wrdreg $0x2A000  }
0xb0: {  	[dreg:$0x4] =	wrdreg $0x9  }
0xb1: {  	_ =	task.clear_ibuf [dreg:s6], $0x5FFFF;
	_ =	strace $0x90000055  }
0xb2: {  	s29 =	simm.s32 $0x9;
	_ =	strace $0x80000057  }
0xb3: {  	_ =	swait.ge [sflag:s29], $0x1  }
0xb4: {  	[sflag:s29] =	ssyncadd.s32 $0xFFFFFFFF  }
0xb5: {  	_ =	strace $0x90000057  }
0xb6: {  	_ =	sfence  }
0xb7: {  	s30 =	sld [smem:$0x0];
	_ =	sdelay $0x2  }
0xb8: {  	s31 =	sshll.u32 s1, $0xD;
	s1 =	sshrl.u32 s1, $0x2  }
0xb9: {  	s3 =	sand.u32 $0x4000, s31;
	s1 =	sadd.s32 s1, s30  }
0xba: {  	s0 =	sor.u32 s3, s0;
	s1 =	sshll.u32 s1, $0x11  }
0xbb: {  	s0 =	sor.u32 s1, s0  }
0xbc: {  	s0 =	sadd.s32 $0x8F2B, s0  }
0xbd: {  	[sflag:s0] =	ssyncadd.remote.s32 $0x1  }
0xbe: {  	_ =	sfence.sel $0xFFFF  }
0xbf: {  	[dreg:$0x0] =	wrdreg $0xFFFFFFFF;
	(pc) =	sbr.abs _section_cstart, $3  }
0xc0: {  	[dreg:$0x1] =	wrdreg $0xFFFFFFFF  }
0xc1: {  	_ =	task.clear_ibuf [dreg:s6], $0x2FFFF;
	_ =	strace $0x9FFFFFFF  }
0xc2: {  	(tm) =	ssettm $0x7FFFFFFF  }
0xc3: {  	_ =	shalt  }
tec
execute0_lowered:
.L_overlay_start_1:
0x0: {  	(tag) =	ssettag $0x1  }
0x1: {  	s19 =	rddreg [dreg:$0x0]  }
0x2: {  	s2 =	rddreg [dreg:$0x1]  }
0x3: {  	s0 =	rddreg [dreg:$0x2];
	s1 =	stileid.u32  }
0x4: {  	s4 =	srdreg.scid;
	s5 =	smul.u32 $0xF80, s1  }
0x5: {  	s3 =	simm.s32 $0x0;
	s18 =	sand.u32 $0x1, s4;
	s24 =	smul.u32 $0x1F000, s1  }
0x6: {  	[smem:$0x7FF] =	sst s3;
	s26 =	sshll.u32 s1, $0x6;
	s6 =	sshll.u32 s18, $0x4  }
0x7: {  	_ =	strace $0x80000056;
	s9 =	sor.u32 s1, s6;
	s4 =	sshrl.u32 s24, $0x2  }
0x8: {  	s5 =	sadd.s32 s5, s19;
	s6 =	simm.s32 $0x1;
	s25 =	sadd.s32 s4, s2  }
0x9: {  	s4 =	sadd.s32 $0x2E200, s5;
	s5 =	sor.u32 $0x1C01, s26;
	s7 =	sshrl.u32 s25, $0x3  }
0xa: {  	[spmem:s7], [sflag:s5] =	dma.local [hbm:s4], $0xF80  }
0xb: {  	s8 =	sshll.u32 s9, $0x6;
	_ =	swait.ge [sflag:s6], $0xF80  }
0xc: {  	s8 =	sadd.s32 s8, s19;
	[sflag:s6] =	ssyncset.done $0x0  }
0xd: {  	s8 =	sadd.s32 $0x8C600, s8;
	[sflag:s6] =	ssyncadd.s32 $0xFFFFF080  }
0xe: {  	[tilespmem:s3], [sflag:$0x1] =	stream.linear.gather [hbm4b:s8+s3], $0x200, $0x38;
	[tilespmem:$0xA600] =	vst v63  }
0xf: {  	s9 =	smul.u32 $0x1400, s9;
	_ =	swait.ge [sflag:s6], $0x200  }
0x10: {  	[sflag:s6] =	ssyncset.done $0x0  }
0x11: {  	s17 =	sadd.s32 s9, s19;
	[sflag:s6] =	ssyncadd.s32 $0xFFFFFE00  }
0x12: {  	s10 =	simm.s32 $0x200;
	s9 =	sadd.s32 $0x6200, s17;
	[bflag:$0x0] =	sbarrier.arrive $0xFFFF  }
0x13: {  	[tilespmem:s10], [sflag:$0x1] =	stream.linear.gather [hbm4b:s9+s3], $0x2800, $0x38;
	[tilespmem:$0xA600] =	vst v63  }
0x14: {  	_ =	swait.ge [sflag:s6], $0x2800  }
0x15: {  	[sflag:s6] =	ssyncset.done $0x0  }
0x16: {  	s11 =	simm.s32 $0x50;
	s12 =	simm.s32 $0x2;
	[sflag:s6] =	ssyncadd.s32 $0xFFFFD800  }
0x17: {  	[spmem:s2] =	stream.indirect.scatter.add.f32 [tilespmem:s10], [sflag:$0x2], $0x80, s3, s11, $0xb8;
	[tilespmem:$0xA600] =	vst v63  }
0x18: {  	_ =	swait.ge [sflag:s12], $0x2800  }
0x19: {  	[sflag:s12] =	ssyncset.done $0x0  }
0x1a: {  	s13 =	sadd.s32 $0x6700, s17;
	[sflag:s12] =	ssyncadd.s32 $0xFFFFD800  }
0x1b: {  	[tilespmem:s10], [sflag:$0x1] =	stream.linear.gather [hbm4b:s13+s3], $0x2800, $0x38;
	[tilespmem:$0xA600] =	vst v63  }
0x1c: {  	_ =	swait.ge [sflag:s6], $0x2800  }
0x1d: {  	[sflag:s6] =	ssyncset.done $0x0  }
0x1e: {  	s14 =	simm.s32 $0x80;
	[sflag:s6] =	ssyncadd.s32 $0xFFFFD800  }
0x1f: {  	[spmem:s2] =	stream.indirect.scatter.add.f32 [tilespmem:s10], [sflag:$0x2], $0x80, s14, s11, $0xb8;
	[tilespmem:$0xA600] =	vst v63  }
0x20: {  	_ =	swait.ge [sflag:s12], $0x2800  }
0x21: {  	[sflag:s12] =	ssyncset.done $0x0  }
0x22: {  	s15 =	sadd.s32 $0x6C00, s17;
	[sflag:s12] =	ssyncadd.s32 $0xFFFFD800  }
0x23: {  	[tilespmem:s10], [sflag:$0x1] =	stream.linear.gather [hbm4b:s15+s3], $0x2800, $0x38;
	[tilespmem:$0xA600] =	vst v63  }
0x24: {  	_ =	swait.ge [sflag:s6], $0x2800  }
0x25: {  	[sflag:s6] =	ssyncset.done $0x0  }
0x26: {  	s16 =	simm.s32 $0x100;
	s21 =	smul.u32 $0x7800, s1;
	[sflag:s6] =	ssyncadd.s32 $0xFFFFD800  }
0x27: {  	[spmem:s2] =	stream.indirect.scatter.add.f32 [tilespmem:s10], [sflag:$0x2], $0x80, s16, s11, $0xb8;
	[tilespmem:$0xA600] =	vst v63  }
0x28: {  	s22 =	smul.u32 $0x1E000, s1;
	_ =	swait.ge [sflag:s12], $0x2800  }
0x29: {  	s20 =	smul.u32 $0x78000, s18;
	[sflag:s12] =	ssyncset.done $0x0  }
0x2a: {  	s28 =	ssub.s32 $0x2, s18;
	s17 =	sadd.s32 $0x7100, s17;
	[sflag:s12] =	ssyncadd.s32 $0xFFFFD800  }
0x2b: {  	[tilespmem:s10], [sflag:$0x1] =	stream.linear.gather [hbm4b:s17+s3], $0x2800, $0x38;
	[tilespmem:$0xA600] =	vst v63  }
0x2c: {  	s18 =	simm.s32 $0x180;
	s20 =	sadd.s32 s21, s20;
	_ =	swait.ge [sflag:s6], $0x2800  }
0x2d: {  	s29 =	sshrl.u32 s28, $0x1;
	s20 =	sshrl.u32 s20, $0x3;
	[sflag:s6] =	ssyncset.done $0x0  }
0x2e: {  	s19 =	sadd.s32 s20, s19;
	s20 =	ssub.s32 s28, s29;
	[sflag:s6] =	ssyncadd.s32 $0xFFFFD800  }
0x2f: {  	[spmem:s2] =	stream.indirect.scatter.add.f32 [tilespmem:s10], [sflag:$0x2], $0x80, s18, s11, $0xb8;
	[tilespmem:$0xA600] =	vst v63  }
0x30: {  	s31 =	smax.u32 s20, $0x1;
	_ =	swait.ge [sflag:s12], $0x2800  }
0x31: {  	s30 =	sshrl.u32 s22, $0x2;
	p0 =	sne.s32 s31, $0x1;
	[sflag:s12] =	ssyncset.done $0x0  }
.Ltmp0:
0x32: {  	s21 =	sadd.s32 s30, s2;
	[sflag:s12] =	ssyncadd.s32 $0xFFFFD800;
	(pc) =	sbr.rel @!p0 .LBB2_2-.Ltmp0, $4  }
0x33: {  	s19 =	sadd.s32 $0x3DA00, s19;
	s20 =	sshrl.u32 s21, $0x3;
	[bflag:$0x0] =	sbarrier.arrive $0xFFFF  }
0x34: {  	[hbm:s19], [sflag:s5] =	dma.local [spmem:s20], $0xF00  }
0x35: {  	_ =	swait.ge [sflag:s6], $0xF00  }
0x36: {  	s21 =	sadd.s32 $0xFFFFFFFF, s31;
	[sflag:s6] =	ssyncset.done $0x0  }
.LBB2_1:
0x37: {  	p0 =	sne.s32 s21, $0x1;
	s21 =	sadd.s32 $0xFFFFFFFF, s21;
	[sflag:s6] =	ssyncadd.s32 $0xFFFFF100  }
0x38: {  	[spmem:s7], [sflag:s5] =	dma.local [hbm:s4], $0xF80  }
0x39: {  	_ =	swait.ge [sflag:s6], $0xF80  }
0x3a: {  	[sflag:s6] =	ssyncset.done $0x0  }
0x3b: {  	[sflag:s6] =	ssyncadd.s32 $0xFFFFF080  }
0x3c: {  	[tilespmem:s3], [sflag:$0x1] =	stream.linear.gather [hbm4b:s8+s3], $0x200, $0x38;
	[tilespmem:$0xA600] =	vst v63  }
0x3d: {  	_ =	swait.ge [sflag:s6], $0x200  }
0x3e: {  	[sflag:s6] =	ssyncset.done $0x0  }
0x3f: {  	[sflag:s6] =	ssyncadd.s32 $0xFFFFFE00  }
0x40: {  	[bflag:$0x0] =	sbarrier.arrive $0xFFFF  }
0x41: {  	[tilespmem:s10], [sflag:$0x1] =	stream.linear.gather [hbm4b:s9+s3], $0x2800, $0x38;
	[tilespmem:$0xA600] =	vst v63  }
0x42: {  	_ =	swait.ge [sflag:s6], $0x2800  }
0x43: {  	[sflag:s6] =	ssyncset.done $0x0  }
0x44: {  	[sflag:s6] =	ssyncadd.s32 $0xFFFFD800  }
0x45: {  	[spmem:s2] =	stream.indirect.scatter.add.f32 [tilespmem:s10], [sflag:$0x2], $0x80, s3, s11, $0xb8;
	[tilespmem:$0xA600] =	vst v63  }
0x46: {  	_ =	swait.ge [sflag:s12], $0x2800  }
0x47: {  	[sflag:s12] =	ssyncset.done $0x0  }
0x48: {  	[sflag:s12] =	ssyncadd.s32 $0xFFFFD800  }
0x49: {  	[tilespmem:s10], [sflag:$0x1] =	stream.linear.gather [hbm4b:s13+s3], $0x2800, $0x38;
	[tilespmem:$0xA600] =	vst v63  }
0x4a: {  	_ =	swait.ge [sflag:s6], $0x2800  }
0x4b: {  	[sflag:s6] =	ssyncset.done $0x0  }
0x4c: {  	[sflag:s6] =	ssyncadd.s32 $0xFFFFD800  }
0x4d: {  	[spmem:s2] =	stream.indirect.scatter.add.f32 [tilespmem:s10], [sflag:$0x2], $0x80, s14, s11, $0xb8;
	[tilespmem:$0xA600] =	vst v63  }
0x4e: {  	_ =	swait.ge [sflag:s12], $0x2800  }
0x4f: {  	[sflag:s12] =	ssyncset.done $0x0  }
0x50: {  	[sflag:s12] =	ssyncadd.s32 $0xFFFFD800  }
0x51: {  	[tilespmem:s10], [sflag:$0x1] =	stream.linear.gather [hbm4b:s15+s3], $0x2800, $0x38;
	[tilespmem:$0xA600] =	vst v63  }
0x52: {  	_ =	swait.ge [sflag:s6], $0x2800  }
0x53: {  	[sflag:s6] =	ssyncset.done $0x0  }
0x54: {  	[sflag:s6] =	ssyncadd.s32 $0xFFFFD800  }
0x55: {  	[spmem:s2] =	stream.indirect.scatter.add.f32 [tilespmem:s10], [sflag:$0x2], $0x80, s16, s11, $0xb8;
	[tilespmem:$0xA600] =	vst v63  }
0x56: {  	_ =	swait.ge [sflag:s12], $0x2800  }
0x57: {  	[sflag:s12] =	ssyncset.done $0x0  }
0x58: {  	[sflag:s12] =	ssyncadd.s32 $0xFFFFD800  }
0x59: {  	[tilespmem:s10], [sflag:$0x1] =	stream.linear.gather [hbm4b:s17+s3], $0x2800, $0x38;
	[tilespmem:$0xA600] =	vst v63  }
0x5a: {  	_ =	swait.ge [sflag:s6], $0x2800  }
0x5b: {  	[sflag:s6] =	ssyncset.done $0x0  }
0x5c: {  	[sflag:s6] =	ssyncadd.s32 $0xFFFFD800  }
0x5d: {  	[spmem:s2] =	stream.indirect.scatter.add.f32 [tilespmem:s10], [sflag:$0x2], $0x80, s18, s11, $0xb8;
	[tilespmem:$0xA600] =	vst v63  }
0x5e: {  	_ =	swait.ge [sflag:s12], $0x2800  }
0x5f: {  	[sflag:s12] =	ssyncset.done $0x0  }
.Ltmp1:
0x60: {  	[sflag:s12] =	ssyncadd.s32 $0xFFFFD800;
	(pc) =	sbr.rel @p0 .LBB2_1-.Ltmp1, $4  }
0x61: {  	[bflag:$0x0] =	sbarrier.arrive $0xFFFF  }
0x62: {  	[hbm:s19], [sflag:s5] =	dma.local [spmem:s20], $0xF00  }
0x63: {  	_ =	swait.ge [sflag:s6], $0xF00  }
0x64: {  	[sflag:s6] =	ssyncset.done $0x0  }
.LBB2_2:
0x65: {  	[sflag:s6] =	ssyncadd.s32 $0xFFFFF100  }
0x66: {  	_ =	sfence.sel $0x180000  }
0x67: {  	[bflag:$0x0] =	sbarrier.arrive $0xFFFF  }
0x68: {  	p0 =	sne.s32 s1, $0x0;
	_ =	strace $0x90000056  }
0x69: {  	s0 =	sadd.s32 @!p0 $0x100000, s0;
	[bflag:$0x2] =	sbarrier.arrive $0xFFFF  }
0x6a: {  	[sflag:s0] =	ssyncadd.tile.s32 @!p0 $0x1;
	_ =	shalt  }
.Lfunc_end2:
_tile_overlayer_lowered:
.L_overlay_start_2:
0x6b: {  	(tag) =	ssettag $0x2  }
0x6c: {  	s0 =	rddreg [dreg:$0x0];
	s2 =	stileid.u32  }
0x6d: {  	s1 =	rddreg [dreg:$0x1];
	p0 =	sne.s32 s2, $0x0  }
0x6e: {  	s3 =	rddreg [dreg:$0x2];
	[bflag:$0x3] =	sbarrier.arrive $0xFFFF;
	s2 =	simm.s32 @!p0 $0x1C02  }
0x6f: {  	[timem:s3], [sflag:s2] =	dma.local @!p0 [hbm:s0], s1  }
0x70: {  	s0 =	simm.s32 @!p0 $0x2  }
0x71: {  	_ =	swait.ge @!p0 [sflag:s0], s1  }
0x72: {  	s1 =	ssub.s32 @!p0 $0x0, s1;
	[sflag:s0] =	ssyncset.done @!p0 $0x0  }
0x73: {  	[sflag:s0] =	ssyncadd.s32 @!p0 s1  }
0x74: {  	[bflag:$0x3] =	sbarrier.arrive $0xFFFF  }
0x75: {  	_ =	shalt  }

</sc_bundles>
